<compile_context>
chip_gen: v7x
topology: tpu7x:2x2x1
jax: 0.10.2.dev20260603
libtpu: 0.0.44.dev20260713+nightly
codegen_flags: <defaults>
</compile_context>

<pallas_src>
import functools

import jax
import jax.numpy as jnp
from jax import lax
from jax.experimental import pallas as pl
from jax.experimental.pallas import tpu as pltpu
from jax.experimental.pallas import tpu_sc as plsc

BATCH = 16384
HIST = 200
EMBED = 32
VOCAB = 1000000

NUM_CORES = 2
NUM_SUBCORES = 16
NUM_WORKERS = NUM_CORES * NUM_SUBCORES
BI = 128
NBB = BATCH // BI
BB_PER_W = NBB // NUM_WORKERS
EB = 4
EI = 8
NB = 4
GROUPS = HIST * BB_PER_W


def _build_neg_mean():
  mesh = plsc.VectorSubcoreMesh(core_axis_name="c", subcore_axis_name="s")

  @functools.partial(
      pl.kernel,
      mesh=mesh,
      out_type=jax.ShapeDtypeStruct((NBB, BI), jnp.float32),
      compiler_params=pltpu.CompilerParams(
          needs_layout_passes=False, use_tc_tiling_on_sc=False),
      scratch_types=[
          pltpu.VMEM((HIST, BI), jnp.float32),
          pltpu.VMEM((BB_PER_W, BI), jnp.float32),
      ],
  )
  def neg_mean(x5_hbm, nm_hbm, stage_v, nmean_v):
    wid = lax.axis_index("s") * NUM_CORES + lax.axis_index("c")
    bb0 = wid * BB_PER_W

    for k in range(BB_PER_W):
      pltpu.sync_copy(x5_hbm.at[:, bb0 + k, 1, :], stage_v)

      def accum(l, accs):
        return tuple(accs[j] + stage_v[l, pl.ds(j * 16, 16)]
                     for j in range(BI // 16))

      accs = lax.fori_loop(
          0, HIST, accum,
          tuple(jnp.zeros((16,), jnp.float32) for _ in range(BI // 16)))
      for j in range(BI // 16):
        nmean_v[k, pl.ds(j * 16, 16)] = accs[j] * (-1.0 / HIST)

    pltpu.sync_copy(nmean_v, nm_hbm.at[pl.ds(bb0, BB_PER_W)])

  return neg_mean


def _build_gather_add():
  mesh = plsc.VectorSubcoreMesh(core_axis_name="c", subcore_axis_name="s")

  @functools.partial(
      pl.kernel,
      mesh=mesh,
      out_type=jax.ShapeDtypeStruct((HIST, EB, NBB, EI, BI), jnp.float32),
      compiler_params=pltpu.CompilerParams(
          needs_layout_passes=False, use_tc_tiling_on_sc=False),
      scratch_types=[
          pltpu.VMEM((NB, BI), jnp.float32),
          pltpu.VMEM((NB, 2, BI), jnp.float32),
          pltpu.VMEM((NB, BI), jnp.int32),
          pltpu.VMEM((NB, BI, EMBED), jnp.float32),
          pltpu.VMEM((NB, BI * (EMBED + 1)), jnp.float32),
          pltpu.VMEM((NB, EB, EI, BI), jnp.float32),
          pltpu.SemaphoreType.DMA((NB,)),
          pltpu.SemaphoreType.DMA((NB,)),
          pltpu.SemaphoreType.DMA((NB,)),
      ],
  )
  def gather_add(table_hbm, x5_hbm, nm_hbm, out_hbm, nmean_v, io_v, idx_v,
                 rows_v, rowsp_v, tr_v, io_sem, gather_sem, out_sem):

    wid = lax.axis_index("s") * NUM_CORES + lax.axis_index("c")
    bb0 = wid * BB_PER_W

    pltpu.sync_copy(nm_hbm.at[pl.ds(bb0, BB_PER_W)], nmean_v)

    def issue_io(g):
      pltpu.async_copy(x5_hbm.at[g // NB, bb0 + (g % NB)], io_v.at[g % NB],
                       io_sem.at[g % NB])

    def wait_io(g):
      pltpu.make_async_copy(x5_hbm.at[g // NB, bb0 + (g % NB)],
                            io_v.at[g % NB], io_sem.at[g % NB]).wait()

    for b in range(NB):
      issue_io(b)
    wait_io(0)
    for j in range(BI // 16):
      idx_v[0, pl.ds(j * 16, 16)] = io_v[0, 0, pl.ds(j * 16, 16)].astype(
          jnp.int32) * 4
    pltpu.async_copy(table_hbm.at[idx_v.at[0]],
                     rows_v.at[0], gather_sem.at[0])

    lane16 = lax.iota(jnp.int32, 16)

    def pipe(g, carry):
      p = g % NB
      pn = (g + 1) % NB

      @pl.when(g < GROUPS - 1)
      def _():
        wait_io(g + 1)
        for j in range(BI // 16):
          idx_v[pn, pl.ds(j * 16, 16)] = io_v[pn, 0,
                                              pl.ds(j * 16, 16)].astype(
                                                  jnp.int32) * 4

        @pl.when(g + 1 >= NB)
        def _():
          pltpu.make_async_copy(tr_v.at[pn],
                                out_hbm.at[(g + 1 - NB) // NB, :,
                                           bb0 + pn],
                                out_sem.at[pn]).wait()

        pltpu.async_copy(table_hbm.at[idx_v.at[pn]],
                         rows_v.at[pn], gather_sem.at[pn])

      pltpu.make_async_copy(table_hbm.at[idx_v.at[p]],
                            rows_v.at[p], gather_sem.at[p]).wait()

      avs = tuple(io_v[p, 1, pl.ds(j * 16, 16)] + nmean_v[p,
                                                          pl.ds(j * 16, 16)]
                  for j in range(BI // 16))

      @pl.when(g + NB < GROUPS)
      def _():
        issue_io(g + NB)

      rp = rows_v.at[p]
      rpp = rowsp_v.at[p]

      @plsc.parallel_loop(0, BI, unroll=16)
      def repitch(r):
        rpp[pl.ds(r * (EMBED + 1), 16)] = rp[r, pl.ds(0, 16)]
        rpp[pl.ds(r * (EMBED + 1) + 16, 16)] = rp[r, pl.ds(16, 16)]

      rowvs = tuple(lane16 * (EMBED + 1) + (j * 16 * (EMBED + 1))
                    for j in range(BI // 16))
      tpf = tr_v.at[p]

      @plsc.parallel_loop(0, EB * EI, unroll=8)
      def col_write(col):
        colv = jnp.full((16,), col, jnp.int32)
        eb = col // EI
        ei = col % EI
        for j in range(BI // 16):
          vals = plsc.load_gather(rpp, [rowvs[j] + colv]) + avs[j]
          tpf[eb, ei, pl.ds(j * 16, 16)] = vals

      pltpu.async_copy(tr_v.at[p], out_hbm.at[g // NB, :, bb0 + p],
                       out_sem.at[p])
      return carry

    lax.fori_loop(0, GROUPS, pipe, 0)

    for b in range(NB):
      pltpu.make_async_copy(tr_v.at[b],
                            out_hbm.at[(GROUPS - NB + b) // NB, :, bb0 + b],
                            out_sem.at[b]).wait()

  return gather_add


_neg_mean = _build_neg_mean()
_gather_add = _build_gather_add()


def kernel(x, table):
  x5 = x.transpose(1, 0, 2).reshape(HIST, NBB, BI, 2).transpose(0, 1, 3, 2)
  tblp = jnp.pad(table, ((0, 0), (0, 128 - EMBED))).reshape(4 * VOCAB, EMBED)
  nm = _neg_mean(x5)
  out5 = _gather_add(tblp, x5, nm)
  return out5.transpose(2, 4, 0, 1, 3).reshape(BATCH, HIST, EMBED)

# --- scband reference (transcript-rebuilt; emitter-appended) ---
"""Pipeline reference for scband-custom-duration-embedding-add-norm-50672024158456 (READ-ONLY COPY).

The authoritative reference and input builder live on the scoring server;
editing this copy changes nothing except your own understanding.
"""

import jax, jax.numpy as jnp
import numpy as np

BATCH = 16384
HIST = 200
VOCAB = 1000000
EMBED = 32

def setup_inputs(seed: int = 0) -> dict:
    key = jax.random.key(seed)
    k_idx, k_dur, k_tab = jax.random.split(key, 3)
    # channel 0: activity ids stored as floats (module casts with .int())
    idx = jax.random.randint(k_idx, (BATCH, HIST), 0, VOCAB).astype(jnp.float32)
    # channel 1: continuous durations
    dur = jax.random.normal(k_dur, (BATCH, HIST), dtype=jnp.float32)
    x = jnp.stack([idx, dur], axis=-1)  # [B, L, 2]
    table = jax.random.normal(k_tab, (VOCAB, EMBED), dtype=jnp.float32) * 0.02
    return {"x": x, "table": table}

def reference(x, table):
    # torch.split(x, [1,1], dim=-1)
    idx = x[..., 0].astype(jnp.int32)                 # [B, L]
    emb = jnp.take(table, idx, axis=0)                # [B, L, H] (squeeze(-2) of [B,L,1,H])
    dur = x[..., 1:2]                                 # [B, L, 1]
    # durations - durations.mean(dim=-2)[:, :, None]
    dur = dur - jnp.mean(dur, axis=-2)[:, :, None]    # [B,L,1] - [B,1,1]
    # dropout is identity in eval mode
    return emb + dur

if __name__ == "__main__":
    import jax
    _d = setup_inputs()
    print(jax.jit(kernel)(*tuple(_d.values())))

</pallas_src>

<mosaic_0001>
#map = affine_map<(d0, d1) -> (0, 0)>
#map1 = affine_map<(d0, d1) -> (0, 0, 0, 0)>
#map2 = affine_map<(d0, d1) -> (0, 0, 0, 0, 0)>
module attributes {stable_mosaic.version = 14 : i64} {
  func.func @gather_add(%arg0: i32, %arg1: i32, %arg2: memref<4000000x32xf32, #tpu.memory_space<hbm>>, %arg3: memref<200x128x2x128xf32, #tpu.memory_space<hbm>>, %arg4: memref<128x128xf32, #tpu.memory_space<hbm>>, %arg5: memref<200x4x128x8x128xf32, #tpu.memory_space<hbm>>, %arg6: memref<4x128xf32, #tpu.memory_space<vmem>>, %arg7: memref<4x2x128xf32, #tpu.memory_space<vmem>>, %arg8: memref<4x128xi32, #tpu.memory_space<vmem>>, %arg9: memref<4x128x32xf32, #tpu.memory_space<vmem>>, %arg10: memref<4x4224xf32, #tpu.memory_space<vmem>>, %arg11: memref<4x4x8x128xf32, #tpu.memory_space<vmem>>, %arg12: memref<4x!tpu.dma_semaphore, #tpu.memory_space<semaphore_mem>>, %arg13: memref<4x!tpu.dma_semaphore, #tpu.memory_space<semaphore_mem>>, %arg14: memref<4x!tpu.dma_semaphore, #tpu.memory_space<semaphore_mem>>) attributes {dimension_semantics = [#tpu.dimension_semantics<core_parallel>, #tpu.dimension_semantics<subcore_parallel>], iteration_bounds = array<i64: 2, 16>, scalar_prefetch = 0 : i64, scratch_operands = 9 : i64, tpu.core_type = #tpu.core_type<sc_vector_subcore>, window_params = [{transform_indices = #map}, {transform_indices = #map1}, {transform_indices = #map}, {transform_indices = #map2}]} {
    %mul3A = arith.constant 2 : i32
    %mul3A_0 = arith.muli %arg1, %mul3A : i32
    %add3A = arith.addi %mul3A_0, %arg0 : i32
    %mul3A_1 = arith.constant 4 : i32
    %mul3A_2 = arith.muli %add3A, %mul3A_1 : i32
    "tpu.region"() ({
      %run_scoped3A = tpu.sem_alloc : memref<!tpu.dma_semaphore, #tpu.memory_space<semaphore_mem>>
      %dma_start3A_353 = arith.constant 0 : i32
      %dma_start3A_354 = tpu.memref_slice %arg4[%mul3A_2, %dma_start3A_353] : memref<128x128xf32, #tpu.memory_space<hbm>> -> memref<4x128xf32, #tpu.memory_space<hbm>>
      %dma_start3A_355 = arith.constant 0 : i32
      %dma_start3A_356 = tpu.memref_slice %arg4[%mul3A_2, %dma_start3A_355] : memref<128x128xf32, #tpu.memory_space<hbm>> -> memref<4x128xf32, #tpu.memory_space<hbm>>
      tpu.enqueue_dma source(%dma_start3A_356 : memref<4x128xf32, #tpu.memory_space<hbm>>) target(%arg6 : memref<4x128xf32, #tpu.memory_space<vmem>>) target_semaphore(%run_scoped3A : memref<!tpu.dma_semaphore, #tpu.memory_space<semaphore_mem>>)
      %dma_wait3A_357 = arith.constant 0 : i32
      %dma_wait3A_358 = tpu.memref_slice %arg4[%mul3A_2, %dma_wait3A_357] : memref<128x128xf32, #tpu.memory_space<hbm>> -> memref<4x128xf32, #tpu.memory_space<hbm>>
      %dma_wait3A_359 = arith.constant 0 : i32
      %dma_wait3A_360 = tpu.memref_slice %arg4[%mul3A_2, %dma_wait3A_359] : memref<128x128xf32, #tpu.memory_space<hbm>> -> memref<4x128xf32, #tpu.memory_space<hbm>>
      tpu.wait_dma2 semaphore(%run_scoped3A : memref<!tpu.dma_semaphore, #tpu.memory_space<semaphore_mem>>) src(%dma_wait3A_360 : memref<4x128xf32, #tpu.memory_space<hbm>>) dst(%arg6 : memref<4x128xf32, #tpu.memory_space<vmem>>)
      tpu.yield
    }) : () -> ()
    %add3A_3 = arith.constant 0 : i32
    %add3A_4 = arith.addi %mul3A_2, %add3A_3 : i32
    %dma_start3A = arith.constant 0 : i32
    %dma_start3A_5 = arith.constant 0 : i32
    %dma_start3A_6 = arith.constant 0 : i32
    %dma_start3A_7 = arith.constant 0 : i32
    %dma_start3A_8 = arith.constant 0 : i32
    %dma_start3A_9 = tpu.memref_slice %arg7[%dma_start3A_5, %dma_start3A_7, %dma_start3A_8] : memref<4x2x128xf32, #tpu.memory_space<vmem>> -> memref<1x2x128xf32, #tpu.memory_space<vmem>>
    %dma_start3A_10 = tpu.memref_squeeze %dma_start3A_9 : memref<1x2x128xf32, #tpu.memory_space<vmem>> -> memref<2x128xf32, #tpu.memory_space<vmem>>
    %dma_start3A_11 = arith.constant 0 : i32
    %dma_start3A_12 = arith.constant 0 : i32
    %dma_start3A_13 = tpu.memref_slice %arg3[%dma_start3A, %add3A_4, %dma_start3A_11, %dma_start3A_12] : memref<200x128x2x128xf32, #tpu.memory_space<hbm>> -> memref<1x1x2x128xf32, #tpu.memory_space<hbm>>
    %dma_start3A_14 = tpu.memref_squeeze %dma_start3A_13 : memref<1x1x2x128xf32, #tpu.memory_space<hbm>> -> memref<2x128xf32, #tpu.memory_space<hbm>>
    %dma_start3A_15 = tpu.memref_slice %arg12[%dma_start3A_6] : memref<4x!tpu.dma_semaphore, #tpu.memory_space<semaphore_mem>> -> memref<1x!tpu.dma_semaphore, #tpu.memory_space<semaphore_mem>>
    %dma_start3A_16 = tpu.memref_squeeze %dma_start3A_15 : memref<1x!tpu.dma_semaphore, #tpu.memory_space<semaphore_mem>> -> memref<!tpu.dma_semaphore, #tpu.memory_space<semaphore_mem>>
    %dma_start3A_17 = arith.constant 0 : i32
    %dma_start3A_18 = arith.constant 0 : i32
    %dma_start3A_19 = tpu.memref_slice %arg7[%dma_start3A_5, %dma_start3A_17, %dma_start3A_18] : memref<4x2x128xf32, #tpu.memory_space<vmem>> -> memref<1x2x128xf32, #tpu.memory_space<vmem>>
    %dma_start3A_20 = tpu.memref_squeeze %dma_start3A_19 : memref<1x2x128xf32, #tpu.memory_space<vmem>> -> memref<2x128xf32, #tpu.memory_space<vmem>>
    %dma_start3A_21 = arith.constant 0 : i32
    %dma_start3A_22 = arith.constant 0 : i32
    %dma_start3A_23 = tpu.memref_slice %arg3[%dma_start3A, %add3A_4, %dma_start3A_21, %dma_start3A_22] : memref<200x128x2x128xf32, #tpu.memory_space<hbm>> -> memref<1x1x2x128xf32, #tpu.memory_space<hbm>>
    %dma_start3A_24 = tpu.memref_squeeze %dma_start3A_23 : memref<1x1x2x128xf32, #tpu.memory_space<hbm>> -> memref<2x128xf32, #tpu.memory_space<hbm>>
    tpu.enqueue_dma source(%dma_start3A_24 : memref<2x128xf32, #tpu.memory_space<hbm>>) target(%dma_start3A_20 : memref<2x128xf32, #tpu.memory_space<vmem>>) target_semaphore(%dma_start3A_16 : memref<!tpu.dma_semaphore, #tpu.memory_space<semaphore_mem>>)
    %add3A_25 = arith.constant 1 : i32
    %add3A_26 = arith.addi %mul3A_2, %add3A_25 : i32
    %dma_start3A_27 = arith.constant 0 : i32
    %dma_start3A_28 = arith.constant 1 : i32
    %dma_start3A_29 = arith.constant 1 : i32
    %dma_start3A_30 = arith.constant 0 : i32
    %dma_start3A_31 = arith.constant 0 : i32
    %dma_start3A_32 = tpu.memref_slice %arg7[%dma_start3A_28, %dma_start3A_30, %dma_start3A_31] : memref<4x2x128xf32, #tpu.memory_space<vmem>> -> memref<1x2x128xf32, #tpu.memory_space<vmem>>
    %dma_start3A_33 = tpu.memref_squeeze %dma_start3A_32 : memref<1x2x128xf32, #tpu.memory_space<vmem>> -> memref<2x128xf32, #tpu.memory_space<vmem>>
    %dma_start3A_34 = arith.constant 0 : i32
    %dma_start3A_35 = arith.constant 0 : i32
    %dma_start3A_36 = tpu.memref_slice %arg3[%dma_start3A_27, %add3A_26, %dma_start3A_34, %dma_start3A_35] : memref<200x128x2x128xf32, #tpu.memory_space<hbm>> -> memref<1x1x2x128xf32, #tpu.memory_space<hbm>>
    %dma_start3A_37 = tpu.memref_squeeze %dma_start3A_36 : memref<1x1x2x128xf32, #tpu.memory_space<hbm>> -> memref<2x128xf32, #tpu.memory_space<hbm>>
    %dma_start3A_38 = tpu.memref_slice %arg12[%dma_start3A_29] : memref<4x!tpu.dma_semaphore, #tpu.memory_space<semaphore_mem>> -> memref<1x!tpu.dma_semaphore, #tpu.memory_space<semaphore_mem>>
    %dma_start3A_39 = tpu.memref_squeeze %dma_start3A_38 : memref<1x!tpu.dma_semaphore, #tpu.memory_space<semaphore_mem>> -> memref<!tpu.dma_semaphore, #tpu.memory_space<semaphore_mem>>
    %dma_start3A_40 = arith.constant 0 : i32
    %dma_start3A_41 = arith.constant 0 : i32
    %dma_start3A_42 = tpu.memref_slice %arg7[%dma_start3A_28, %dma_start3A_40, %dma_start3A_41] : memref<4x2x128xf32, #tpu.memory_space<vmem>> -> memref<1x2x128xf32, #tpu.memory_space<vmem>>
    %dma_start3A_43 = tpu.memref_squeeze %dma_start3A_42 : memref<1x2x128xf32, #tpu.memory_space<vmem>> -> memref<2x128xf32, #tpu.memory_space<vmem>>
    %dma_start3A_44 = arith.constant 0 : i32
    %dma_start3A_45 = arith.constant 0 : i32
    %dma_start3A_46 = tpu.memref_slice %arg3[%dma_start3A_27, %add3A_26, %dma_start3A_44, %dma_start3A_45] : memref<200x128x2x128xf32, #tpu.memory_space<hbm>> -> memref<1x1x2x128xf32, #tpu.memory_space<hbm>>
    %dma_start3A_47 = tpu.memref_squeeze %dma_start3A_46 : memref<1x1x2x128xf32, #tpu.memory_space<hbm>> -> memref<2x128xf32, #tpu.memory_space<hbm>>
    tpu.enqueue_dma source(%dma_start3A_47 : memref<2x128xf32, #tpu.memory_space<hbm>>) target(%dma_start3A_43 : memref<2x128xf32, #tpu.memory_space<vmem>>) target_semaphore(%dma_start3A_39 : memref<!tpu.dma_semaphore, #tpu.memory_space<semaphore_mem>>)
    %add3A_48 = arith.constant 2 : i32
    %add3A_49 = arith.addi %mul3A_2, %add3A_48 : i32
    %dma_start3A_50 = arith.constant 0 : i32
    %dma_start3A_51 = arith.constant 2 : i32
    %dma_start3A_52 = arith.constant 2 : i32
    %dma_start3A_53 = arith.constant 0 : i32
    %dma_start3A_54 = arith.constant 0 : i32
    %dma_start3A_55 = tpu.memref_slice %arg7[%dma_start3A_51, %dma_start3A_53, %dma_start3A_54] : memref<4x2x128xf32, #tpu.memory_space<vmem>> -> memref<1x2x128xf32, #tpu.memory_space<vmem>>
    %dma_start3A_56 = tpu.memref_squeeze %dma_start3A_55 : memref<1x2x128xf32, #tpu.memory_space<vmem>> -> memref<2x128xf32, #tpu.memory_space<vmem>>
    %dma_start3A_57 = arith.constant 0 : i32
    %dma_start3A_58 = arith.constant 0 : i32
    %dma_start3A_59 = tpu.memref_slice %arg3[%dma_start3A_50, %add3A_49, %dma_start3A_57, %dma_start3A_58] : memref<200x128x2x128xf32, #tpu.memory_space<hbm>> -> memref<1x1x2x128xf32, #tpu.memory_space<hbm>>
    %dma_start3A_60 = tpu.memref_squeeze %dma_start3A_59 : memref<1x1x2x128xf32, #tpu.memory_space<hbm>> -> memref<2x128xf32, #tpu.memory_space<hbm>>
    %dma_start3A_61 = tpu.memref_slice %arg12[%dma_start3A_52] : memref<4x!tpu.dma_semaphore, #tpu.memory_space<semaphore_mem>> -> memref<1x!tpu.dma_semaphore, #tpu.memory_space<semaphore_mem>>
    %dma_start3A_62 = tpu.memref_squeeze %dma_start3A_61 : memref<1x!tpu.dma_semaphore, #tpu.memory_space<semaphore_mem>> -> memref<!tpu.dma_semaphore, #tpu.memory_space<semaphore_mem>>
    %dma_start3A_63 = arith.constant 0 : i32
    %dma_start3A_64 = arith.constant 0 : i32
    %dma_start3A_65 = tpu.memref_slice %arg7[%dma_start3A_51, %dma_start3A_63, %dma_start3A_64] : memref<4x2x128xf32, #tpu.memory_space<vmem>> -> memref<1x2x128xf32, #tpu.memory_space<vmem>>
    %dma_start3A_66 = tpu.memref_squeeze %dma_start3A_65 : memref<1x2x128xf32, #tpu.memory_space<vmem>> -> memref<2x128xf32, #tpu.memory_space<vmem>>
    %dma_start3A_67 = arith.constant 0 : i32
    %dma_start3A_68 = arith.constant 0 : i32
    %dma_start3A_69 = tpu.memref_slice %arg3[%dma_start3A_50, %add3A_49, %dma_start3A_67, %dma_start3A_68] : memref<200x128x2x128xf32, #tpu.memory_space<hbm>> -> memref<1x1x2x128xf32, #tpu.memory_space<hbm>>
    %dma_start3A_70 = tpu.memref_squeeze %dma_start3A_69 : memref<1x1x2x128xf32, #tpu.memory_space<hbm>> -> memref<2x128xf32, #tpu.memory_space<hbm>>
    tpu.enqueue_dma source(%dma_start3A_70 : memref<2x128xf32, #tpu.memory_space<hbm>>) target(%dma_start3A_66 : memref<2x128xf32, #tpu.memory_space<vmem>>) target_semaphore(%dma_start3A_62 : memref<!tpu.dma_semaphore, #tpu.memory_space<semaphore_mem>>)
    %add3A_71 = arith.constant 3 : i32
    %add3A_72 = arith.addi %mul3A_2, %add3A_71 : i32
    %dma_start3A_73 = arith.constant 0 : i32
    %dma_start3A_74 = arith.constant 3 : i32
    %dma_start3A_75 = arith.constant 3 : i32
    %dma_start3A_76 = arith.constant 0 : i32
    %dma_start3A_77 = arith.constant 0 : i32
    %dma_start3A_78 = tpu.memref_slice %arg7[%dma_start3A_74, %dma_start3A_76, %dma_start3A_77] : memref<4x2x128xf32, #tpu.memory_space<vmem>> -> memref<1x2x128xf32, #tpu.memory_space<vmem>>
    %dma_start3A_79 = tpu.memref_squeeze %dma_start3A_78 : memref<1x2x128xf32, #tpu.memory_space<vmem>> -> memref<2x128xf32, #tpu.memory_space<vmem>>
    %dma_start3A_80 = arith.constant 0 : i32
    %dma_start3A_81 = arith.constant 0 : i32
    %dma_start3A_82 = tpu.memref_slice %arg3[%dma_start3A_73, %add3A_72, %dma_start3A_80, %dma_start3A_81] : memref<200x128x2x128xf32, #tpu.memory_space<hbm>> -> memref<1x1x2x128xf32, #tpu.memory_space<hbm>>
    %dma_start3A_83 = tpu.memref_squeeze %dma_start3A_82 : memref<1x1x2x128xf32, #tpu.memory_space<hbm>> -> memref<2x128xf32, #tpu.memory_space<hbm>>
    %dma_start3A_84 = tpu.memref_slice %arg12[%dma_start3A_75] : memref<4x!tpu.dma_semaphore, #tpu.memory_space<semaphore_mem>> -> memref<1x!tpu.dma_semaphore, #tpu.memory_space<semaphore_mem>>
    %dma_start3A_85 = tpu.memref_squeeze %dma_start3A_84 : memref<1x!tpu.dma_semaphore, #tpu.memory_space<semaphore_mem>> -> memref<!tpu.dma_semaphore, #tpu.memory_space<semaphore_mem>>
    %dma_start3A_86 = arith.constant 0 : i32
    %dma_start3A_87 = arith.constant 0 : i32
    %dma_start3A_88 = tpu.memref_slice %arg7[%dma_start3A_74, %dma_start3A_86, %dma_start3A_87] : memref<4x2x128xf32, #tpu.memory_space<vmem>> -> memref<1x2x128xf32, #tpu.memory_space<vmem>>
    %dma_start3A_89 = tpu.memref_squeeze %dma_start3A_88 : memref<1x2x128xf32, #tpu.memory_space<vmem>> -> memref<2x128xf32, #tpu.memory_space<vmem>>
    %dma_start3A_90 = arith.constant 0 : i32
    %dma_start3A_91 = arith.constant 0 : i32
    %dma_start3A_92 = tpu.memref_slice %arg3[%dma_start3A_73, %add3A_72, %dma_start3A_90, %dma_start3A_91] : memref<200x128x2x128xf32, #tpu.memory_space<hbm>> -> memref<1x1x2x128xf32, #tpu.memory_space<hbm>>
    %dma_start3A_93 = tpu.memref_squeeze %dma_start3A_92 : memref<1x1x2x128xf32, #tpu.memory_space<hbm>> -> memref<2x128xf32, #tpu.memory_space<hbm>>
    tpu.enqueue_dma source(%dma_start3A_93 : memref<2x128xf32, #tpu.memory_space<hbm>>) target(%dma_start3A_89 : memref<2x128xf32, #tpu.memory_space<vmem>>) target_semaphore(%dma_start3A_85 : memref<!tpu.dma_semaphore, #tpu.memory_space<semaphore_mem>>)
    %add3A_94 = arith.constant 0 : i32
    %add3A_95 = arith.addi %mul3A_2, %add3A_94 : i32
    %dma_wait3A = arith.constant 0 : i32
    %dma_wait3A_96 = arith.constant 0 : i32
    %dma_wait3A_97 = arith.constant 0 : i32
    %dma_wait3A_98 = arith.constant 0 : i32
    %dma_wait3A_99 = arith.constant 0 : i32
    %dma_wait3A_100 = tpu.memref_slice %arg7[%dma_wait3A_96, %dma_wait3A_98, %dma_wait3A_99] : memref<4x2x128xf32, #tpu.memory_space<vmem>> -> memref<1x2x128xf32, #tpu.memory_space<vmem>>
    %dma_wait3A_101 = tpu.memref_squeeze %dma_wait3A_100 : memref<1x2x128xf32, #tpu.memory_space<vmem>> -> memref<2x128xf32, #tpu.memory_space<vmem>>
    %dma_wait3A_102 = arith.constant 0 : i32
    %dma_wait3A_103 = arith.constant 0 : i32
    %dma_wait3A_104 = tpu.memref_slice %arg3[%dma_wait3A, %add3A_95, %dma_wait3A_102, %dma_wait3A_103] : memref<200x128x2x128xf32, #tpu.memory_space<hbm>> -> memref<1x1x2x128xf32, #tpu.memory_space<hbm>>
    %dma_wait3A_105 = tpu.memref_squeeze %dma_wait3A_104 : memref<1x1x2x128xf32, #tpu.memory_space<hbm>> -> memref<2x128xf32, #tpu.memory_space<hbm>>
    %dma_wait3A_106 = tpu.memref_slice %arg12[%dma_wait3A_97] : memref<4x!tpu.dma_semaphore, #tpu.memory_space<semaphore_mem>> -> memref<1x!tpu.dma_semaphore, #tpu.memory_space<semaphore_mem>>
    %dma_wait3A_107 = tpu.memref_squeeze %dma_wait3A_106 : memref<1x!tpu.dma_semaphore, #tpu.memory_space<semaphore_mem>> -> memref<!tpu.dma_semaphore, #tpu.memory_space<semaphore_mem>>
    %dma_wait3A_108 = arith.constant 0 : i32
    %dma_wait3A_109 = arith.constant 0 : i32
    %dma_wait3A_110 = tpu.memref_slice %arg7[%dma_wait3A_96, %dma_wait3A_108, %dma_wait3A_109] : memref<4x2x128xf32, #tpu.memory_space<vmem>> -> memref<1x2x128xf32, #tpu.memory_space<vmem>>
    %dma_wait3A_111 = tpu.memref_squeeze %dma_wait3A_110 : memref<1x2x128xf32, #tpu.memory_space<vmem>> -> memref<2x128xf32, #tpu.memory_space<vmem>>
    %dma_wait3A_112 = arith.constant 0 : i32
    %dma_wait3A_113 = arith.constant 0 : i32
    %dma_wait3A_114 = tpu.memref_slice %arg3[%dma_wait3A, %add3A_95, %dma_wait3A_112, %dma_wait3A_113] : memref<200x128x2x128xf32, #tpu.memory_space<hbm>> -> memref<1x1x2x128xf32, #tpu.memory_space<hbm>>
    %dma_wait3A_115 = tpu.memref_squeeze %dma_wait3A_114 : memref<1x1x2x128xf32, #tpu.memory_space<hbm>> -> memref<2x128xf32, #tpu.memory_space<hbm>>
    tpu.wait_dma2 semaphore(%dma_wait3A_107 : memref<!tpu.dma_semaphore, #tpu.memory_space<semaphore_mem>>) src(%dma_wait3A_115 : memref<2x128xf32, #tpu.memory_space<hbm>>) dst(%dma_wait3A_111 : memref<2x128xf32, #tpu.memory_space<vmem>>)
    %get3A = arith.constant 0 : i32
    %get3A_116 = arith.constant 0 : i32
    %get3A_117 = arith.index_cast %get3A : i32 to index
    %get3A_118 = arith.index_cast %get3A_116 : i32 to index
    %get3A_119 = arith.constant 0 : index
    %get3A_120 = tpu.vector_load %arg7[%get3A_117, %get3A_118, %get3A_119] {strides = array<i32>} : memref<4x2x128xf32, #tpu.memory_space<vmem>>, vector<16xf32>,
    %convert_element_type3A = arith.fptosi %get3A_120 : vector<16xf32> to vector<16xi32>
    %mul3A_121 = arith.constant 4 : i32
    %mul3A_122 = vector.broadcast %mul3A_121 : i32 to vector<16xi32>
    %mul3A_123 = arith.muli %convert_element_type3A, %mul3A_122 : vector<16xi32>
    %swap3A = arith.constant 0 : i32
    %swap3A_124 = arith.index_cast %swap3A : i32 to index
    %swap3A_125 = arith.constant 0 : index
    %swap3A_126 = tpu.vector_load %arg8[%swap3A_124, %swap3A_125] {strides = array<i32>} : memref<4x128xi32, #tpu.memory_space<vmem>>, vector<16xi32>,
    tpu.vector_store %arg8[%swap3A_124, %swap3A_125], %mul3A_123 {strides = array<i32>} : memref<4x128xi32, #tpu.memory_space<vmem>>, vector<16xi32>,
    %get3A_127 = arith.constant 0 : i32
    %get3A_128 = arith.constant 0 : i32
    %get3A_129 = arith.index_cast %get3A_127 : i32 to index
    %get3A_130 = arith.index_cast %get3A_128 : i32 to index
    %get3A_131 = arith.constant 16 : index
    %get3A_132 = tpu.vector_load %arg7[%get3A_129, %get3A_130, %get3A_131] {strides = array<i32>} : memref<4x2x128xf32, #tpu.memory_space<vmem>>, vector<16xf32>,
    %convert_element_type3A_133 = arith.fptosi %get3A_132 : vector<16xf32> to vector<16xi32>
    %mul3A_134 = arith.constant 4 : i32
    %mul3A_135 = vector.broadcast %mul3A_134 : i32 to vector<16xi32>
    %mul3A_136 = arith.muli %convert_element_type3A_133, %mul3A_135 : vector<16xi32>
    %swap3A_137 = arith.constant 0 : i32
    %swap3A_138 = arith.index_cast %swap3A_137 : i32 to index
    %swap3A_139 = arith.constant 16 : index
    %swap3A_140 = tpu.vector_load %arg8[%swap3A_138, %swap3A_139] {strides = array<i32>} : memref<4x128xi32, #tpu.memory_space<vmem>>, vector<16xi32>,
    tpu.vector_store %arg8[%swap3A_138, %swap3A_139], %mul3A_136 {strides = array<i32>} : memref<4x128xi32, #tpu.memory_space<vmem>>, vector<16xi32>,
    %get3A_141 = arith.constant 0 : i32
    %get3A_142 = arith.constant 0 : i32
    %get3A_143 = arith.index_cast %get3A_141 : i32 to index
    %get3A_144 = arith.index_cast %get3A_142 : i32 to index
    %get3A_145 = arith.constant 32 : index
    %get3A_146 = tpu.vector_load %arg7[%get3A_143, %get3A_144, %get3A_145] {strides = array<i32>} : memref<4x2x128xf32, #tpu.memory_space<vmem>>, vector<16xf32>,
    %convert_element_type3A_147 = arith.fptosi %get3A_146 : vector<16xf32> to vector<16xi32>
    %mul3A_148 = arith.constant 4 : i32
    %mul3A_149 = vector.broadcast %mul3A_148 : i32 to vector<16xi32>
    %mul3A_150 = arith.muli %convert_element_type3A_147, %mul3A_149 : vector<16xi32>
    %swap3A_151 = arith.constant 0 : i32
    %swap3A_152 = arith.index_cast %swap3A_151 : i32 to index
    %swap3A_153 = arith.constant 32 : index
    %swap3A_154 = tpu.vector_load %arg8[%swap3A_152, %swap3A_153] {strides = array<i32>} : memref<4x128xi32, #tpu.memory_space<vmem>>, vector<16xi32>,
    tpu.vector_store %arg8[%swap3A_152, %swap3A_153], %mul3A_150 {strides = array<i32>} : memref<4x128xi32, #tpu.memory_space<vmem>>, vector<16xi32>,
    %get3A_155 = arith.constant 0 : i32
    %get3A_156 = arith.constant 0 : i32
    %get3A_157 = arith.index_cast %get3A_155 : i32 to index
    %get3A_158 = arith.index_cast %get3A_156 : i32 to index
    %get3A_159 = arith.constant 48 : index
    %get3A_160 = tpu.vector_load %arg7[%get3A_157, %get3A_158, %get3A_159] {strides = array<i32>} : memref<4x2x128xf32, #tpu.memory_space<vmem>>, vector<16xf32>,
    %convert_element_type3A_161 = arith.fptosi %get3A_160 : vector<16xf32> to vector<16xi32>
    %mul3A_162 = arith.constant 4 : i32
    %mul3A_163 = vector.broadcast %mul3A_162 : i32 to vector<16xi32>
    %mul3A_164 = arith.muli %convert_element_type3A_161, %mul3A_163 : vector<16xi32>
    %swap3A_165 = arith.constant 0 : i32
    %swap3A_166 = arith.index_cast %swap3A_165 : i32 to index
    %swap3A_167 = arith.constant 48 : index
    %swap3A_168 = tpu.vector_load %arg8[%swap3A_166, %swap3A_167] {strides = array<i32>} : memref<4x128xi32, #tpu.memory_space<vmem>>, vector<16xi32>,
    tpu.vector_store %arg8[%swap3A_166, %swap3A_167], %mul3A_164 {strides = array<i32>} : memref<4x128xi32, #tpu.memory_space<vmem>>, vector<16xi32>,
    %get3A_169 = arith.constant 0 : i32
    %get3A_170 = arith.constant 0 : i32
    %get3A_171 = arith.index_cast %get3A_169 : i32 to index
    %get3A_172 = arith.index_cast %get3A_170 : i32 to index
    %get3A_173 = arith.constant 64 : index
    %get3A_174 = tpu.vector_load %arg7[%get3A_171, %get3A_172, %get3A_173] {strides = array<i32>} : memref<4x2x128xf32, #tpu.memory_space<vmem>>, vector<16xf32>,
    %convert_element_type3A_175 = arith.fptosi %get3A_174 : vector<16xf32> to vector<16xi32>
    %mul3A_176 = arith.constant 4 : i32
    %mul3A_177 = vector.broadcast %mul3A_176 : i32 to vector<16xi32>
    %mul3A_178 = arith.muli %convert_element_type3A_175, %mul3A_177 : vector<16xi32>
    %swap3A_179 = arith.constant 0 : i32
    %swap3A_180 = arith.index_cast %swap3A_179 : i32 to index
    %swap3A_181 = arith.constant 64 : index
    %swap3A_182 = tpu.vector_load %arg8[%swap3A_180, %swap3A_181] {strides = array<i32>} : memref<4x128xi32, #tpu.memory_space<vmem>>, vector<16xi32>,
    tpu.vector_store %arg8[%swap3A_180, %swap3A_181], %mul3A_178 {strides = array<i32>} : memref<4x128xi32, #tpu.memory_space<vmem>>, vector<16xi32>,
    %get3A_183 = arith.constant 0 : i32
    %get3A_184 = arith.constant 0 : i32
    %get3A_185 = arith.index_cast %get3A_183 : i32 to index
    %get3A_186 = arith.index_cast %get3A_184 : i32 to index
    %get3A_187 = arith.constant 80 : index
    %get3A_188 = tpu.vector_load %arg7[%get3A_185, %get3A_186, %get3A_187] {strides = array<i32>} : memref<4x2x128xf32, #tpu.memory_space<vmem>>, vector<16xf32>,
    %convert_element_type3A_189 = arith.fptosi %get3A_188 : vector<16xf32> to vector<16xi32>
    %mul3A_190 = arith.constant 4 : i32
    %mul3A_191 = vector.broadcast %mul3A_190 : i32 to vector<16xi32>
    %mul3A_192 = arith.muli %convert_element_type3A_189, %mul3A_191 : vector<16xi32>
    %swap3A_193 = arith.constant 0 : i32
    %swap3A_194 = arith.index_cast %swap3A_193 : i32 to index
    %swap3A_195 = arith.constant 80 : index
    %swap3A_196 = tpu.vector_load %arg8[%swap3A_194, %swap3A_195] {strides = array<i32>} : memref<4x128xi32, #tpu.memory_space<vmem>>, vector<16xi32>,
    tpu.vector_store %arg8[%swap3A_194, %swap3A_195], %mul3A_192 {strides = array<i32>} : memref<4x128xi32, #tpu.memory_space<vmem>>, vector<16xi32>,
    %get3A_197 = arith.constant 0 : i32
    %get3A_198 = arith.constant 0 : i32
    %get3A_199 = arith.index_cast %get3A_197 : i32 to index
    %get3A_200 = arith.index_cast %get3A_198 : i32 to index
    %get3A_201 = arith.constant 96 : index
    %get3A_202 = tpu.vector_load %arg7[%get3A_199, %get3A_200, %get3A_201] {strides = array<i32>} : memref<4x2x128xf32, #tpu.memory_space<vmem>>, vector<16xf32>,
    %convert_element_type3A_203 = arith.fptosi %get3A_202 : vector<16xf32> to vector<16xi32>
    %mul3A_204 = arith.constant 4 : i32
    %mul3A_205 = vector.broadcast %mul3A_204 : i32 to vector<16xi32>
    %mul3A_206 = arith.muli %convert_element_type3A_203, %mul3A_205 : vector<16xi32>
    %swap3A_207 = arith.constant 0 : i32
    %swap3A_208 = arith.index_cast %swap3A_207 : i32 to index
    %swap3A_209 = arith.constant 96 : index
    %swap3A_210 = tpu.vector_load %arg8[%swap3A_208, %swap3A_209] {strides = array<i32>} : memref<4x128xi32, #tpu.memory_space<vmem>>, vector<16xi32>,
    tpu.vector_store %arg8[%swap3A_208, %swap3A_209], %mul3A_206 {strides = array<i32>} : memref<4x128xi32, #tpu.memory_space<vmem>>, vector<16xi32>,
    %get3A_211 = arith.constant 0 : i32
    %get3A_212 = arith.constant 0 : i32
    %get3A_213 = arith.index_cast %get3A_211 : i32 to index
    %get3A_214 = arith.index_cast %get3A_212 : i32 to index
    %get3A_215 = arith.constant 112 : index
    %get3A_216 = tpu.vector_load %arg7[%get3A_213, %get3A_214, %get3A_215] {strides = array<i32>} : memref<4x2x128xf32, #tpu.memory_space<vmem>>, vector<16xf32>,
    %convert_element_type3A_217 = arith.fptosi %get3A_216 : vector<16xf32> to vector<16xi32>
    %mul3A_218 = arith.constant 4 : i32
    %mul3A_219 = vector.broadcast %mul3A_218 : i32 to vector<16xi32>
    %mul3A_220 = arith.muli %convert_element_type3A_217, %mul3A_219 : vector<16xi32>
    %swap3A_221 = arith.constant 0 : i32
    %swap3A_222 = arith.index_cast %swap3A_221 : i32 to index
    %swap3A_223 = arith.constant 112 : index
    %swap3A_224 = tpu.vector_load %arg8[%swap3A_222, %swap3A_223] {strides = array<i32>} : memref<4x128xi32, #tpu.memory_space<vmem>>, vector<16xi32>,
    tpu.vector_store %arg8[%swap3A_222, %swap3A_223], %mul3A_220 {strides = array<i32>} : memref<4x128xi32, #tpu.memory_space<vmem>>, vector<16xi32>,
    %dma_start3A_225 = arith.constant 0 : i32
    %dma_start3A_226 = arith.constant 0 : i32
    %dma_start3A_227 = arith.constant 0 : i32
    %dma_start3A_228 = arith.constant 0 : i32
    %dma_start3A_229 = arith.constant 0 : i32
    %dma_start3A_230 = tpu.memref_slice %arg9[%dma_start3A_226, %dma_start3A_228, %dma_start3A_229] : memref<4x128x32xf32, #tpu.memory_space<vmem>> -> memref<1x128x32xf32, #tpu.memory_space<vmem>>
    %dma_start3A_231 = tpu.memref_squeeze %dma_start3A_230 : memref<1x128x32xf32, #tpu.memory_space<vmem>> -> memref<128x32xf32, #tpu.memory_space<vmem>>
    %dma_start3A_232 = arith.constant 0 : i32
    %dma_start3A_233 = tpu.memref_slice %arg8[%dma_start3A_225, %dma_start3A_232] : memref<4x128xi32, #tpu.memory_space<vmem>> -> memref<1x128xi32, #tpu.memory_space<vmem>>
    %dma_start3A_234 = tpu.memref_squeeze %dma_start3A_233 : memref<1x128xi32, #tpu.memory_space<vmem>> -> memref<128xi32, #tpu.memory_space<vmem>>
    %dma_start3A_235 = arith.constant 0 : i32
    %dma_start3A_236 = arith.constant 0 : i32
    %dma_start3A_237 = tpu.memref_slice %arg2[%dma_start3A_235, %dma_start3A_236] : memref<4000000x32xf32, #tpu.memory_space<hbm>> -> memref<4000000x32xf32, #tpu.memory_space<hbm>>
    %dma_start3A_238 = tpu.memref_slice %arg13[%dma_start3A_227] : memref<4x!tpu.dma_semaphore, #tpu.memory_space<semaphore_mem>> -> memref<1x!tpu.dma_semaphore, #tpu.memory_space<semaphore_mem>>
    %dma_start3A_239 = tpu.memref_squeeze %dma_start3A_238 : memref<1x!tpu.dma_semaphore, #tpu.memory_space<semaphore_mem>> -> memref<!tpu.dma_semaphore, #tpu.memory_space<semaphore_mem>>
    tpu.enqueue_indirect_dma source(%dma_start3A_237 : memref<4000000x32xf32, #tpu.memory_space<hbm>>) target(%dma_start3A_231 : memref<128x32xf32, #tpu.memory_space<vmem>>) offsets(%dma_start3A_234 : memref<128xi32, #tpu.memory_space<vmem>>) semaphore(%dma_start3A_239 : memref<!tpu.dma_semaphore, #tpu.memory_space<semaphore_mem>>)
    %iota3A = tpu.iota {dimensions = array<i32: 0>} : vector<16xi32>
    %scan3A = arith.constant 0 : i32
    %scan3A_240 = arith.constant 0 : i32
    %scan3A_241 = arith.constant 800 : i32
    %scan3A_242 = arith.addi %scan3A_240, %scan3A_241 : i32
    %scan3A_243 = arith.constant 1 : i32
    scf.for %scan3A_353 = %scan3A_240 to %scan3A_242 step %scan3A_243  : i32 {
      %jit3A = arith.constant 4 : i32
      %eq3A = arith.constant 0 : i32
      %eq3A_354 = arith.cmpi eq, %jit3A, %eq3A : i32
      %jit3A_355 = arith.constant 1 : i32
      %select_n3A = arith.select %eq3A_354, %jit3A_355, %jit3A : i32
      %rem3A = arith.remsi %scan3A_353, %select_n3A : i32
      %ne3A = arith.constant 0 : i32
      %ne3A_356 = arith.cmpi ne, %rem3A, %ne3A : i32
      %lt3A = arith.constant 0 : i32
      %lt3A_357 = arith.cmpi slt, %rem3A, %lt3A : i32
      %lt3A_358 = arith.constant 0 : i32
      %lt3A_359 = arith.cmpi slt, %select_n3A, %lt3A_358 : i32
      %ne3A_360 = arith.xori %lt3A_357, %lt3A_359 : i1
      %and3A = arith.andi %ne3A_360, %ne3A_356 : i1
      %add3A_361 = arith.addi %rem3A, %select_n3A : i32
      %select_n3A_362 = arith.select %and3A, %add3A_361, %rem3A : i32
      %add3A_363 = arith.constant 1 : i32
      %add3A_364 = arith.addi %scan3A_353, %add3A_363 : i32
      %jit3A_365 = arith.constant 4 : i32
      %eq3A_366 = arith.constant 0 : i32
      %eq3A_367 = arith.cmpi eq, %jit3A_365, %eq3A_366 : i32
      %jit3A_368 = arith.constant 1 : i32
      %select_n3A_369 = arith.select %eq3A_367, %jit3A_368, %jit3A_365 : i32
      %rem3A_370 = arith.remsi %add3A_364, %select_n3A_369 : i32
      %ne3A_371 = arith.constant 0 : i32
      %ne3A_372 = arith.cmpi ne, %rem3A_370, %ne3A_371 : i32
      %lt3A_373 = arith.constant 0 : i32
      %lt3A_374 = arith.cmpi slt, %rem3A_370, %lt3A_373 : i32
      %lt3A_375 = arith.constant 0 : i32
      %lt3A_376 = arith.cmpi slt, %select_n3A_369, %lt3A_375 : i32
      %ne3A_377 = arith.xori %lt3A_374, %lt3A_376 : i1
      %and3A_378 = arith.andi %ne3A_377, %ne3A_372 : i1
      %add3A_379 = arith.addi %rem3A_370, %select_n3A_369 : i32
      %select_n3A_380 = arith.select %and3A_378, %add3A_379, %rem3A_370 : i32
      %lt3A_381 = arith.constant 799 : i32
      %lt3A_382 = arith.cmpi slt, %scan3A_353, %lt3A_381 : i32
      %convert_element_type3A_383 = arith.extui %lt3A_382 : i1 to i32
      %cond3A = arith.constant 0 : i32
      %cond3A_384 = arith.cmpi ne, %convert_element_type3A_383, %cond3A : i32
      scf.if %cond3A_384 {
        %add3A_573 = arith.constant 1 : i32
        %add3A_574 = arith.addi %scan3A_353, %add3A_573 : i32
        %jit3A_575 = arith.constant 4 : i32
        %div3A_576 = arith.divsi %add3A_574, %jit3A_575 : i32
        %sign3A_577 = arith.constant 0 : i32
        %sign3A_578 = arith.cmpi sgt, %add3A_574, %sign3A_577 : i32
        %sign3A_579 = arith.extui %sign3A_578 : i1 to i32
        %sign3A_580 = arith.constant 0 : i32
        %sign3A_581 = arith.cmpi slt, %add3A_574, %sign3A_580 : i32
        %sign3A_582 = arith.extui %sign3A_581 : i1 to i32
        %sign3A_583 = arith.subi %sign3A_579, %sign3A_582 : i32
        %sign3A_584 = arith.constant 0 : i32
        %sign3A_585 = arith.cmpi sgt, %jit3A_575, %sign3A_584 : i32
        %sign3A_586 = arith.extui %sign3A_585 : i1 to i32
        %sign3A_587 = arith.constant 0 : i32
        %sign3A_588 = arith.cmpi slt, %jit3A_575, %sign3A_587 : i32
        %sign3A_589 = arith.extui %sign3A_588 : i1 to i32
        %sign3A_590 = arith.subi %sign3A_586, %sign3A_589 : i32
        %ne3A_591 = arith.cmpi ne, %sign3A_583, %sign3A_590 : i32
        %rem3A_592 = arith.remsi %add3A_574, %jit3A_575 : i32
        %ne3A_593 = arith.constant 0 : i32
        %ne3A_594 = arith.cmpi ne, %rem3A_592, %ne3A_593 : i32
        %and3A_595 = arith.andi %ne3A_591, %ne3A_594 : i1
        %sub3A_596 = arith.constant 1 : i32
        %sub3A_597 = arith.subi %div3A_576, %sub3A_596 : i32
        %select_n3A_598 = arith.select %and3A_595, %sub3A_597, %div3A_576 : i32
        %jit3A_599 = arith.constant 4 : i32
        %eq3A_600 = arith.constant 0 : i32
        %eq3A_601 = arith.cmpi eq, %jit3A_599, %eq3A_600 : i32
        %jit3A_602 = arith.constant 1 : i32
        %select_n3A_603 = arith.select %eq3A_601, %jit3A_602, %jit3A_599 : i32
        %rem3A_604 = arith.remsi %add3A_574, %select_n3A_603 : i32
        %ne3A_605 = arith.constant 0 : i32
        %ne3A_606 = arith.cmpi ne, %rem3A_604, %ne3A_605 : i32
        %lt3A_607 = arith.constant 0 : i32
        %lt3A_608 = arith.cmpi slt, %rem3A_604, %lt3A_607 : i32
        %lt3A_609 = arith.constant 0 : i32
        %lt3A_610 = arith.cmpi slt, %select_n3A_603, %lt3A_609 : i32
        %ne3A_611 = arith.xori %lt3A_608, %lt3A_610 : i1
        %and3A_612 = arith.andi %ne3A_611, %ne3A_606 : i1
        %add3A_613 = arith.addi %rem3A_604, %select_n3A_603 : i32
        %select_n3A_614 = arith.select %and3A_612, %add3A_613, %rem3A_604 : i32
        %add3A_615 = arith.addi %mul3A_2, %select_n3A_614 : i32
        %jit3A_616 = arith.constant 4 : i32
        %eq3A_617 = arith.constant 0 : i32
        %eq3A_618 = arith.cmpi eq, %jit3A_616, %eq3A_617 : i32
        %jit3A_619 = arith.constant 1 : i32
        %select_n3A_620 = arith.select %eq3A_618, %jit3A_619, %jit3A_616 : i32
        %rem3A_621 = arith.remsi %add3A_574, %select_n3A_620 : i32
        %ne3A_622 = arith.constant 0 : i32
        %ne3A_623 = arith.cmpi ne, %rem3A_621, %ne3A_622 : i32
        %lt3A_624 = arith.constant 0 : i32
        %lt3A_625 = arith.cmpi slt, %rem3A_621, %lt3A_624 : i32
        %lt3A_626 = arith.constant 0 : i32
        %lt3A_627 = arith.cmpi slt, %select_n3A_620, %lt3A_626 : i32
        %ne3A_628 = arith.xori %lt3A_625, %lt3A_627 : i1
        %and3A_629 = arith.andi %ne3A_628, %ne3A_623 : i1
        %add3A_630 = arith.addi %rem3A_621, %select_n3A_620 : i32
        %select_n3A_631 = arith.select %and3A_629, %add3A_630, %rem3A_621 : i32
        %jit3A_632 = arith.constant 4 : i32
        %eq3A_633 = arith.constant 0 : i32
        %eq3A_634 = arith.cmpi eq, %jit3A_632, %eq3A_633 : i32
        %jit3A_635 = arith.constant 1 : i32
        %select_n3A_636 = arith.select %eq3A_634, %jit3A_635, %jit3A_632 : i32
        %rem3A_637 = arith.remsi %add3A_574, %select_n3A_636 : i32
        %ne3A_638 = arith.constant 0 : i32
        %ne3A_639 = arith.cmpi ne, %rem3A_637, %ne3A_638 : i32
        %lt3A_640 = arith.constant 0 : i32
        %lt3A_641 = arith.cmpi slt, %rem3A_637, %lt3A_640 : i32
        %lt3A_642 = arith.constant 0 : i32
        %lt3A_643 = arith.cmpi slt, %select_n3A_636, %lt3A_642 : i32
        %ne3A_644 = arith.xori %lt3A_641, %lt3A_643 : i1
        %and3A_645 = arith.andi %ne3A_644, %ne3A_639 : i1
        %add3A_646 = arith.addi %rem3A_637, %select_n3A_636 : i32
        %select_n3A_647 = arith.select %and3A_645, %add3A_646, %rem3A_637 : i32
        %dma_wait3A_648 = arith.constant 0 : i32
        %dma_wait3A_649 = arith.constant 0 : i32
        %dma_wait3A_650 = tpu.memref_slice %arg7[%select_n3A_631, %dma_wait3A_648, %dma_wait3A_649] : memref<4x2x128xf32, #tpu.memory_space<vmem>> -> memref<1x2x128xf32, #tpu.memory_space<vmem>>
        %dma_wait3A_651 = tpu.memref_squeeze %dma_wait3A_650 : memref<1x2x128xf32, #tpu.memory_space<vmem>> -> memref<2x128xf32, #tpu.memory_space<vmem>>
        %dma_wait3A_652 = arith.constant 0 : i32
        %dma_wait3A_653 = arith.constant 0 : i32
        %dma_wait3A_654 = tpu.memref_slice %arg3[%select_n3A_598, %add3A_615, %dma_wait3A_652, %dma_wait3A_653] : memref<200x128x2x128xf32, #tpu.memory_space<hbm>> -> memref<1x1x2x128xf32, #tpu.memory_space<hbm>>
        %dma_wait3A_655 = tpu.memref_squeeze %dma_wait3A_654 : memref<1x1x2x128xf32, #tpu.memory_space<hbm>> -> memref<2x128xf32, #tpu.memory_space<hbm>>
        %dma_wait3A_656 = tpu.memref_slice %arg12[%select_n3A_647] : memref<4x!tpu.dma_semaphore, #tpu.memory_space<semaphore_mem>> -> memref<1x!tpu.dma_semaphore, #tpu.memory_space<semaphore_mem>>
        %dma_wait3A_657 = tpu.memref_squeeze %dma_wait3A_656 : memref<1x!tpu.dma_semaphore, #tpu.memory_space<semaphore_mem>> -> memref<!tpu.dma_semaphore, #tpu.memory_space<semaphore_mem>>
        %dma_wait3A_658 = arith.constant 0 : i32
        %dma_wait3A_659 = arith.constant 0 : i32
        %dma_wait3A_660 = tpu.memref_slice %arg7[%select_n3A_631, %dma_wait3A_658, %dma_wait3A_659] : memref<4x2x128xf32, #tpu.memory_space<vmem>> -> memref<1x2x128xf32, #tpu.memory_space<vmem>>
        %dma_wait3A_661 = tpu.memref_squeeze %dma_wait3A_660 : memref<1x2x128xf32, #tpu.memory_space<vmem>> -> memref<2x128xf32, #tpu.memory_space<vmem>>
        %dma_wait3A_662 = arith.constant 0 : i32
        %dma_wait3A_663 = arith.constant 0 : i32
        %dma_wait3A_664 = tpu.memref_slice %arg3[%select_n3A_598, %add3A_615, %dma_wait3A_662, %dma_wait3A_663] : memref<200x128x2x128xf32, #tpu.memory_space<hbm>> -> memref<1x1x2x128xf32, #tpu.memory_space<hbm>>
        %dma_wait3A_665 = tpu.memref_squeeze %dma_wait3A_664 : memref<1x1x2x128xf32, #tpu.memory_space<hbm>> -> memref<2x128xf32, #tpu.memory_space<hbm>>
        tpu.wait_dma2 semaphore(%dma_wait3A_657 : memref<!tpu.dma_semaphore, #tpu.memory_space<semaphore_mem>>) src(%dma_wait3A_665 : memref<2x128xf32, #tpu.memory_space<hbm>>) dst(%dma_wait3A_661 : memref<2x128xf32, #tpu.memory_space<vmem>>)
        %get3A_666 = arith.constant 0 : i32
        %get3A_667 = arith.index_cast %select_n3A_380 : i32 to index
        %get3A_668 = arith.index_cast %get3A_666 : i32 to index
        %get3A_669 = arith.constant 0 : index
        %get3A_670 = tpu.vector_load %arg7[%get3A_667, %get3A_668, %get3A_669] {strides = array<i32>} : memref<4x2x128xf32, #tpu.memory_space<vmem>>, vector<16xf32>,
        %convert_element_type3A_671 = arith.fptosi %get3A_670 : vector<16xf32> to vector<16xi32>
        %mul3A_672 = arith.constant 4 : i32
        %mul3A_673 = vector.broadcast %mul3A_672 : i32 to vector<16xi32>
        %mul3A_674 = arith.muli %convert_element_type3A_671, %mul3A_673 : vector<16xi32>
        %swap3A_675 = arith.index_cast %select_n3A_380 : i32 to index
        %swap3A_676 = arith.constant 0 : index
        %swap3A_677 = tpu.vector_load %arg8[%swap3A_675, %swap3A_676] {strides = array<i32>} : memref<4x128xi32, #tpu.memory_space<vmem>>, vector<16xi32>,
        tpu.vector_store %arg8[%swap3A_675, %swap3A_676], %mul3A_674 {strides = array<i32>} : memref<4x128xi32, #tpu.memory_space<vmem>>, vector<16xi32>,
        %get3A_678 = arith.constant 0 : i32
        %get3A_679 = arith.index_cast %select_n3A_380 : i32 to index
        %get3A_680 = arith.index_cast %get3A_678 : i32 to index
        %get3A_681 = arith.constant 16 : index
        %get3A_682 = tpu.vector_load %arg7[%get3A_679, %get3A_680, %get3A_681] {strides = array<i32>} : memref<4x2x128xf32, #tpu.memory_space<vmem>>, vector<16xf32>,
        %convert_element_type3A_683 = arith.fptosi %get3A_682 : vector<16xf32> to vector<16xi32>
        %mul3A_684 = arith.constant 4 : i32
        %mul3A_685 = vector.broadcast %mul3A_684 : i32 to vector<16xi32>
        %mul3A_686 = arith.muli %convert_element_type3A_683, %mul3A_685 : vector<16xi32>
        %swap3A_687 = arith.index_cast %select_n3A_380 : i32 to index
        %swap3A_688 = arith.constant 16 : index
        %swap3A_689 = tpu.vector_load %arg8[%swap3A_687, %swap3A_688] {strides = array<i32>} : memref<4x128xi32, #tpu.memory_space<vmem>>, vector<16xi32>,
        tpu.vector_store %arg8[%swap3A_687, %swap3A_688], %mul3A_686 {strides = array<i32>} : memref<4x128xi32, #tpu.memory_space<vmem>>, vector<16xi32>,
        %get3A_690 = arith.constant 0 : i32
        %get3A_691 = arith.index_cast %select_n3A_380 : i32 to index
        %get3A_692 = arith.index_cast %get3A_690 : i32 to index
        %get3A_693 = arith.constant 32 : index
        %get3A_694 = tpu.vector_load %arg7[%get3A_691, %get3A_692, %get3A_693] {strides = array<i32>} : memref<4x2x128xf32, #tpu.memory_space<vmem>>, vector<16xf32>,
        %convert_element_type3A_695 = arith.fptosi %get3A_694 : vector<16xf32> to vector<16xi32>
        %mul3A_696 = arith.constant 4 : i32
        %mul3A_697 = vector.broadcast %mul3A_696 : i32 to vector<16xi32>
        %mul3A_698 = arith.muli %convert_element_type3A_695, %mul3A_697 : vector<16xi32>
        %swap3A_699 = arith.index_cast %select_n3A_380 : i32 to index
        %swap3A_700 = arith.constant 32 : index
        %swap3A_701 = tpu.vector_load %arg8[%swap3A_699, %swap3A_700] {strides = array<i32>} : memref<4x128xi32, #tpu.memory_space<vmem>>, vector<16xi32>,
        tpu.vector_store %arg8[%swap3A_699, %swap3A_700], %mul3A_698 {strides = array<i32>} : memref<4x128xi32, #tpu.memory_space<vmem>>, vector<16xi32>,
        %get3A_702 = arith.constant 0 : i32
        %get3A_703 = arith.index_cast %select_n3A_380 : i32 to index
        %get3A_704 = arith.index_cast %get3A_702 : i32 to index
        %get3A_705 = arith.constant 48 : index
        %get3A_706 = tpu.vector_load %arg7[%get3A_703, %get3A_704, %get3A_705] {strides = array<i32>} : memref<4x2x128xf32, #tpu.memory_space<vmem>>, vector<16xf32>,
        %convert_element_type3A_707 = arith.fptosi %get3A_706 : vector<16xf32> to vector<16xi32>
        %mul3A_708 = arith.constant 4 : i32
        %mul3A_709 = vector.broadcast %mul3A_708 : i32 to vector<16xi32>
        %mul3A_710 = arith.muli %convert_element_type3A_707, %mul3A_709 : vector<16xi32>
        %swap3A_711 = arith.index_cast %select_n3A_380 : i32 to index
        %swap3A_712 = arith.constant 48 : index
        %swap3A_713 = tpu.vector_load %arg8[%swap3A_711, %swap3A_712] {strides = array<i32>} : memref<4x128xi32, #tpu.memory_space<vmem>>, vector<16xi32>,
        tpu.vector_store %arg8[%swap3A_711, %swap3A_712], %mul3A_710 {strides = array<i32>} : memref<4x128xi32, #tpu.memory_space<vmem>>, vector<16xi32>,
        %get3A_714 = arith.constant 0 : i32
        %get3A_715 = arith.index_cast %select_n3A_380 : i32 to index
        %get3A_716 = arith.index_cast %get3A_714 : i32 to index
        %get3A_717 = arith.constant 64 : index
        %get3A_718 = tpu.vector_load %arg7[%get3A_715, %get3A_716, %get3A_717] {strides = array<i32>} : memref<4x2x128xf32, #tpu.memory_space<vmem>>, vector<16xf32>,
        %convert_element_type3A_719 = arith.fptosi %get3A_718 : vector<16xf32> to vector<16xi32>
        %mul3A_720 = arith.constant 4 : i32
        %mul3A_721 = vector.broadcast %mul3A_720 : i32 to vector<16xi32>
        %mul3A_722 = arith.muli %convert_element_type3A_719, %mul3A_721 : vector<16xi32>
        %swap3A_723 = arith.index_cast %select_n3A_380 : i32 to index
        %swap3A_724 = arith.constant 64 : index
        %swap3A_725 = tpu.vector_load %arg8[%swap3A_723, %swap3A_724] {strides = array<i32>} : memref<4x128xi32, #tpu.memory_space<vmem>>, vector<16xi32>,
        tpu.vector_store %arg8[%swap3A_723, %swap3A_724], %mul3A_722 {strides = array<i32>} : memref<4x128xi32, #tpu.memory_space<vmem>>, vector<16xi32>,
        %get3A_726 = arith.constant 0 : i32
        %get3A_727 = arith.index_cast %select_n3A_380 : i32 to index
        %get3A_728 = arith.index_cast %get3A_726 : i32 to index
        %get3A_729 = arith.constant 80 : index
        %get3A_730 = tpu.vector_load %arg7[%get3A_727, %get3A_728, %get3A_729] {strides = array<i32>} : memref<4x2x128xf32, #tpu.memory_space<vmem>>, vector<16xf32>,
        %convert_element_type3A_731 = arith.fptosi %get3A_730 : vector<16xf32> to vector<16xi32>
        %mul3A_732 = arith.constant 4 : i32
        %mul3A_733 = vector.broadcast %mul3A_732 : i32 to vector<16xi32>
        %mul3A_734 = arith.muli %convert_element_type3A_731, %mul3A_733 : vector<16xi32>
        %swap3A_735 = arith.index_cast %select_n3A_380 : i32 to index
        %swap3A_736 = arith.constant 80 : index
        %swap3A_737 = tpu.vector_load %arg8[%swap3A_735, %swap3A_736] {strides = array<i32>} : memref<4x128xi32, #tpu.memory_space<vmem>>, vector<16xi32>,
        tpu.vector_store %arg8[%swap3A_735, %swap3A_736], %mul3A_734 {strides = array<i32>} : memref<4x128xi32, #tpu.memory_space<vmem>>, vector<16xi32>,
        %get3A_738 = arith.constant 0 : i32
        %get3A_739 = arith.index_cast %select_n3A_380 : i32 to index
        %get3A_740 = arith.index_cast %get3A_738 : i32 to index
        %get3A_741 = arith.constant 96 : index
        %get3A_742 = tpu.vector_load %arg7[%get3A_739, %get3A_740, %get3A_741] {strides = array<i32>} : memref<4x2x128xf32, #tpu.memory_space<vmem>>, vector<16xf32>,
        %convert_element_type3A_743 = arith.fptosi %get3A_742 : vector<16xf32> to vector<16xi32>
        %mul3A_744 = arith.constant 4 : i32
        %mul3A_745 = vector.broadcast %mul3A_744 : i32 to vector<16xi32>
        %mul3A_746 = arith.muli %convert_element_type3A_743, %mul3A_745 : vector<16xi32>
        %swap3A_747 = arith.index_cast %select_n3A_380 : i32 to index
        %swap3A_748 = arith.constant 96 : index
        %swap3A_749 = tpu.vector_load %arg8[%swap3A_747, %swap3A_748] {strides = array<i32>} : memref<4x128xi32, #tpu.memory_space<vmem>>, vector<16xi32>,
        tpu.vector_store %arg8[%swap3A_747, %swap3A_748], %mul3A_746 {strides = array<i32>} : memref<4x128xi32, #tpu.memory_space<vmem>>, vector<16xi32>,
        %get3A_750 = arith.constant 0 : i32
        %get3A_751 = arith.index_cast %select_n3A_380 : i32 to index
        %get3A_752 = arith.index_cast %get3A_750 : i32 to index
        %get3A_753 = arith.constant 112 : index
        %get3A_754 = tpu.vector_load %arg7[%get3A_751, %get3A_752, %get3A_753] {strides = array<i32>} : memref<4x2x128xf32, #tpu.memory_space<vmem>>, vector<16xf32>,
        %convert_element_type3A_755 = arith.fptosi %get3A_754 : vector<16xf32> to vector<16xi32>
        %mul3A_756 = arith.constant 4 : i32
        %mul3A_757 = vector.broadcast %mul3A_756 : i32 to vector<16xi32>
        %mul3A_758 = arith.muli %convert_element_type3A_755, %mul3A_757 : vector<16xi32>
        %swap3A_759 = arith.index_cast %select_n3A_380 : i32 to index
        %swap3A_760 = arith.constant 112 : index
        %swap3A_761 = tpu.vector_load %arg8[%swap3A_759, %swap3A_760] {strides = array<i32>} : memref<4x128xi32, #tpu.memory_space<vmem>>, vector<16xi32>,
        tpu.vector_store %arg8[%swap3A_759, %swap3A_760], %mul3A_758 {strides = array<i32>} : memref<4x128xi32, #tpu.memory_space<vmem>>, vector<16xi32>,
        %add3A_762 = arith.constant 1 : i32
        %add3A_763 = arith.addi %scan3A_353, %add3A_762 : i32
        %ge3A = arith.constant 4 : i32
        %ge3A_764 = arith.cmpi sge, %add3A_763, %ge3A : i32
        %convert_element_type3A_765 = arith.extui %ge3A_764 : i1 to i32
        %cond3A_766 = arith.constant 0 : i32
        %cond3A_767 = arith.cmpi ne, %convert_element_type3A_765, %cond3A_766 : i32
        scf.if %cond3A_767 {
          %add3A_780 = arith.constant 1 : i32
          %add3A_781 = arith.addi %scan3A_353, %add3A_780 : i32
          %sub3A_782 = arith.constant 4 : i32
          %sub3A_783 = arith.subi %add3A_781, %sub3A_782 : i32
          %jit3A_784 = arith.constant 4 : i32
          %div3A_785 = arith.divsi %sub3A_783, %jit3A_784 : i32
          %sign3A_786 = arith.constant 0 : i32
          %sign3A_787 = arith.cmpi sgt, %sub3A_783, %sign3A_786 : i32
          %sign3A_788 = arith.extui %sign3A_787 : i1 to i32
          %sign3A_789 = arith.constant 0 : i32
          %sign3A_790 = arith.cmpi slt, %sub3A_783, %sign3A_789 : i32
          %sign3A_791 = arith.extui %sign3A_790 : i1 to i32
          %sign3A_792 = arith.subi %sign3A_788, %sign3A_791 : i32
          %sign3A_793 = arith.constant 0 : i32
          %sign3A_794 = arith.cmpi sgt, %jit3A_784, %sign3A_793 : i32
          %sign3A_795 = arith.extui %sign3A_794 : i1 to i32
          %sign3A_796 = arith.constant 0 : i32
          %sign3A_797 = arith.cmpi slt, %jit3A_784, %sign3A_796 : i32
          %sign3A_798 = arith.extui %sign3A_797 : i1 to i32
          %sign3A_799 = arith.subi %sign3A_795, %sign3A_798 : i32
          %ne3A_800 = arith.cmpi ne, %sign3A_792, %sign3A_799 : i32
          %rem3A_801 = arith.remsi %sub3A_783, %jit3A_784 : i32
          %ne3A_802 = arith.constant 0 : i32
          %ne3A_803 = arith.cmpi ne, %rem3A_801, %ne3A_802 : i32
          %and3A_804 = arith.andi %ne3A_800, %ne3A_803 : i1
          %sub3A_805 = arith.constant 1 : i32
          %sub3A_806 = arith.subi %div3A_785, %sub3A_805 : i32
          %select_n3A_807 = arith.select %and3A_804, %sub3A_806, %div3A_785 : i32
          %add3A_808 = arith.addi %mul3A_2, %select_n3A_380 : i32
          %dma_wait3A_809 = arith.constant 0 : i32
          %dma_wait3A_810 = arith.constant 0 : i32
          %dma_wait3A_811 = arith.constant 0 : i32
          %dma_wait3A_812 = tpu.memref_slice %arg11[%select_n3A_380, %dma_wait3A_809, %dma_wait3A_810, %dma_wait3A_811] : memref<4x4x8x128xf32, #tpu.memory_space<vmem>> -> memref<1x4x8x128xf32, #tpu.memory_space<vmem>>
          %dma_wait3A_813 = tpu.memref_squeeze %dma_wait3A_812 : memref<1x4x8x128xf32, #tpu.memory_space<vmem>> -> memref<4x8x128xf32, #tpu.memory_space<vmem>>
          %dma_wait3A_814 = arith.constant 0 : i32
          %dma_wait3A_815 = arith.constant 0 : i32
          %dma_wait3A_816 = arith.constant 0 : i32
          %dma_wait3A_817 = tpu.memref_slice %arg5[%select_n3A_807, %dma_wait3A_814, %add3A_808, %dma_wait3A_815, %dma_wait3A_816] : memref<200x4x128x8x128xf32, #tpu.memory_space<hbm>> -> memref<1x4x1x8x128xf32, #tpu.memory_space<hbm>>
          %dma_wait3A_818 = tpu.memref_squeeze %dma_wait3A_817 : memref<1x4x1x8x128xf32, #tpu.memory_space<hbm>> -> memref<4x8x128xf32, #tpu.memory_space<hbm>>
          %dma_wait3A_819 = tpu.memref_slice %arg14[%select_n3A_380] : memref<4x!tpu.dma_semaphore, #tpu.memory_space<semaphore_mem>> -> memref<1x!tpu.dma_semaphore, #tpu.memory_space<semaphore_mem>>
          %dma_wait3A_820 = tpu.memref_squeeze %dma_wait3A_819 : memref<1x!tpu.dma_semaphore, #tpu.memory_space<semaphore_mem>> -> memref<!tpu.dma_semaphore, #tpu.memory_space<semaphore_mem>>
          %dma_wait3A_821 = arith.constant 0 : i32
          %dma_wait3A_822 = arith.constant 0 : i32
          %dma_wait3A_823 = arith.constant 0 : i32
          %dma_wait3A_824 = tpu.memref_slice %arg5[%select_n3A_807, %dma_wait3A_821, %add3A_808, %dma_wait3A_822, %dma_wait3A_823] : memref<200x4x128x8x128xf32, #tpu.memory_space<hbm>> -> memref<1x4x1x8x128xf32, #tpu.memory_space<hbm>>
          %dma_wait3A_825 = tpu.memref_squeeze %dma_wait3A_824 : memref<1x4x1x8x128xf32, #tpu.memory_space<hbm>> -> memref<4x8x128xf32, #tpu.memory_space<hbm>>
          %dma_wait3A_826 = arith.constant 0 : i32
          %dma_wait3A_827 = arith.constant 0 : i32
          %dma_wait3A_828 = arith.constant 0 : i32
          %dma_wait3A_829 = tpu.memref_slice %arg11[%select_n3A_380, %dma_wait3A_826, %dma_wait3A_827, %dma_wait3A_828] : memref<4x4x8x128xf32, #tpu.memory_space<vmem>> -> memref<1x4x8x128xf32, #tpu.memory_space<vmem>>
          %dma_wait3A_830 = tpu.memref_squeeze %dma_wait3A_829 : memref<1x4x8x128xf32, #tpu.memory_space<vmem>> -> memref<4x8x128xf32, #tpu.memory_space<vmem>>
          tpu.wait_dma2 semaphore(%dma_wait3A_820 : memref<!tpu.dma_semaphore, #tpu.memory_space<semaphore_mem>>) src(%dma_wait3A_830 : memref<4x8x128xf32, #tpu.memory_space<vmem>>) dst(%dma_wait3A_825 : memref<4x8x128xf32, #tpu.memory_space<hbm>>)
        } else {
        }
        %dma_start3A_768 = arith.constant 0 : i32
        %dma_start3A_769 = arith.constant 0 : i32
        %dma_start3A_770 = tpu.memref_slice %arg9[%select_n3A_380, %dma_start3A_768, %dma_start3A_769] : memref<4x128x32xf32, #tpu.memory_space<vmem>> -> memref<1x128x32xf32, #tpu.memory_space<vmem>>
        %dma_start3A_771 = tpu.memref_squeeze %dma_start3A_770 : memref<1x128x32xf32, #tpu.memory_space<vmem>> -> memref<128x32xf32, #tpu.memory_space<vmem>>
        %dma_start3A_772 = arith.constant 0 : i32
        %dma_start3A_773 = tpu.memref_slice %arg8[%select_n3A_380, %dma_start3A_772] : memref<4x128xi32, #tpu.memory_space<vmem>> -> memref<1x128xi32, #tpu.memory_space<vmem>>
        %dma_start3A_774 = tpu.memref_squeeze %dma_start3A_773 : memref<1x128xi32, #tpu.memory_space<vmem>> -> memref<128xi32, #tpu.memory_space<vmem>>
        %dma_start3A_775 = arith.constant 0 : i32
        %dma_start3A_776 = arith.constant 0 : i32
        %dma_start3A_777 = tpu.memref_slice %arg2[%dma_start3A_775, %dma_start3A_776] : memref<4000000x32xf32, #tpu.memory_space<hbm>> -> memref<4000000x32xf32, #tpu.memory_space<hbm>>
        %dma_start3A_778 = tpu.memref_slice %arg13[%select_n3A_380] : memref<4x!tpu.dma_semaphore, #tpu.memory_space<semaphore_mem>> -> memref<1x!tpu.dma_semaphore, #tpu.memory_space<semaphore_mem>>
        %dma_start3A_779 = tpu.memref_squeeze %dma_start3A_778 : memref<1x!tpu.dma_semaphore, #tpu.memory_space<semaphore_mem>> -> memref<!tpu.dma_semaphore, #tpu.memory_space<semaphore_mem>>
        tpu.enqueue_indirect_dma source(%dma_start3A_777 : memref<4000000x32xf32, #tpu.memory_space<hbm>>) target(%dma_start3A_771 : memref<128x32xf32, #tpu.memory_space<vmem>>) offsets(%dma_start3A_774 : memref<128xi32, #tpu.memory_space<vmem>>) semaphore(%dma_start3A_779 : memref<!tpu.dma_semaphore, #tpu.memory_space<semaphore_mem>>)
      } else {
      }
      %dma_wait3A_385 = arith.constant 0 : i32
      %dma_wait3A_386 = arith.constant 0 : i32
      %dma_wait3A_387 = tpu.memref_slice %arg9[%select_n3A_362, %dma_wait3A_385, %dma_wait3A_386] : memref<4x128x32xf32, #tpu.memory_space<vmem>> -> memref<1x128x32xf32, #tpu.memory_space<vmem>>
      %dma_wait3A_388 = tpu.memref_squeeze %dma_wait3A_387 : memref<1x128x32xf32, #tpu.memory_space<vmem>> -> memref<128x32xf32, #tpu.memory_space<vmem>>
      %dma_wait3A_389 = arith.constant 0 : i32
      %dma_wait3A_390 = tpu.memref_slice %arg8[%select_n3A_362, %dma_wait3A_389] : memref<4x128xi32, #tpu.memory_space<vmem>> -> memref<1x128xi32, #tpu.memory_space<vmem>>
      %dma_wait3A_391 = tpu.memref_squeeze %dma_wait3A_390 : memref<1x128xi32, #tpu.memory_space<vmem>> -> memref<128xi32, #tpu.memory_space<vmem>>
      %dma_wait3A_392 = arith.constant 0 : i32
      %dma_wait3A_393 = arith.constant 0 : i32
      %dma_wait3A_394 = tpu.memref_slice %arg2[%dma_wait3A_392, %dma_wait3A_393] : memref<4000000x32xf32, #tpu.memory_space<hbm>> -> memref<4000000x32xf32, #tpu.memory_space<hbm>>
      %dma_wait3A_395 = tpu.memref_slice %arg13[%select_n3A_362] : memref<4x!tpu.dma_semaphore, #tpu.memory_space<semaphore_mem>> -> memref<1x!tpu.dma_semaphore, #tpu.memory_space<semaphore_mem>>
      %dma_wait3A_396 = tpu.memref_squeeze %dma_wait3A_395 : memref<1x!tpu.dma_semaphore, #tpu.memory_space<semaphore_mem>> -> memref<!tpu.dma_semaphore, #tpu.memory_space<semaphore_mem>>
      tpu.wait_indirect_dma semaphore(%dma_wait3A_396 : memref<!tpu.dma_semaphore, #tpu.memory_space<semaphore_mem>>) src(%dma_wait3A_394 : memref<4000000x32xf32, #tpu.memory_space<hbm>>) dst(%dma_wait3A_388 : memref<128x32xf32, #tpu.memory_space<vmem>>)
      %get3A_397 = arith.constant 1 : i32
      %get3A_398 = arith.index_cast %select_n3A_362 : i32 to index
      %get3A_399 = arith.index_cast %get3A_397 : i32 to index
      %get3A_400 = arith.constant 0 : index
      %get3A_401 = tpu.vector_load %arg7[%get3A_398, %get3A_399, %get3A_400] {strides = array<i32>} : memref<4x2x128xf32, #tpu.memory_space<vmem>>, vector<16xf32>,
      %get3A_402 = arith.index_cast %select_n3A_362 : i32 to index
      %get3A_403 = arith.constant 0 : index
      %get3A_404 = tpu.vector_load %arg6[%get3A_402, %get3A_403] {strides = array<i32>} : memref<4x128xf32, #tpu.memory_space<vmem>>, vector<16xf32>,
      %add3A_405 = arith.addf %get3A_401, %get3A_404 : vector<16xf32>
      %get3A_406 = arith.constant 1 : i32
      %get3A_407 = arith.index_cast %select_n3A_362 : i32 to index
      %get3A_408 = arith.index_cast %get3A_406 : i32 to index
      %get3A_409 = arith.constant 16 : index
      %get3A_410 = tpu.vector_load %arg7[%get3A_407, %get3A_408, %get3A_409] {strides = array<i32>} : memref<4x2x128xf32, #tpu.memory_space<vmem>>, vector<16xf32>,
      %get3A_411 = arith.index_cast %select_n3A_362 : i32 to index
      %get3A_412 = arith.constant 16 : index
      %get3A_413 = tpu.vector_load %arg6[%get3A_411, %get3A_412] {strides = array<i32>} : memref<4x128xf32, #tpu.memory_space<vmem>>, vector<16xf32>,
      %add3A_414 = arith.addf %get3A_410, %get3A_413 : vector<16xf32>
      %get3A_415 = arith.constant 1 : i32
      %get3A_416 = arith.index_cast %select_n3A_362 : i32 to index
      %get3A_417 = arith.index_cast %get3A_415 : i32 to index
      %get3A_418 = arith.constant 32 : index
      %get3A_419 = tpu.vector_load %arg7[%get3A_416, %get3A_417, %get3A_418] {strides = array<i32>} : memref<4x2x128xf32, #tpu.memory_space<vmem>>, vector<16xf32>,
      %get3A_420 = arith.index_cast %select_n3A_362 : i32 to index
      %get3A_421 = arith.constant 32 : index
      %get3A_422 = tpu.vector_load %arg6[%get3A_420, %get3A_421] {strides = array<i32>} : memref<4x128xf32, #tpu.memory_space<vmem>>, vector<16xf32>,
      %add3A_423 = arith.addf %get3A_419, %get3A_422 : vector<16xf32>
      %get3A_424 = arith.constant 1 : i32
      %get3A_425 = arith.index_cast %select_n3A_362 : i32 to index
      %get3A_426 = arith.index_cast %get3A_424 : i32 to index
      %get3A_427 = arith.constant 48 : index
      %get3A_428 = tpu.vector_load %arg7[%get3A_425, %get3A_426, %get3A_427] {strides = array<i32>} : memref<4x2x128xf32, #tpu.memory_space<vmem>>, vector<16xf32>,
      %get3A_429 = arith.index_cast %select_n3A_362 : i32 to index
      %get3A_430 = arith.constant 48 : index
      %get3A_431 = tpu.vector_load %arg6[%get3A_429, %get3A_430] {strides = array<i32>} : memref<4x128xf32, #tpu.memory_space<vmem>>, vector<16xf32>,
      %add3A_432 = arith.addf %get3A_428, %get3A_431 : vector<16xf32>
      %get3A_433 = arith.constant 1 : i32
      %get3A_434 = arith.index_cast %select_n3A_362 : i32 to index
      %get3A_435 = arith.index_cast %get3A_433 : i32 to index
      %get3A_436 = arith.constant 64 : index
      %get3A_437 = tpu.vector_load %arg7[%get3A_434, %get3A_435, %get3A_436] {strides = array<i32>} : memref<4x2x128xf32, #tpu.memory_space<vmem>>, vector<16xf32>,
      %get3A_438 = arith.index_cast %select_n3A_362 : i32 to index
      %get3A_439 = arith.constant 64 : index
      %get3A_440 = tpu.vector_load %arg6[%get3A_438, %get3A_439] {strides = array<i32>} : memref<4x128xf32, #tpu.memory_space<vmem>>, vector<16xf32>,
      %add3A_441 = arith.addf %get3A_437, %get3A_440 : vector<16xf32>
      %get3A_442 = arith.constant 1 : i32
      %get3A_443 = arith.index_cast %select_n3A_362 : i32 to index
      %get3A_444 = arith.index_cast %get3A_442 : i32 to index
      %get3A_445 = arith.constant 80 : index
      %get3A_446 = tpu.vector_load %arg7[%get3A_443, %get3A_444, %get3A_445] {strides = array<i32>} : memref<4x2x128xf32, #tpu.memory_space<vmem>>, vector<16xf32>,
      %get3A_447 = arith.index_cast %select_n3A_362 : i32 to index
      %get3A_448 = arith.constant 80 : index
      %get3A_449 = tpu.vector_load %arg6[%get3A_447, %get3A_448] {strides = array<i32>} : memref<4x128xf32, #tpu.memory_space<vmem>>, vector<16xf32>,
      %add3A_450 = arith.addf %get3A_446, %get3A_449 : vector<16xf32>
      %get3A_451 = arith.constant 1 : i32
      %get3A_452 = arith.index_cast %select_n3A_362 : i32 to index
      %get3A_453 = arith.index_cast %get3A_451 : i32 to index
      %get3A_454 = arith.constant 96 : index
      %get3A_455 = tpu.vector_load %arg7[%get3A_452, %get3A_453, %get3A_454] {strides = array<i32>} : memref<4x2x128xf32, #tpu.memory_space<vmem>>, vector<16xf32>,
      %get3A_456 = arith.index_cast %select_n3A_362 : i32 to index
      %get3A_457 = arith.constant 96 : index
      %get3A_458 = tpu.vector_load %arg6[%get3A_456, %get3A_457] {strides = array<i32>} : memref<4x128xf32, #tpu.memory_space<vmem>>, vector<16xf32>,
      %add3A_459 = arith.addf %get3A_455, %get3A_458 : vector<16xf32>
      %get3A_460 = arith.constant 1 : i32
      %get3A_461 = arith.index_cast %select_n3A_362 : i32 to index
      %get3A_462 = arith.index_cast %get3A_460 : i32 to index
      %get3A_463 = arith.constant 112 : index
      %get3A_464 = tpu.vector_load %arg7[%get3A_461, %get3A_462, %get3A_463] {strides = array<i32>} : memref<4x2x128xf32, #tpu.memory_space<vmem>>, vector<16xf32>,
      %get3A_465 = arith.index_cast %select_n3A_362 : i32 to index
      %get3A_466 = arith.constant 112 : index
      %get3A_467 = tpu.vector_load %arg6[%get3A_465, %get3A_466] {strides = array<i32>} : memref<4x128xf32, #tpu.memory_space<vmem>>, vector<16xf32>,
      %add3A_468 = arith.addf %get3A_464, %get3A_467 : vector<16xf32>
      %add3A_469 = arith.constant 4 : i32
      %add3A_470 = arith.addi %scan3A_353, %add3A_469 : i32
      %lt3A_471 = arith.constant 800 : i32
      %lt3A_472 = arith.cmpi slt, %add3A_470, %lt3A_471 : i32
      %convert_element_type3A_473 = arith.extui %lt3A_472 : i1 to i32
      %cond3A_474 = arith.constant 0 : i32
      %cond3A_475 = arith.cmpi ne, %convert_element_type3A_473, %cond3A_474 : i32
      scf.if %cond3A_475 {
        %add3A_573 = arith.constant 4 : i32
        %add3A_574 = arith.addi %scan3A_353, %add3A_573 : i32
        %jit3A_575 = arith.constant 4 : i32
        %div3A_576 = arith.divsi %add3A_574, %jit3A_575 : i32
        %sign3A_577 = arith.constant 0 : i32
        %sign3A_578 = arith.cmpi sgt, %add3A_574, %sign3A_577 : i32
        %sign3A_579 = arith.extui %sign3A_578 : i1 to i32
        %sign3A_580 = arith.constant 0 : i32
        %sign3A_581 = arith.cmpi slt, %add3A_574, %sign3A_580 : i32
        %sign3A_582 = arith.extui %sign3A_581 : i1 to i32
        %sign3A_583 = arith.subi %sign3A_579, %sign3A_582 : i32
        %sign3A_584 = arith.constant 0 : i32
        %sign3A_585 = arith.cmpi sgt, %jit3A_575, %sign3A_584 : i32
        %sign3A_586 = arith.extui %sign3A_585 : i1 to i32
        %sign3A_587 = arith.constant 0 : i32
        %sign3A_588 = arith.cmpi slt, %jit3A_575, %sign3A_587 : i32
        %sign3A_589 = arith.extui %sign3A_588 : i1 to i32
        %sign3A_590 = arith.subi %sign3A_586, %sign3A_589 : i32
        %ne3A_591 = arith.cmpi ne, %sign3A_583, %sign3A_590 : i32
        %rem3A_592 = arith.remsi %add3A_574, %jit3A_575 : i32
        %ne3A_593 = arith.constant 0 : i32
        %ne3A_594 = arith.cmpi ne, %rem3A_592, %ne3A_593 : i32
        %and3A_595 = arith.andi %ne3A_591, %ne3A_594 : i1
        %sub3A_596 = arith.constant 1 : i32
        %sub3A_597 = arith.subi %div3A_576, %sub3A_596 : i32
        %select_n3A_598 = arith.select %and3A_595, %sub3A_597, %div3A_576 : i32
        %jit3A_599 = arith.constant 4 : i32
        %eq3A_600 = arith.constant 0 : i32
        %eq3A_601 = arith.cmpi eq, %jit3A_599, %eq3A_600 : i32
        %jit3A_602 = arith.constant 1 : i32
        %select_n3A_603 = arith.select %eq3A_601, %jit3A_602, %jit3A_599 : i32
        %rem3A_604 = arith.remsi %add3A_574, %select_n3A_603 : i32
        %ne3A_605 = arith.constant 0 : i32
        %ne3A_606 = arith.cmpi ne, %rem3A_604, %ne3A_605 : i32
        %lt3A_607 = arith.constant 0 : i32
        %lt3A_608 = arith.cmpi slt, %rem3A_604, %lt3A_607 : i32
        %lt3A_609 = arith.constant 0 : i32
        %lt3A_610 = arith.cmpi slt, %select_n3A_603, %lt3A_609 : i32
        %ne3A_611 = arith.xori %lt3A_608, %lt3A_610 : i1
        %and3A_612 = arith.andi %ne3A_611, %ne3A_606 : i1
        %add3A_613 = arith.addi %rem3A_604, %select_n3A_603 : i32
        %select_n3A_614 = arith.select %and3A_612, %add3A_613, %rem3A_604 : i32
        %add3A_615 = arith.addi %mul3A_2, %select_n3A_614 : i32
        %jit3A_616 = arith.constant 4 : i32
        %eq3A_617 = arith.constant 0 : i32
        %eq3A_618 = arith.cmpi eq, %jit3A_616, %eq3A_617 : i32
        %jit3A_619 = arith.constant 1 : i32
        %select_n3A_620 = arith.select %eq3A_618, %jit3A_619, %jit3A_616 : i32
        %rem3A_621 = arith.remsi %add3A_574, %select_n3A_620 : i32
        %ne3A_622 = arith.constant 0 : i32
        %ne3A_623 = arith.cmpi ne, %rem3A_621, %ne3A_622 : i32
        %lt3A_624 = arith.constant 0 : i32
        %lt3A_625 = arith.cmpi slt, %rem3A_621, %lt3A_624 : i32
        %lt3A_626 = arith.constant 0 : i32
        %lt3A_627 = arith.cmpi slt, %select_n3A_620, %lt3A_626 : i32
        %ne3A_628 = arith.xori %lt3A_625, %lt3A_627 : i1
        %and3A_629 = arith.andi %ne3A_628, %ne3A_623 : i1
        %add3A_630 = arith.addi %rem3A_621, %select_n3A_620 : i32
        %select_n3A_631 = arith.select %and3A_629, %add3A_630, %rem3A_621 : i32
        %jit3A_632 = arith.constant 4 : i32
        %eq3A_633 = arith.constant 0 : i32
        %eq3A_634 = arith.cmpi eq, %jit3A_632, %eq3A_633 : i32
        %jit3A_635 = arith.constant 1 : i32
        %select_n3A_636 = arith.select %eq3A_634, %jit3A_635, %jit3A_632 : i32
        %rem3A_637 = arith.remsi %add3A_574, %select_n3A_636 : i32
        %ne3A_638 = arith.constant 0 : i32
        %ne3A_639 = arith.cmpi ne, %rem3A_637, %ne3A_638 : i32
        %lt3A_640 = arith.constant 0 : i32
        %lt3A_641 = arith.cmpi slt, %rem3A_637, %lt3A_640 : i32
        %lt3A_642 = arith.constant 0 : i32
        %lt3A_643 = arith.cmpi slt, %select_n3A_636, %lt3A_642 : i32
        %ne3A_644 = arith.xori %lt3A_641, %lt3A_643 : i1
        %and3A_645 = arith.andi %ne3A_644, %ne3A_639 : i1
        %add3A_646 = arith.addi %rem3A_637, %select_n3A_636 : i32
        %select_n3A_647 = arith.select %and3A_645, %add3A_646, %rem3A_637 : i32
        %dma_start3A_648 = arith.constant 0 : i32
        %dma_start3A_649 = arith.constant 0 : i32
        %dma_start3A_650 = tpu.memref_slice %arg7[%select_n3A_631, %dma_start3A_648, %dma_start3A_649] : memref<4x2x128xf32, #tpu.memory_space<vmem>> -> memref<1x2x128xf32, #tpu.memory_space<vmem>>
        %dma_start3A_651 = tpu.memref_squeeze %dma_start3A_650 : memref<1x2x128xf32, #tpu.memory_space<vmem>> -> memref<2x128xf32, #tpu.memory_space<vmem>>
        %dma_start3A_652 = arith.constant 0 : i32
        %dma_start3A_653 = arith.constant 0 : i32
        %dma_start3A_654 = tpu.memref_slice %arg3[%select_n3A_598, %add3A_615, %dma_start3A_652, %dma_start3A_653] : memref<200x128x2x128xf32, #tpu.memory_space<hbm>> -> memref<1x1x2x128xf32, #tpu.memory_space<hbm>>
        %dma_start3A_655 = tpu.memref_squeeze %dma_start3A_654 : memref<1x1x2x128xf32, #tpu.memory_space<hbm>> -> memref<2x128xf32, #tpu.memory_space<hbm>>
        %dma_start3A_656 = tpu.memref_slice %arg12[%select_n3A_647] : memref<4x!tpu.dma_semaphore, #tpu.memory_space<semaphore_mem>> -> memref<1x!tpu.dma_semaphore, #tpu.memory_space<semaphore_mem>>
        %dma_start3A_657 = tpu.memref_squeeze %dma_start3A_656 : memref<1x!tpu.dma_semaphore, #tpu.memory_space<semaphore_mem>> -> memref<!tpu.dma_semaphore, #tpu.memory_space<semaphore_mem>>
        %dma_start3A_658 = arith.constant 0 : i32
        %dma_start3A_659 = arith.constant 0 : i32
        %dma_start3A_660 = tpu.memref_slice %arg7[%select_n3A_631, %dma_start3A_658, %dma_start3A_659] : memref<4x2x128xf32, #tpu.memory_space<vmem>> -> memref<1x2x128xf32, #tpu.memory_space<vmem>>
        %dma_start3A_661 = tpu.memref_squeeze %dma_start3A_660 : memref<1x2x128xf32, #tpu.memory_space<vmem>> -> memref<2x128xf32, #tpu.memory_space<vmem>>
        %dma_start3A_662 = arith.constant 0 : i32
        %dma_start3A_663 = arith.constant 0 : i32
        %dma_start3A_664 = tpu.memref_slice %arg3[%select_n3A_598, %add3A_615, %dma_start3A_662, %dma_start3A_663] : memref<200x128x2x128xf32, #tpu.memory_space<hbm>> -> memref<1x1x2x128xf32, #tpu.memory_space<hbm>>
        %dma_start3A_665 = tpu.memref_squeeze %dma_start3A_664 : memref<1x1x2x128xf32, #tpu.memory_space<hbm>> -> memref<2x128xf32, #tpu.memory_space<hbm>>
        tpu.enqueue_dma source(%dma_start3A_665 : memref<2x128xf32, #tpu.memory_space<hbm>>) target(%dma_start3A_661 : memref<2x128xf32, #tpu.memory_space<vmem>>) target_semaphore(%dma_start3A_657 : memref<!tpu.dma_semaphore, #tpu.memory_space<semaphore_mem>>)
      } else {
      }
      %parallel_loop3A = arith.constant 0 : i32
      %parallel_loop3A_476 = arith.constant 128 : i32
      %parallel_loop3A_477 = arith.constant 1 : i32
      scf.for %parallel_loop3A_573 = %parallel_loop3A to %parallel_loop3A_476 step %parallel_loop3A_477  : i32 {
        %parallel_loop3A_574 = arith.constant 0 : i32
        %parallel_loop3A_575 = arith.constant 0 : i32
        %parallel_loop3A_576 = tpu.memref_slice %arg9[%select_n3A_362, %parallel_loop3A_574, %parallel_loop3A_575] : memref<4x128x32xf32, #tpu.memory_space<vmem>> -> memref<1x128x32xf32, #tpu.memory_space<vmem>>
        %parallel_loop3A_577 = tpu.memref_squeeze %parallel_loop3A_576 : memref<1x128x32xf32, #tpu.memory_space<vmem>> -> memref<128x32xf32, #tpu.memory_space<vmem>>
        %parallel_loop3A_578 = arith.index_cast %parallel_loop3A_573 : i32 to index
        %parallel_loop3A_579 = arith.constant 0 : index
        %parallel_loop3A_580 = tpu.vector_load %parallel_loop3A_577[%parallel_loop3A_578, %parallel_loop3A_579] {strides = array<i32>} : memref<128x32xf32, #tpu.memory_space<vmem>>, vector<16xf32>,
        %parallel_loop3A_581 = arith.constant 33 : i32
        %parallel_loop3A_582 = arith.muli %parallel_loop3A_573, %parallel_loop3A_581 : i32
        %parallel_loop3A_583 = arith.constant 0 : i32
        %parallel_loop3A_584 = tpu.memref_slice %arg10[%select_n3A_362, %parallel_loop3A_583] : memref<4x4224xf32, #tpu.memory_space<vmem>> -> memref<1x4224xf32, #tpu.memory_space<vmem>>
        %parallel_loop3A_585 = tpu.memref_squeeze %parallel_loop3A_584 : memref<1x4224xf32, #tpu.memory_space<vmem>> -> memref<4224xf32, #tpu.memory_space<vmem>>
        %parallel_loop3A_586 = arith.index_cast %parallel_loop3A_582 : i32 to index
        %parallel_loop3A_587 = tpu.vector_load %parallel_loop3A_585[%parallel_loop3A_586] {strides = array<i32>} : memref<4224xf32, #tpu.memory_space<vmem>>, vector<16xf32>,
        tpu.vector_store %parallel_loop3A_585[%parallel_loop3A_586], %parallel_loop3A_580 {strides = array<i32>} : memref<4224xf32, #tpu.memory_space<vmem>>, vector<16xf32>,
        %parallel_loop3A_588 = arith.constant 0 : i32
        %parallel_loop3A_589 = arith.constant 0 : i32
        %parallel_loop3A_590 = tpu.memref_slice %arg9[%select_n3A_362, %parallel_loop3A_588, %parallel_loop3A_589] : memref<4x128x32xf32, #tpu.memory_space<vmem>> -> memref<1x128x32xf32, #tpu.memory_space<vmem>>
        %parallel_loop3A_591 = tpu.memref_squeeze %parallel_loop3A_590 : memref<1x128x32xf32, #tpu.memory_space<vmem>> -> memref<128x32xf32, #tpu.memory_space<vmem>>
        %parallel_loop3A_592 = arith.index_cast %parallel_loop3A_573 : i32 to index
        %parallel_loop3A_593 = arith.constant 16 : index
        %parallel_loop3A_594 = tpu.vector_load %parallel_loop3A_591[%parallel_loop3A_592, %parallel_loop3A_593] {strides = array<i32>} : memref<128x32xf32, #tpu.memory_space<vmem>>, vector<16xf32>,
        %parallel_loop3A_595 = arith.constant 33 : i32
        %parallel_loop3A_596 = arith.muli %parallel_loop3A_573, %parallel_loop3A_595 : i32
        %parallel_loop3A_597 = arith.constant 16 : i32
        %parallel_loop3A_598 = arith.addi %parallel_loop3A_596, %parallel_loop3A_597 : i32
        %parallel_loop3A_599 = arith.constant 0 : i32
        %parallel_loop3A_600 = tpu.memref_slice %arg10[%select_n3A_362, %parallel_loop3A_599] : memref<4x4224xf32, #tpu.memory_space<vmem>> -> memref<1x4224xf32, #tpu.memory_space<vmem>>
        %parallel_loop3A_601 = tpu.memref_squeeze %parallel_loop3A_600 : memref<1x4224xf32, #tpu.memory_space<vmem>> -> memref<4224xf32, #tpu.memory_space<vmem>>
        %parallel_loop3A_602 = arith.index_cast %parallel_loop3A_598 : i32 to index
        %parallel_loop3A_603 = tpu.vector_load %parallel_loop3A_601[%parallel_loop3A_602] {strides = array<i32>} : memref<4224xf32, #tpu.memory_space<vmem>>, vector<16xf32>,
        tpu.vector_store %parallel_loop3A_601[%parallel_loop3A_602], %parallel_loop3A_594 {strides = array<i32>} : memref<4224xf32, #tpu.memory_space<vmem>>, vector<16xf32>,
      } {sc.loop_unroll_factor = 16 : i64, sc.parallel_access}
      %mul3A_478 = arith.constant 33 : i32
      %mul3A_479 = vector.broadcast %mul3A_478 : i32 to vector<16xi32>
      %mul3A_480 = arith.muli %iota3A, %mul3A_479 : vector<16xi32>
      %add3A_481 = arith.constant 0 : i32
      %add3A_482 = vector.broadcast %add3A_481 : i32 to vector<16xi32>
      %add3A_483 = arith.addi %mul3A_480, %add3A_482 : vector<16xi32>
      %mul3A_484 = arith.constant 33 : i32
      %mul3A_485 = vector.broadcast %mul3A_484 : i32 to vector<16xi32>
      %mul3A_486 = arith.muli %iota3A, %mul3A_485 : vector<16xi32>
      %add3A_487 = arith.constant 528 : i32
      %add3A_488 = vector.broadcast %add3A_487 : i32 to vector<16xi32>
      %add3A_489 = arith.addi %mul3A_486, %add3A_488 : vector<16xi32>
      %mul3A_490 = arith.constant 33 : i32
      %mul3A_491 = vector.broadcast %mul3A_490 : i32 to vector<16xi32>
      %mul3A_492 = arith.muli %iota3A, %mul3A_491 : vector<16xi32>
      %add3A_493 = arith.constant 1056 : i32
      %add3A_494 = vector.broadcast %add3A_493 : i32 to vector<16xi32>
      %add3A_495 = arith.addi %mul3A_492, %add3A_494 : vector<16xi32>
      %mul3A_496 = arith.constant 33 : i32
      %mul3A_497 = vector.broadcast %mul3A_496 : i32 to vector<16xi32>
      %mul3A_498 = arith.muli %iota3A, %mul3A_497 : vector<16xi32>
      %add3A_499 = arith.constant 1584 : i32
      %add3A_500 = vector.broadcast %add3A_499 : i32 to vector<16xi32>
      %add3A_501 = arith.addi %mul3A_498, %add3A_500 : vector<16xi32>
      %mul3A_502 = arith.constant 33 : i32
      %mul3A_503 = vector.broadcast %mul3A_502 : i32 to vector<16xi32>
      %mul3A_504 = arith.muli %iota3A, %mul3A_503 : vector<16xi32>
      %add3A_505 = arith.constant 2112 : i32
      %add3A_506 = vector.broadcast %add3A_505 : i32 to vector<16xi32>
      %add3A_507 = arith.addi %mul3A_504, %add3A_506 : vector<16xi32>
      %mul3A_508 = arith.constant 33 : i32
      %mul3A_509 = vector.broadcast %mul3A_508 : i32 to vector<16xi32>
      %mul3A_510 = arith.muli %iota3A, %mul3A_509 : vector<16xi32>
      %add3A_511 = arith.constant 2640 : i32
      %add3A_512 = vector.broadcast %add3A_511 : i32 to vector<16xi32>
      %add3A_513 = arith.addi %mul3A_510, %add3A_512 : vector<16xi32>
      %mul3A_514 = arith.constant 33 : i32
      %mul3A_515 = vector.broadcast %mul3A_514 : i32 to vector<16xi32>
      %mul3A_516 = arith.muli %iota3A, %mul3A_515 : vector<16xi32>
      %add3A_517 = arith.constant 3168 : i32
      %add3A_518 = vector.broadcast %add3A_517 : i32 to vector<16xi32>
      %add3A_519 = arith.addi %mul3A_516, %add3A_518 : vector<16xi32>
      %mul3A_520 = arith.constant 33 : i32
      %mul3A_521 = vector.broadcast %mul3A_520 : i32 to vector<16xi32>
      %mul3A_522 = arith.muli %iota3A, %mul3A_521 : vector<16xi32>
      %add3A_523 = arith.constant 3696 : i32
      %add3A_524 = vector.broadcast %add3A_523 : i32 to vector<16xi32>
      %add3A_525 = arith.addi %mul3A_522, %add3A_524 : vector<16xi32>
      %parallel_loop3A_526 = arith.constant 0 : i32
      %parallel_loop3A_527 = arith.constant 32 : i32
      %parallel_loop3A_528 = arith.constant 1 : i32
      scf.for %parallel_loop3A_573 = %parallel_loop3A_526 to %parallel_loop3A_527 step %parallel_loop3A_528  : i32 {
        %parallel_loop3A_574 = vector.broadcast %parallel_loop3A_573 : i32 to vector<16xi32>
        %parallel_loop3A_575 = arith.constant 8 : i32
        %parallel_loop3A_576 = arith.divsi %parallel_loop3A_573, %parallel_loop3A_575 : i32
        %parallel_loop3A_577 = arith.constant 0 : i32
        %parallel_loop3A_578 = arith.cmpi sgt, %parallel_loop3A_573, %parallel_loop3A_577 : i32
        %parallel_loop3A_579 = arith.extui %parallel_loop3A_578 : i1 to i32
        %parallel_loop3A_580 = arith.constant 0 : i32
        %parallel_loop3A_581 = arith.cmpi slt, %parallel_loop3A_573, %parallel_loop3A_580 : i32
        %parallel_loop3A_582 = arith.extui %parallel_loop3A_581 : i1 to i32
        %parallel_loop3A_583 = arith.subi %parallel_loop3A_579, %parallel_loop3A_582 : i32
        %parallel_loop3A_584 = arith.constant 0 : i32
        %parallel_loop3A_585 = arith.cmpi sgt, %parallel_loop3A_575, %parallel_loop3A_584 : i32
        %parallel_loop3A_586 = arith.extui %parallel_loop3A_585 : i1 to i32
        %parallel_loop3A_587 = arith.constant 0 : i32
        %parallel_loop3A_588 = arith.cmpi slt, %parallel_loop3A_575, %parallel_loop3A_587 : i32
        %parallel_loop3A_589 = arith.extui %parallel_loop3A_588 : i1 to i32
        %parallel_loop3A_590 = arith.subi %parallel_loop3A_586, %parallel_loop3A_589 : i32
        %parallel_loop3A_591 = arith.cmpi ne, %parallel_loop3A_583, %parallel_loop3A_590 : i32
        %parallel_loop3A_592 = arith.remsi %parallel_loop3A_573, %parallel_loop3A_575 : i32
        %parallel_loop3A_593 = arith.constant 0 : i32
        %parallel_loop3A_594 = arith.cmpi ne, %parallel_loop3A_592, %parallel_loop3A_593 : i32
        %parallel_loop3A_595 = arith.andi %parallel_loop3A_591, %parallel_loop3A_594 : i1
        %parallel_loop3A_596 = arith.constant 1 : i32
        %parallel_loop3A_597 = arith.subi %parallel_loop3A_576, %parallel_loop3A_596 : i32
        %parallel_loop3A_598 = arith.select %parallel_loop3A_595, %parallel_loop3A_597, %parallel_loop3A_576 : i32
        %parallel_loop3A_599 = arith.constant 8 : i32
        %parallel_loop3A_600 = arith.constant 0 : i32
        %parallel_loop3A_601 = arith.cmpi eq, %parallel_loop3A_599, %parallel_loop3A_600 : i32
        %parallel_loop3A_602 = arith.constant 1 : i32
        %parallel_loop3A_603 = arith.select %parallel_loop3A_601, %parallel_loop3A_602, %parallel_loop3A_599 : i32
        %parallel_loop3A_604 = arith.remsi %parallel_loop3A_573, %parallel_loop3A_603 : i32
        %parallel_loop3A_605 = arith.constant 0 : i32
        %parallel_loop3A_606 = arith.cmpi ne, %parallel_loop3A_604, %parallel_loop3A_605 : i32
        %parallel_loop3A_607 = arith.constant 0 : i32
        %parallel_loop3A_608 = arith.cmpi slt, %parallel_loop3A_604, %parallel_loop3A_607 : i32
        %parallel_loop3A_609 = arith.constant 0 : i32
        %parallel_loop3A_610 = arith.cmpi slt, %parallel_loop3A_603, %parallel_loop3A_609 : i32
        %parallel_loop3A_611 = arith.xori %parallel_loop3A_608, %parallel_loop3A_610 : i1
        %parallel_loop3A_612 = arith.andi %parallel_loop3A_611, %parallel_loop3A_606 : i1
        %parallel_loop3A_613 = arith.addi %parallel_loop3A_604, %parallel_loop3A_603 : i32
        %parallel_loop3A_614 = arith.select %parallel_loop3A_612, %parallel_loop3A_613, %parallel_loop3A_604 : i32
        %parallel_loop3A_615 = arith.addi %add3A_483, %parallel_loop3A_574 : vector<16xi32>
        %parallel_loop3A_616 = arith.constant 0 : i32
        %parallel_loop3A_617 = tpu.memref_slice %arg10[%select_n3A_362, %parallel_loop3A_616] : memref<4x4224xf32, #tpu.memory_space<vmem>> -> memref<1x4224xf32, #tpu.memory_space<vmem>>
        %parallel_loop3A_618 = tpu.memref_squeeze %parallel_loop3A_617 : memref<1x4224xf32, #tpu.memory_space<vmem>> -> memref<4224xf32, #tpu.memory_space<vmem>>
        %parallel_loop3A_619 = tpu.vector_load_idx %parallel_loop3A_618[%parallel_loop3A_615] : memref<4224xf32, #tpu.memory_space<vmem>>[vector<16xi32>], vector<16xf32>,
        %parallel_loop3A_620 = arith.addf %parallel_loop3A_619, %add3A_405 : vector<16xf32>
        %parallel_loop3A_621 = arith.constant 0 : i32
        %parallel_loop3A_622 = arith.constant 0 : i32
        %parallel_loop3A_623 = arith.constant 0 : i32
        %parallel_loop3A_624 = tpu.memref_slice %arg11[%select_n3A_362, %parallel_loop3A_621, %parallel_loop3A_622, %parallel_loop3A_623] : memref<4x4x8x128xf32, #tpu.memory_space<vmem>> -> memref<1x4x8x128xf32, #tpu.memory_space<vmem>>
        %parallel_loop3A_625 = tpu.memref_squeeze %parallel_loop3A_624 : memref<1x4x8x128xf32, #tpu.memory_space<vmem>> -> memref<4x8x128xf32, #tpu.memory_space<vmem>>
        %parallel_loop3A_626 = arith.index_cast %parallel_loop3A_598 : i32 to index
        %parallel_loop3A_627 = arith.index_cast %parallel_loop3A_614 : i32 to index
        %parallel_loop3A_628 = arith.constant 0 : index
        %parallel_loop3A_629 = tpu.vector_load %parallel_loop3A_625[%parallel_loop3A_626, %parallel_loop3A_627, %parallel_loop3A_628] {strides = array<i32>} : memref<4x8x128xf32, #tpu.memory_space<vmem>>, vector<16xf32>,
        tpu.vector_store %parallel_loop3A_625[%parallel_loop3A_626, %parallel_loop3A_627, %parallel_loop3A_628], %parallel_loop3A_620 {strides = array<i32>} : memref<4x8x128xf32, #tpu.memory_space<vmem>>, vector<16xf32>,
        %parallel_loop3A_630 = arith.addi %add3A_489, %parallel_loop3A_574 : vector<16xi32>
        %parallel_loop3A_631 = arith.constant 0 : i32
        %parallel_loop3A_632 = tpu.memref_slice %arg10[%select_n3A_362, %parallel_loop3A_631] : memref<4x4224xf32, #tpu.memory_space<vmem>> -> memref<1x4224xf32, #tpu.memory_space<vmem>>
        %parallel_loop3A_633 = tpu.memref_squeeze %parallel_loop3A_632 : memref<1x4224xf32, #tpu.memory_space<vmem>> -> memref<4224xf32, #tpu.memory_space<vmem>>
        %parallel_loop3A_634 = tpu.vector_load_idx %parallel_loop3A_633[%parallel_loop3A_630] : memref<4224xf32, #tpu.memory_space<vmem>>[vector<16xi32>], vector<16xf32>,
        %parallel_loop3A_635 = arith.addf %parallel_loop3A_634, %add3A_414 : vector<16xf32>
        %parallel_loop3A_636 = arith.constant 0 : i32
        %parallel_loop3A_637 = arith.constant 0 : i32
        %parallel_loop3A_638 = arith.constant 0 : i32
        %parallel_loop3A_639 = tpu.memref_slice %arg11[%select_n3A_362, %parallel_loop3A_636, %parallel_loop3A_637, %parallel_loop3A_638] : memref<4x4x8x128xf32, #tpu.memory_space<vmem>> -> memref<1x4x8x128xf32, #tpu.memory_space<vmem>>
        %parallel_loop3A_640 = tpu.memref_squeeze %parallel_loop3A_639 : memref<1x4x8x128xf32, #tpu.memory_space<vmem>> -> memref<4x8x128xf32, #tpu.memory_space<vmem>>
        %parallel_loop3A_641 = arith.index_cast %parallel_loop3A_598 : i32 to index
        %parallel_loop3A_642 = arith.index_cast %parallel_loop3A_614 : i32 to index
        %parallel_loop3A_643 = arith.constant 16 : index
        %parallel_loop3A_644 = tpu.vector_load %parallel_loop3A_640[%parallel_loop3A_641, %parallel_loop3A_642, %parallel_loop3A_643] {strides = array<i32>} : memref<4x8x128xf32, #tpu.memory_space<vmem>>, vector<16xf32>,
        tpu.vector_store %parallel_loop3A_640[%parallel_loop3A_641, %parallel_loop3A_642, %parallel_loop3A_643], %parallel_loop3A_635 {strides = array<i32>} : memref<4x8x128xf32, #tpu.memory_space<vmem>>, vector<16xf32>,
        %parallel_loop3A_645 = arith.addi %add3A_495, %parallel_loop3A_574 : vector<16xi32>
        %parallel_loop3A_646 = arith.constant 0 : i32
        %parallel_loop3A_647 = tpu.memref_slice %arg10[%select_n3A_362, %parallel_loop3A_646] : memref<4x4224xf32, #tpu.memory_space<vmem>> -> memref<1x4224xf32, #tpu.memory_space<vmem>>
        %parallel_loop3A_648 = tpu.memref_squeeze %parallel_loop3A_647 : memref<1x4224xf32, #tpu.memory_space<vmem>> -> memref<4224xf32, #tpu.memory_space<vmem>>
        %parallel_loop3A_649 = tpu.vector_load_idx %parallel_loop3A_648[%parallel_loop3A_645] : memref<4224xf32, #tpu.memory_space<vmem>>[vector<16xi32>], vector<16xf32>,
        %parallel_loop3A_650 = arith.addf %parallel_loop3A_649, %add3A_423 : vector<16xf32>
        %parallel_loop3A_651 = arith.constant 0 : i32
        %parallel_loop3A_652 = arith.constant 0 : i32
        %parallel_loop3A_653 = arith.constant 0 : i32
        %parallel_loop3A_654 = tpu.memref_slice %arg11[%select_n3A_362, %parallel_loop3A_651, %parallel_loop3A_652, %parallel_loop3A_653] : memref<4x4x8x128xf32, #tpu.memory_space<vmem>> -> memref<1x4x8x128xf32, #tpu.memory_space<vmem>>
        %parallel_loop3A_655 = tpu.memref_squeeze %parallel_loop3A_654 : memref<1x4x8x128xf32, #tpu.memory_space<vmem>> -> memref<4x8x128xf32, #tpu.memory_space<vmem>>
        %parallel_loop3A_656 = arith.index_cast %parallel_loop3A_598 : i32 to index
        %parallel_loop3A_657 = arith.index_cast %parallel_loop3A_614 : i32 to index
        %parallel_loop3A_658 = arith.constant 32 : index
        %parallel_loop3A_659 = tpu.vector_load %parallel_loop3A_655[%parallel_loop3A_656, %parallel_loop3A_657, %parallel_loop3A_658] {strides = array<i32>} : memref<4x8x128xf32, #tpu.memory_space<vmem>>, vector<16xf32>,
        tpu.vector_store %parallel_loop3A_655[%parallel_loop3A_656, %parallel_loop3A_657, %parallel_loop3A_658], %parallel_loop3A_650 {strides = array<i32>} : memref<4x8x128xf32, #tpu.memory_space<vmem>>, vector<16xf32>,
        %parallel_loop3A_660 = arith.addi %add3A_501, %parallel_loop3A_574 : vector<16xi32>
        %parallel_loop3A_661 = arith.constant 0 : i32
        %parallel_loop3A_662 = tpu.memref_slice %arg10[%select_n3A_362, %parallel_loop3A_661] : memref<4x4224xf32, #tpu.memory_space<vmem>> -> memref<1x4224xf32, #tpu.memory_space<vmem>>
        %parallel_loop3A_663 = tpu.memref_squeeze %parallel_loop3A_662 : memref<1x4224xf32, #tpu.memory_space<vmem>> -> memref<4224xf32, #tpu.memory_space<vmem>>
        %parallel_loop3A_664 = tpu.vector_load_idx %parallel_loop3A_663[%parallel_loop3A_660] : memref<4224xf32, #tpu.memory_space<vmem>>[vector<16xi32>], vector<16xf32>,
        %parallel_loop3A_665 = arith.addf %parallel_loop3A_664, %add3A_432 : vector<16xf32>
        %parallel_loop3A_666 = arith.constant 0 : i32
        %parallel_loop3A_667 = arith.constant 0 : i32
        %parallel_loop3A_668 = arith.constant 0 : i32
        %parallel_loop3A_669 = tpu.memref_slice %arg11[%select_n3A_362, %parallel_loop3A_666, %parallel_loop3A_667, %parallel_loop3A_668] : memref<4x4x8x128xf32, #tpu.memory_space<vmem>> -> memref<1x4x8x128xf32, #tpu.memory_space<vmem>>
        %parallel_loop3A_670 = tpu.memref_squeeze %parallel_loop3A_669 : memref<1x4x8x128xf32, #tpu.memory_space<vmem>> -> memref<4x8x128xf32, #tpu.memory_space<vmem>>
        %parallel_loop3A_671 = arith.index_cast %parallel_loop3A_598 : i32 to index
        %parallel_loop3A_672 = arith.index_cast %parallel_loop3A_614 : i32 to index
        %parallel_loop3A_673 = arith.constant 48 : index
        %parallel_loop3A_674 = tpu.vector_load %parallel_loop3A_670[%parallel_loop3A_671, %parallel_loop3A_672, %parallel_loop3A_673] {strides = array<i32>} : memref<4x8x128xf32, #tpu.memory_space<vmem>>, vector<16xf32>,
        tpu.vector_store %parallel_loop3A_670[%parallel_loop3A_671, %parallel_loop3A_672, %parallel_loop3A_673], %parallel_loop3A_665 {strides = array<i32>} : memref<4x8x128xf32, #tpu.memory_space<vmem>>, vector<16xf32>,
        %parallel_loop3A_675 = arith.addi %add3A_507, %parallel_loop3A_574 : vector<16xi32>
        %parallel_loop3A_676 = arith.constant 0 : i32
        %parallel_loop3A_677 = tpu.memref_slice %arg10[%select_n3A_362, %parallel_loop3A_676] : memref<4x4224xf32, #tpu.memory_space<vmem>> -> memref<1x4224xf32, #tpu.memory_space<vmem>>
        %parallel_loop3A_678 = tpu.memref_squeeze %parallel_loop3A_677 : memref<1x4224xf32, #tpu.memory_space<vmem>> -> memref<4224xf32, #tpu.memory_space<vmem>>
        %parallel_loop3A_679 = tpu.vector_load_idx %parallel_loop3A_678[%parallel_loop3A_675] : memref<4224xf32, #tpu.memory_space<vmem>>[vector<16xi32>], vector<16xf32>,
        %parallel_loop3A_680 = arith.addf %parallel_loop3A_679, %add3A_441 : vector<16xf32>
        %parallel_loop3A_681 = arith.constant 0 : i32
        %parallel_loop3A_682 = arith.constant 0 : i32
        %parallel_loop3A_683 = arith.constant 0 : i32
        %parallel_loop3A_684 = tpu.memref_slice %arg11[%select_n3A_362, %parallel_loop3A_681, %parallel_loop3A_682, %parallel_loop3A_683] : memref<4x4x8x128xf32, #tpu.memory_space<vmem>> -> memref<1x4x8x128xf32, #tpu.memory_space<vmem>>
        %parallel_loop3A_685 = tpu.memref_squeeze %parallel_loop3A_684 : memref<1x4x8x128xf32, #tpu.memory_space<vmem>> -> memref<4x8x128xf32, #tpu.memory_space<vmem>>
        %parallel_loop3A_686 = arith.index_cast %parallel_loop3A_598 : i32 to index
        %parallel_loop3A_687 = arith.index_cast %parallel_loop3A_614 : i32 to index
        %parallel_loop3A_688 = arith.constant 64 : index
        %parallel_loop3A_689 = tpu.vector_load %parallel_loop3A_685[%parallel_loop3A_686, %parallel_loop3A_687, %parallel_loop3A_688] {strides = array<i32>} : memref<4x8x128xf32, #tpu.memory_space<vmem>>, vector<16xf32>,
        tpu.vector_store %parallel_loop3A_685[%parallel_loop3A_686, %parallel_loop3A_687, %parallel_loop3A_688], %parallel_loop3A_680 {strides = array<i32>} : memref<4x8x128xf32, #tpu.memory_space<vmem>>, vector<16xf32>,
        %parallel_loop3A_690 = arith.addi %add3A_513, %parallel_loop3A_574 : vector<16xi32>
        %parallel_loop3A_691 = arith.constant 0 : i32
        %parallel_loop3A_692 = tpu.memref_slice %arg10[%select_n3A_362, %parallel_loop3A_691] : memref<4x4224xf32, #tpu.memory_space<vmem>> -> memref<1x4224xf32, #tpu.memory_space<vmem>>
        %parallel_loop3A_693 = tpu.memref_squeeze %parallel_loop3A_692 : memref<1x4224xf32, #tpu.memory_space<vmem>> -> memref<4224xf32, #tpu.memory_space<vmem>>
        %parallel_loop3A_694 = tpu.vector_load_idx %parallel_loop3A_693[%parallel_loop3A_690] : memref<4224xf32, #tpu.memory_space<vmem>>[vector<16xi32>], vector<16xf32>,
        %parallel_loop3A_695 = arith.addf %parallel_loop3A_694, %add3A_450 : vector<16xf32>
        %parallel_loop3A_696 = arith.constant 0 : i32
        %parallel_loop3A_697 = arith.constant 0 : i32
        %parallel_loop3A_698 = arith.constant 0 : i32
        %parallel_loop3A_699 = tpu.memref_slice %arg11[%select_n3A_362, %parallel_loop3A_696, %parallel_loop3A_697, %parallel_loop3A_698] : memref<4x4x8x128xf32, #tpu.memory_space<vmem>> -> memref<1x4x8x128xf32, #tpu.memory_space<vmem>>
        %parallel_loop3A_700 = tpu.memref_squeeze %parallel_loop3A_699 : memref<1x4x8x128xf32, #tpu.memory_space<vmem>> -> memref<4x8x128xf32, #tpu.memory_space<vmem>>
        %parallel_loop3A_701 = arith.index_cast %parallel_loop3A_598 : i32 to index
        %parallel_loop3A_702 = arith.index_cast %parallel_loop3A_614 : i32 to index
        %parallel_loop3A_703 = arith.constant 80 : index
        %parallel_loop3A_704 = tpu.vector_load %parallel_loop3A_700[%parallel_loop3A_701, %parallel_loop3A_702, %parallel_loop3A_703] {strides = array<i32>} : memref<4x8x128xf32, #tpu.memory_space<vmem>>, vector<16xf32>,
        tpu.vector_store %parallel_loop3A_700[%parallel_loop3A_701, %parallel_loop3A_702, %parallel_loop3A_703], %parallel_loop3A_695 {strides = array<i32>} : memref<4x8x128xf32, #tpu.memory_space<vmem>>, vector<16xf32>,
        %parallel_loop3A_705 = arith.addi %add3A_519, %parallel_loop3A_574 : vector<16xi32>
        %parallel_loop3A_706 = arith.constant 0 : i32
        %parallel_loop3A_707 = tpu.memref_slice %arg10[%select_n3A_362, %parallel_loop3A_706] : memref<4x4224xf32, #tpu.memory_space<vmem>> -> memref<1x4224xf32, #tpu.memory_space<vmem>>
        %parallel_loop3A_708 = tpu.memref_squeeze %parallel_loop3A_707 : memref<1x4224xf32, #tpu.memory_space<vmem>> -> memref<4224xf32, #tpu.memory_space<vmem>>
        %parallel_loop3A_709 = tpu.vector_load_idx %parallel_loop3A_708[%parallel_loop3A_705] : memref<4224xf32, #tpu.memory_space<vmem>>[vector<16xi32>], vector<16xf32>,
        %parallel_loop3A_710 = arith.addf %parallel_loop3A_709, %add3A_459 : vector<16xf32>
        %parallel_loop3A_711 = arith.constant 0 : i32
        %parallel_loop3A_712 = arith.constant 0 : i32
        %parallel_loop3A_713 = arith.constant 0 : i32
        %parallel_loop3A_714 = tpu.memref_slice %arg11[%select_n3A_362, %parallel_loop3A_711, %parallel_loop3A_712, %parallel_loop3A_713] : memref<4x4x8x128xf32, #tpu.memory_space<vmem>> -> memref<1x4x8x128xf32, #tpu.memory_space<vmem>>
        %parallel_loop3A_715 = tpu.memref_squeeze %parallel_loop3A_714 : memref<1x4x8x128xf32, #tpu.memory_space<vmem>> -> memref<4x8x128xf32, #tpu.memory_space<vmem>>
        %parallel_loop3A_716 = arith.index_cast %parallel_loop3A_598 : i32 to index
        %parallel_loop3A_717 = arith.index_cast %parallel_loop3A_614 : i32 to index
        %parallel_loop3A_718 = arith.constant 96 : index
        %parallel_loop3A_719 = tpu.vector_load %parallel_loop3A_715[%parallel_loop3A_716, %parallel_loop3A_717, %parallel_loop3A_718] {strides = array<i32>} : memref<4x8x128xf32, #tpu.memory_space<vmem>>, vector<16xf32>,
        tpu.vector_store %parallel_loop3A_715[%parallel_loop3A_716, %parallel_loop3A_717, %parallel_loop3A_718], %parallel_loop3A_710 {strides = array<i32>} : memref<4x8x128xf32, #tpu.memory_space<vmem>>, vector<16xf32>,
        %parallel_loop3A_720 = arith.addi %add3A_525, %parallel_loop3A_574 : vector<16xi32>
        %parallel_loop3A_721 = arith.constant 0 : i32
        %parallel_loop3A_722 = tpu.memref_slice %arg10[%select_n3A_362, %parallel_loop3A_721] : memref<4x4224xf32, #tpu.memory_space<vmem>> -> memref<1x4224xf32, #tpu.memory_space<vmem>>
        %parallel_loop3A_723 = tpu.memref_squeeze %parallel_loop3A_722 : memref<1x4224xf32, #tpu.memory_space<vmem>> -> memref<4224xf32, #tpu.memory_space<vmem>>
        %parallel_loop3A_724 = tpu.vector_load_idx %parallel_loop3A_723[%parallel_loop3A_720] : memref<4224xf32, #tpu.memory_space<vmem>>[vector<16xi32>], vector<16xf32>,
        %parallel_loop3A_725 = arith.addf %parallel_loop3A_724, %add3A_468 : vector<16xf32>
        %parallel_loop3A_726 = arith.constant 0 : i32
        %parallel_loop3A_727 = arith.constant 0 : i32
        %parallel_loop3A_728 = arith.constant 0 : i32
        %parallel_loop3A_729 = tpu.memref_slice %arg11[%select_n3A_362, %parallel_loop3A_726, %parallel_loop3A_727, %parallel_loop3A_728] : memref<4x4x8x128xf32, #tpu.memory_space<vmem>> -> memref<1x4x8x128xf32, #tpu.memory_space<vmem>>
        %parallel_loop3A_730 = tpu.memref_squeeze %parallel_loop3A_729 : memref<1x4x8x128xf32, #tpu.memory_space<vmem>> -> memref<4x8x128xf32, #tpu.memory_space<vmem>>
        %parallel_loop3A_731 = arith.index_cast %parallel_loop3A_598 : i32 to index
        %parallel_loop3A_732 = arith.index_cast %parallel_loop3A_614 : i32 to index
        %parallel_loop3A_733 = arith.constant 112 : index
        %parallel_loop3A_734 = tpu.vector_load %parallel_loop3A_730[%parallel_loop3A_731, %parallel_loop3A_732, %parallel_loop3A_733] {strides = array<i32>} : memref<4x8x128xf32, #tpu.memory_space<vmem>>, vector<16xf32>,
        tpu.vector_store %parallel_loop3A_730[%parallel_loop3A_731, %parallel_loop3A_732, %parallel_loop3A_733], %parallel_loop3A_725 {strides = array<i32>} : memref<4x8x128xf32, #tpu.memory_space<vmem>>, vector<16xf32>,
      } {sc.loop_unroll_factor = 8 : i64, sc.parallel_access}
      %jit3A_529 = arith.constant 4 : i32
      %div3A = arith.divsi %scan3A_353, %jit3A_529 : i32
      %sign3A = arith.constant 0 : i32
      %sign3A_530 = arith.cmpi sgt, %scan3A_353, %sign3A : i32
      %sign3A_531 = arith.extui %sign3A_530 : i1 to i32
      %sign3A_532 = arith.constant 0 : i32
      %sign3A_533 = arith.cmpi slt, %scan3A_353, %sign3A_532 : i32
      %sign3A_534 = arith.extui %sign3A_533 : i1 to i32
      %sign3A_535 = arith.subi %sign3A_531, %sign3A_534 : i32
      %sign3A_536 = arith.constant 0 : i32
      %sign3A_537 = arith.cmpi sgt, %jit3A_529, %sign3A_536 : i32
      %sign3A_538 = arith.extui %sign3A_537 : i1 to i32
      %sign3A_539 = arith.constant 0 : i32
      %sign3A_540 = arith.cmpi slt, %jit3A_529, %sign3A_539 : i32
      %sign3A_541 = arith.extui %sign3A_540 : i1 to i32
      %sign3A_542 = arith.subi %sign3A_538, %sign3A_541 : i32
      %ne3A_543 = arith.cmpi ne, %sign3A_535, %sign3A_542 : i32
      %rem3A_544 = arith.remsi %scan3A_353, %jit3A_529 : i32
      %ne3A_545 = arith.constant 0 : i32
      %ne3A_546 = arith.cmpi ne, %rem3A_544, %ne3A_545 : i32
      %and3A_547 = arith.andi %ne3A_543, %ne3A_546 : i1
      %sub3A = arith.constant 1 : i32
      %sub3A_548 = arith.subi %div3A, %sub3A : i32
      %select_n3A_549 = arith.select %and3A_547, %sub3A_548, %div3A : i32
      %add3A_550 = arith.addi %mul3A_2, %select_n3A_362 : i32
      %dma_start3A_551 = arith.constant 0 : i32
      %dma_start3A_552 = arith.constant 0 : i32
      %dma_start3A_553 = arith.constant 0 : i32
      %dma_start3A_554 = tpu.memref_slice %arg11[%select_n3A_362, %dma_start3A_551, %dma_start3A_552, %dma_start3A_553] : memref<4x4x8x128xf32, #tpu.memory_space<vmem>> -> memref<1x4x8x128xf32, #tpu.memory_space<vmem>>
      %dma_start3A_555 = tpu.memref_squeeze %dma_start3A_554 : memref<1x4x8x128xf32, #tpu.memory_space<vmem>> -> memref<4x8x128xf32, #tpu.memory_space<vmem>>
      %dma_start3A_556 = arith.constant 0 : i32
      %dma_start3A_557 = arith.constant 0 : i32
      %dma_start3A_558 = arith.constant 0 : i32
      %dma_start3A_559 = tpu.memref_slice %arg5[%select_n3A_549, %dma_start3A_556, %add3A_550, %dma_start3A_557, %dma_start3A_558] : memref<200x4x128x8x128xf32, #tpu.memory_space<hbm>> -> memref<1x4x1x8x128xf32, #tpu.memory_space<hbm>>
      %dma_start3A_560 = tpu.memref_squeeze %dma_start3A_559 : memref<1x4x1x8x128xf32, #tpu.memory_space<hbm>> -> memref<4x8x128xf32, #tpu.memory_space<hbm>>
      %dma_start3A_561 = tpu.memref_slice %arg14[%select_n3A_362] : memref<4x!tpu.dma_semaphore, #tpu.memory_space<semaphore_mem>> -> memref<1x!tpu.dma_semaphore, #tpu.memory_space<semaphore_mem>>
      %dma_start3A_562 = tpu.memref_squeeze %dma_start3A_561 : memref<1x!tpu.dma_semaphore, #tpu.memory_space<semaphore_mem>> -> memref<!tpu.dma_semaphore, #tpu.memory_space<semaphore_mem>>
      %dma_start3A_563 = arith.constant 0 : i32
      %dma_start3A_564 = arith.constant 0 : i32
      %dma_start3A_565 = arith.constant 0 : i32
      %dma_start3A_566 = tpu.memref_slice %arg5[%select_n3A_549, %dma_start3A_563, %add3A_550, %dma_start3A_564, %dma_start3A_565] : memref<200x4x128x8x128xf32, #tpu.memory_space<hbm>> -> memref<1x4x1x8x128xf32, #tpu.memory_space<hbm>>
      %dma_start3A_567 = tpu.memref_squeeze %dma_start3A_566 : memref<1x4x1x8x128xf32, #tpu.memory_space<hbm>> -> memref<4x8x128xf32, #tpu.memory_space<hbm>>
      %dma_start3A_568 = arith.constant 0 : i32
      %dma_start3A_569 = arith.constant 0 : i32
      %dma_start3A_570 = arith.constant 0 : i32
      %dma_start3A_571 = tpu.memref_slice %arg11[%select_n3A_362, %dma_start3A_568, %dma_start3A_569, %dma_start3A_570] : memref<4x4x8x128xf32, #tpu.memory_space<vmem>> -> memref<1x4x8x128xf32, #tpu.memory_space<vmem>>
      %dma_start3A_572 = tpu.memref_squeeze %dma_start3A_571 : memref<1x4x8x128xf32, #tpu.memory_space<vmem>> -> memref<4x8x128xf32, #tpu.memory_space<vmem>>
      tpu.enqueue_dma source(%dma_start3A_572 : memref<4x8x128xf32, #tpu.memory_space<vmem>>) target(%dma_start3A_567 : memref<4x8x128xf32, #tpu.memory_space<hbm>>) target_semaphore(%dma_start3A_562 : memref<!tpu.dma_semaphore, #tpu.memory_space<semaphore_mem>>)
    }
    %scan3A_244 = arith.constant 800 : i32
    %add3A_245 = arith.constant 0 : i32
    %add3A_246 = arith.addi %mul3A_2, %add3A_245 : i32
    %dma_wait3A_247 = arith.constant 0 : i32
    %dma_wait3A_248 = arith.constant 199 : i32
    %dma_wait3A_249 = arith.constant 0 : i32
    %dma_wait3A_250 = arith.constant 0 : i32
    %dma_wait3A_251 = arith.constant 0 : i32
    %dma_wait3A_252 = arith.constant 0 : i32
    %dma_wait3A_253 = tpu.memref_slice %arg11[%dma_wait3A_247, %dma_wait3A_250, %dma_wait3A_251, %dma_wait3A_252] : memref<4x4x8x128xf32, #tpu.memory_space<vmem>> -> memref<1x4x8x128xf32, #tpu.memory_space<vmem>>
    %dma_wait3A_254 = tpu.memref_squeeze %dma_wait3A_253 : memref<1x4x8x128xf32, #tpu.memory_space<vmem>> -> memref<4x8x128xf32, #tpu.memory_space<vmem>>
    %dma_wait3A_255 = arith.constant 0 : i32
    %dma_wait3A_256 = arith.constant 0 : i32
    %dma_wait3A_257 = arith.constant 0 : i32
    %dma_wait3A_258 = tpu.memref_slice %arg5[%dma_wait3A_248, %dma_wait3A_255, %add3A_246, %dma_wait3A_256, %dma_wait3A_257] : memref<200x4x128x8x128xf32, #tpu.memory_space<hbm>> -> memref<1x4x1x8x128xf32, #tpu.memory_space<hbm>>
    %dma_wait3A_259 = tpu.memref_squeeze %dma_wait3A_258 : memref<1x4x1x8x128xf32, #tpu.memory_space<hbm>> -> memref<4x8x128xf32, #tpu.memory_space<hbm>>
    %dma_wait3A_260 = tpu.memref_slice %arg14[%dma_wait3A_249] : memref<4x!tpu.dma_semaphore, #tpu.memory_space<semaphore_mem>> -> memref<1x!tpu.dma_semaphore, #tpu.memory_space<semaphore_mem>>
    %dma_wait3A_261 = tpu.memref_squeeze %dma_wait3A_260 : memref<1x!tpu.dma_semaphore, #tpu.memory_space<semaphore_mem>> -> memref<!tpu.dma_semaphore, #tpu.memory_space<semaphore_mem>>
    %dma_wait3A_262 = arith.constant 0 : i32
    %dma_wait3A_263 = arith.constant 0 : i32
    %dma_wait3A_264 = arith.constant 0 : i32
    %dma_wait3A_265 = tpu.memref_slice %arg5[%dma_wait3A_248, %dma_wait3A_262, %add3A_246, %dma_wait3A_263, %dma_wait3A_264] : memref<200x4x128x8x128xf32, #tpu.memory_space<hbm>> -> memref<1x4x1x8x128xf32, #tpu.memory_space<hbm>>
    %dma_wait3A_266 = tpu.memref_squeeze %dma_wait3A_265 : memref<1x4x1x8x128xf32, #tpu.memory_space<hbm>> -> memref<4x8x128xf32, #tpu.memory_space<hbm>>
    %dma_wait3A_267 = arith.constant 0 : i32
    %dma_wait3A_268 = arith.constant 0 : i32
    %dma_wait3A_269 = arith.constant 0 : i32
    %dma_wait3A_270 = tpu.memref_slice %arg11[%dma_wait3A_247, %dma_wait3A_267, %dma_wait3A_268, %dma_wait3A_269] : memref<4x4x8x128xf32, #tpu.memory_space<vmem>> -> memref<1x4x8x128xf32, #tpu.memory_space<vmem>>
    %dma_wait3A_271 = tpu.memref_squeeze %dma_wait3A_270 : memref<1x4x8x128xf32, #tpu.memory_space<vmem>> -> memref<4x8x128xf32, #tpu.memory_space<vmem>>
    tpu.wait_dma2 semaphore(%dma_wait3A_261 : memref<!tpu.dma_semaphore, #tpu.memory_space<semaphore_mem>>) src(%dma_wait3A_271 : memref<4x8x128xf32, #tpu.memory_space<vmem>>) dst(%dma_wait3A_266 : memref<4x8x128xf32, #tpu.memory_space<hbm>>)
    %add3A_272 = arith.constant 1 : i32
    %add3A_273 = arith.addi %mul3A_2, %add3A_272 : i32
    %dma_wait3A_274 = arith.constant 1 : i32
    %dma_wait3A_275 = arith.constant 199 : i32
    %dma_wait3A_276 = arith.constant 1 : i32
    %dma_wait3A_277 = arith.constant 0 : i32
    %dma_wait3A_278 = arith.constant 0 : i32
    %dma_wait3A_279 = arith.constant 0 : i32
    %dma_wait3A_280 = tpu.memref_slice %arg11[%dma_wait3A_274, %dma_wait3A_277, %dma_wait3A_278, %dma_wait3A_279] : memref<4x4x8x128xf32, #tpu.memory_space<vmem>> -> memref<1x4x8x128xf32, #tpu.memory_space<vmem>>
    %dma_wait3A_281 = tpu.memref_squeeze %dma_wait3A_280 : memref<1x4x8x128xf32, #tpu.memory_space<vmem>> -> memref<4x8x128xf32, #tpu.memory_space<vmem>>
    %dma_wait3A_282 = arith.constant 0 : i32
    %dma_wait3A_283 = arith.constant 0 : i32
    %dma_wait3A_284 = arith.constant 0 : i32
    %dma_wait3A_285 = tpu.memref_slice %arg5[%dma_wait3A_275, %dma_wait3A_282, %add3A_273, %dma_wait3A_283, %dma_wait3A_284] : memref<200x4x128x8x128xf32, #tpu.memory_space<hbm>> -> memref<1x4x1x8x128xf32, #tpu.memory_space<hbm>>
    %dma_wait3A_286 = tpu.memref_squeeze %dma_wait3A_285 : memref<1x4x1x8x128xf32, #tpu.memory_space<hbm>> -> memref<4x8x128xf32, #tpu.memory_space<hbm>>
    %dma_wait3A_287 = tpu.memref_slice %arg14[%dma_wait3A_276] : memref<4x!tpu.dma_semaphore, #tpu.memory_space<semaphore_mem>> -> memref<1x!tpu.dma_semaphore, #tpu.memory_space<semaphore_mem>>
    %dma_wait3A_288 = tpu.memref_squeeze %dma_wait3A_287 : memref<1x!tpu.dma_semaphore, #tpu.memory_space<semaphore_mem>> -> memref<!tpu.dma_semaphore, #tpu.memory_space<semaphore_mem>>
    %dma_wait3A_289 = arith.constant 0 : i32
    %dma_wait3A_290 = arith.constant 0 : i32
    %dma_wait3A_291 = arith.constant 0 : i32
    %dma_wait3A_292 = tpu.memref_slice %arg5[%dma_wait3A_275, %dma_wait3A_289, %add3A_273, %dma_wait3A_290, %dma_wait3A_291] : memref<200x4x128x8x128xf32, #tpu.memory_space<hbm>> -> memref<1x4x1x8x128xf32, #tpu.memory_space<hbm>>
    %dma_wait3A_293 = tpu.memref_squeeze %dma_wait3A_292 : memref<1x4x1x8x128xf32, #tpu.memory_space<hbm>> -> memref<4x8x128xf32, #tpu.memory_space<hbm>>
    %dma_wait3A_294 = arith.constant 0 : i32
    %dma_wait3A_295 = arith.constant 0 : i32
    %dma_wait3A_296 = arith.constant 0 : i32
    %dma_wait3A_297 = tpu.memref_slice %arg11[%dma_wait3A_274, %dma_wait3A_294, %dma_wait3A_295, %dma_wait3A_296] : memref<4x4x8x128xf32, #tpu.memory_space<vmem>> -> memref<1x4x8x128xf32, #tpu.memory_space<vmem>>
    %dma_wait3A_298 = tpu.memref_squeeze %dma_wait3A_297 : memref<1x4x8x128xf32, #tpu.memory_space<vmem>> -> memref<4x8x128xf32, #tpu.memory_space<vmem>>
    tpu.wait_dma2 semaphore(%dma_wait3A_288 : memref<!tpu.dma_semaphore, #tpu.memory_space<semaphore_mem>>) src(%dma_wait3A_298 : memref<4x8x128xf32, #tpu.memory_space<vmem>>) dst(%dma_wait3A_293 : memref<4x8x128xf32, #tpu.memory_space<hbm>>)
    %add3A_299 = arith.constant 2 : i32
    %add3A_300 = arith.addi %mul3A_2, %add3A_299 : i32
    %dma_wait3A_301 = arith.constant 2 : i32
    %dma_wait3A_302 = arith.constant 199 : i32
    %dma_wait3A_303 = arith.constant 2 : i32
    %dma_wait3A_304 = arith.constant 0 : i32
    %dma_wait3A_305 = arith.constant 0 : i32
    %dma_wait3A_306 = arith.constant 0 : i32
    %dma_wait3A_307 = tpu.memref_slice %arg11[%dma_wait3A_301, %dma_wait3A_304, %dma_wait3A_305, %dma_wait3A_306] : memref<4x4x8x128xf32, #tpu.memory_space<vmem>> -> memref<1x4x8x128xf32, #tpu.memory_space<vmem>>
    %dma_wait3A_308 = tpu.memref_squeeze %dma_wait3A_307 : memref<1x4x8x128xf32, #tpu.memory_space<vmem>> -> memref<4x8x128xf32, #tpu.memory_space<vmem>>
    %dma_wait3A_309 = arith.constant 0 : i32
    %dma_wait3A_310 = arith.constant 0 : i32
    %dma_wait3A_311 = arith.constant 0 : i32
    %dma_wait3A_312 = tpu.memref_slice %arg5[%dma_wait3A_302, %dma_wait3A_309, %add3A_300, %dma_wait3A_310, %dma_wait3A_311] : memref<200x4x128x8x128xf32, #tpu.memory_space<hbm>> -> memref<1x4x1x8x128xf32, #tpu.memory_space<hbm>>
    %dma_wait3A_313 = tpu.memref_squeeze %dma_wait3A_312 : memref<1x4x1x8x128xf32, #tpu.memory_space<hbm>> -> memref<4x8x128xf32, #tpu.memory_space<hbm>>
    %dma_wait3A_314 = tpu.memref_slice %arg14[%dma_wait3A_303] : memref<4x!tpu.dma_semaphore, #tpu.memory_space<semaphore_mem>> -> memref<1x!tpu.dma_semaphore, #tpu.memory_space<semaphore_mem>>
    %dma_wait3A_315 = tpu.memref_squeeze %dma_wait3A_314 : memref<1x!tpu.dma_semaphore, #tpu.memory_space<semaphore_mem>> -> memref<!tpu.dma_semaphore, #tpu.memory_space<semaphore_mem>>
    %dma_wait3A_316 = arith.constant 0 : i32
    %dma_wait3A_317 = arith.constant 0 : i32
    %dma_wait3A_318 = arith.constant 0 : i32
    %dma_wait3A_319 = tpu.memref_slice %arg5[%dma_wait3A_302, %dma_wait3A_316, %add3A_300, %dma_wait3A_317, %dma_wait3A_318] : memref<200x4x128x8x128xf32, #tpu.memory_space<hbm>> -> memref<1x4x1x8x128xf32, #tpu.memory_space<hbm>>
    %dma_wait3A_320 = tpu.memref_squeeze %dma_wait3A_319 : memref<1x4x1x8x128xf32, #tpu.memory_space<hbm>> -> memref<4x8x128xf32, #tpu.memory_space<hbm>>
    %dma_wait3A_321 = arith.constant 0 : i32
    %dma_wait3A_322 = arith.constant 0 : i32
    %dma_wait3A_323 = arith.constant 0 : i32
    %dma_wait3A_324 = tpu.memref_slice %arg11[%dma_wait3A_301, %dma_wait3A_321, %dma_wait3A_322, %dma_wait3A_323] : memref<4x4x8x128xf32, #tpu.memory_space<vmem>> -> memref<1x4x8x128xf32, #tpu.memory_space<vmem>>
    %dma_wait3A_325 = tpu.memref_squeeze %dma_wait3A_324 : memref<1x4x8x128xf32, #tpu.memory_space<vmem>> -> memref<4x8x128xf32, #tpu.memory_space<vmem>>
    tpu.wait_dma2 semaphore(%dma_wait3A_315 : memref<!tpu.dma_semaphore, #tpu.memory_space<semaphore_mem>>) src(%dma_wait3A_325 : memref<4x8x128xf32, #tpu.memory_space<vmem>>) dst(%dma_wait3A_320 : memref<4x8x128xf32, #tpu.memory_space<hbm>>)
    %add3A_326 = arith.constant 3 : i32
    %add3A_327 = arith.addi %mul3A_2, %add3A_326 : i32
    %dma_wait3A_328 = arith.constant 3 : i32
    %dma_wait3A_329 = arith.constant 199 : i32
    %dma_wait3A_330 = arith.constant 3 : i32
    %dma_wait3A_331 = arith.constant 0 : i32
    %dma_wait3A_332 = arith.constant 0 : i32
    %dma_wait3A_333 = arith.constant 0 : i32
    %dma_wait3A_334 = tpu.memref_slice %arg11[%dma_wait3A_328, %dma_wait3A_331, %dma_wait3A_332, %dma_wait3A_333] : memref<4x4x8x128xf32, #tpu.memory_space<vmem>> -> memref<1x4x8x128xf32, #tpu.memory_space<vmem>>
    %dma_wait3A_335 = tpu.memref_squeeze %dma_wait3A_334 : memref<1x4x8x128xf32, #tpu.memory_space<vmem>> -> memref<4x8x128xf32, #tpu.memory_space<vmem>>
    %dma_wait3A_336 = arith.constant 0 : i32
    %dma_wait3A_337 = arith.constant 0 : i32
    %dma_wait3A_338 = arith.constant 0 : i32
    %dma_wait3A_339 = tpu.memref_slice %arg5[%dma_wait3A_329, %dma_wait3A_336, %add3A_327, %dma_wait3A_337, %dma_wait3A_338] : memref<200x4x128x8x128xf32, #tpu.memory_space<hbm>> -> memref<1x4x1x8x128xf32, #tpu.memory_space<hbm>>
    %dma_wait3A_340 = tpu.memref_squeeze %dma_wait3A_339 : memref<1x4x1x8x128xf32, #tpu.memory_space<hbm>> -> memref<4x8x128xf32, #tpu.memory_space<hbm>>
    %dma_wait3A_341 = tpu.memref_slice %arg14[%dma_wait3A_330] : memref<4x!tpu.dma_semaphore, #tpu.memory_space<semaphore_mem>> -> memref<1x!tpu.dma_semaphore, #tpu.memory_space<semaphore_mem>>
    %dma_wait3A_342 = tpu.memref_squeeze %dma_wait3A_341 : memref<1x!tpu.dma_semaphore, #tpu.memory_space<semaphore_mem>> -> memref<!tpu.dma_semaphore, #tpu.memory_space<semaphore_mem>>
    %dma_wait3A_343 = arith.constant 0 : i32
    %dma_wait3A_344 = arith.constant 0 : i32
    %dma_wait3A_345 = arith.constant 0 : i32
    %dma_wait3A_346 = tpu.memref_slice %arg5[%dma_wait3A_329, %dma_wait3A_343, %add3A_327, %dma_wait3A_344, %dma_wait3A_345] : memref<200x4x128x8x128xf32, #tpu.memory_space<hbm>> -> memref<1x4x1x8x128xf32, #tpu.memory_space<hbm>>
    %dma_wait3A_347 = tpu.memref_squeeze %dma_wait3A_346 : memref<1x4x1x8x128xf32, #tpu.memory_space<hbm>> -> memref<4x8x128xf32, #tpu.memory_space<hbm>>
    %dma_wait3A_348 = arith.constant 0 : i32
    %dma_wait3A_349 = arith.constant 0 : i32
    %dma_wait3A_350 = arith.constant 0 : i32
    %dma_wait3A_351 = tpu.memref_slice %arg11[%dma_wait3A_328, %dma_wait3A_348, %dma_wait3A_349, %dma_wait3A_350] : memref<4x4x8x128xf32, #tpu.memory_space<vmem>> -> memref<1x4x8x128xf32, #tpu.memory_space<vmem>>
    %dma_wait3A_352 = tpu.memref_squeeze %dma_wait3A_351 : memref<1x4x8x128xf32, #tpu.memory_space<vmem>> -> memref<4x8x128xf32, #tpu.memory_space<vmem>>
    tpu.wait_dma2 semaphore(%dma_wait3A_342 : memref<!tpu.dma_semaphore, #tpu.memory_space<semaphore_mem>>) src(%dma_wait3A_352 : memref<4x8x128xf32, #tpu.memory_space<vmem>>) dst(%dma_wait3A_347 : memref<4x8x128xf32, #tpu.memory_space<hbm>>)
    return
  }
}

#map = affine_map<(d0, d1) -> (0, 0, 0, 0)>
#map1 = affine_map<(d0, d1) -> (0, 0)>
module attributes {stable_mosaic.version = 14 : i64} {
  func.func @neg_mean(%arg0: i32, %arg1: i32, %arg2: memref<200x128x2x128xf32, #tpu.memory_space<hbm>>, %arg3: memref<128x128xf32, #tpu.memory_space<hbm>>, %arg4: memref<200x128xf32, #tpu.memory_space<vmem>>, %arg5: memref<4x128xf32, #tpu.memory_space<vmem>>) attributes {dimension_semantics = [#tpu.dimension_semantics<core_parallel>, #tpu.dimension_semantics<subcore_parallel>], iteration_bounds = array<i64: 2, 16>, scalar_prefetch = 0 : i64, scratch_operands = 2 : i64, tpu.core_type = #tpu.core_type<sc_vector_subcore>, window_params = [{transform_indices = #map}, {transform_indices = #map1}]} {
    %mul3A = arith.constant 2 : i32
    %mul3A_0 = arith.muli %arg1, %mul3A : i32
    %add3A = arith.addi %mul3A_0, %arg0 : i32
    %mul3A_1 = arith.constant 4 : i32
    %mul3A_2 = arith.muli %add3A, %mul3A_1 : i32
    %add3A_3 = arith.constant 0 : i32
    %add3A_4 = arith.addi %mul3A_2, %add3A_3 : i32
    %run_scoped3A = arith.constant 1 : i32
    "tpu.region"() ({
      %run_scoped3A_323 = tpu.sem_alloc : memref<!tpu.dma_semaphore, #tpu.memory_space<semaphore_mem>>
      %dma_start3A = arith.constant 0 : i32
      %dma_start3A_324 = arith.constant 0 : i32
      %dma_start3A_325 = tpu.memref_slice %arg2[%dma_start3A, %add3A_4, %run_scoped3A, %dma_start3A_324] : memref<200x128x2x128xf32, #tpu.memory_space<hbm>> -> memref<200x1x1x128xf32, #tpu.memory_space<hbm>>
      %dma_start3A_326 = tpu.memref_squeeze %dma_start3A_325 : memref<200x1x1x128xf32, #tpu.memory_space<hbm>> -> memref<200x128xf32, #tpu.memory_space<hbm>>
      %dma_start3A_327 = arith.constant 0 : i32
      %dma_start3A_328 = arith.constant 0 : i32
      %dma_start3A_329 = tpu.memref_slice %arg2[%dma_start3A_327, %add3A_4, %run_scoped3A, %dma_start3A_328] : memref<200x128x2x128xf32, #tpu.memory_space<hbm>> -> memref<200x1x1x128xf32, #tpu.memory_space<hbm>>
      %dma_start3A_330 = tpu.memref_squeeze %dma_start3A_329 : memref<200x1x1x128xf32, #tpu.memory_space<hbm>> -> memref<200x128xf32, #tpu.memory_space<hbm>>
      tpu.enqueue_dma source(%dma_start3A_330 : memref<200x128xf32, #tpu.memory_space<hbm>>) target(%arg4 : memref<200x128xf32, #tpu.memory_space<vmem>>) target_semaphore(%run_scoped3A_323 : memref<!tpu.dma_semaphore, #tpu.memory_space<semaphore_mem>>)
      %dma_wait3A = arith.constant 0 : i32
      %dma_wait3A_331 = arith.constant 0 : i32
      %dma_wait3A_332 = tpu.memref_slice %arg2[%dma_wait3A, %add3A_4, %run_scoped3A, %dma_wait3A_331] : memref<200x128x2x128xf32, #tpu.memory_space<hbm>> -> memref<200x1x1x128xf32, #tpu.memory_space<hbm>>
      %dma_wait3A_333 = tpu.memref_squeeze %dma_wait3A_332 : memref<200x1x1x128xf32, #tpu.memory_space<hbm>> -> memref<200x128xf32, #tpu.memory_space<hbm>>
      %dma_wait3A_334 = arith.constant 0 : i32
      %dma_wait3A_335 = arith.constant 0 : i32
      %dma_wait3A_336 = tpu.memref_slice %arg2[%dma_wait3A_334, %add3A_4, %run_scoped3A, %dma_wait3A_335] : memref<200x128x2x128xf32, #tpu.memory_space<hbm>> -> memref<200x1x1x128xf32, #tpu.memory_space<hbm>>
      %dma_wait3A_337 = tpu.memref_squeeze %dma_wait3A_336 : memref<200x1x1x128xf32, #tpu.memory_space<hbm>> -> memref<200x128xf32, #tpu.memory_space<hbm>>
      tpu.wait_dma2 semaphore(%run_scoped3A_323 : memref<!tpu.dma_semaphore, #tpu.memory_space<semaphore_mem>>) src(%dma_wait3A_337 : memref<200x128xf32, #tpu.memory_space<hbm>>) dst(%arg4 : memref<200x128xf32, #tpu.memory_space<vmem>>)
      tpu.yield
    }) : () -> ()
    %broadcast_in_dim3A = arith.constant 0.000000e+00 : f32
    %broadcast_in_dim3A_5 = vector.broadcast %broadcast_in_dim3A : f32 to vector<16xf32>
    %broadcast_in_dim3A_6 = arith.constant 0.000000e+00 : f32
    %broadcast_in_dim3A_7 = vector.broadcast %broadcast_in_dim3A_6 : f32 to vector<16xf32>
    %broadcast_in_dim3A_8 = arith.constant 0.000000e+00 : f32
    %broadcast_in_dim3A_9 = vector.broadcast %broadcast_in_dim3A_8 : f32 to vector<16xf32>
    %broadcast_in_dim3A_10 = arith.constant 0.000000e+00 : f32
    %broadcast_in_dim3A_11 = vector.broadcast %broadcast_in_dim3A_10 : f32 to vector<16xf32>
    %broadcast_in_dim3A_12 = arith.constant 0.000000e+00 : f32
    %broadcast_in_dim3A_13 = vector.broadcast %broadcast_in_dim3A_12 : f32 to vector<16xf32>
    %broadcast_in_dim3A_14 = arith.constant 0.000000e+00 : f32
    %broadcast_in_dim3A_15 = vector.broadcast %broadcast_in_dim3A_14 : f32 to vector<16xf32>
    %broadcast_in_dim3A_16 = arith.constant 0.000000e+00 : f32
    %broadcast_in_dim3A_17 = vector.broadcast %broadcast_in_dim3A_16 : f32 to vector<16xf32>
    %broadcast_in_dim3A_18 = arith.constant 0.000000e+00 : f32
    %broadcast_in_dim3A_19 = vector.broadcast %broadcast_in_dim3A_18 : f32 to vector<16xf32>
    %scan3A = arith.constant 0 : i32
    %scan3A_20 = arith.constant 200 : i32
    %scan3A_21 = arith.addi %scan3A, %scan3A_20 : i32
    %scan3A_22 = arith.constant 1 : i32
    %scan3A_23:8 = scf.for %scan3A_323 = %scan3A to %scan3A_21 step %scan3A_22 iter_args(%scan3A_324 = %broadcast_in_dim3A_5, %scan3A_325 = %broadcast_in_dim3A_7, %scan3A_326 = %broadcast_in_dim3A_9, %scan3A_327 = %broadcast_in_dim3A_11, %scan3A_328 = %broadcast_in_dim3A_13, %scan3A_329 = %broadcast_in_dim3A_15, %scan3A_330 = %broadcast_in_dim3A_17, %scan3A_331 = %broadcast_in_dim3A_19) -> (vector<16xf32>, vector<16xf32>, vector<16xf32>, vector<16xf32>, vector<16xf32>, vector<16xf32>, vector<16xf32>, vector<16xf32>)  : i32 {
      %get3A = arith.index_cast %scan3A_323 : i32 to index
      %get3A_332 = arith.constant 0 : index
      %get3A_333 = tpu.vector_load %arg4[%get3A, %get3A_332] {strides = array<i32>} : memref<200x128xf32, #tpu.memory_space<vmem>>, vector<16xf32>,
      %add3A_334 = arith.addf %scan3A_324, %get3A_333 : vector<16xf32>
      %get3A_335 = arith.index_cast %scan3A_323 : i32 to index
      %get3A_336 = arith.constant 16 : index
      %get3A_337 = tpu.vector_load %arg4[%get3A_335, %get3A_336] {strides = array<i32>} : memref<200x128xf32, #tpu.memory_space<vmem>>, vector<16xf32>,
      %add3A_338 = arith.addf %scan3A_325, %get3A_337 : vector<16xf32>
      %get3A_339 = arith.index_cast %scan3A_323 : i32 to index
      %get3A_340 = arith.constant 32 : index
      %get3A_341 = tpu.vector_load %arg4[%get3A_339, %get3A_340] {strides = array<i32>} : memref<200x128xf32, #tpu.memory_space<vmem>>, vector<16xf32>,
      %add3A_342 = arith.addf %scan3A_326, %get3A_341 : vector<16xf32>
      %get3A_343 = arith.index_cast %scan3A_323 : i32 to index
      %get3A_344 = arith.constant 48 : index
      %get3A_345 = tpu.vector_load %arg4[%get3A_343, %get3A_344] {strides = array<i32>} : memref<200x128xf32, #tpu.memory_space<vmem>>, vector<16xf32>,
      %add3A_346 = arith.addf %scan3A_327, %get3A_345 : vector<16xf32>
      %get3A_347 = arith.index_cast %scan3A_323 : i32 to index
      %get3A_348 = arith.constant 64 : index
      %get3A_349 = tpu.vector_load %arg4[%get3A_347, %get3A_348] {strides = array<i32>} : memref<200x128xf32, #tpu.memory_space<vmem>>, vector<16xf32>,
      %add3A_350 = arith.addf %scan3A_328, %get3A_349 : vector<16xf32>
      %get3A_351 = arith.index_cast %scan3A_323 : i32 to index
      %get3A_352 = arith.constant 80 : index
      %get3A_353 = tpu.vector_load %arg4[%get3A_351, %get3A_352] {strides = array<i32>} : memref<200x128xf32, #tpu.memory_space<vmem>>, vector<16xf32>,
      %add3A_354 = arith.addf %scan3A_329, %get3A_353 : vector<16xf32>
      %get3A_355 = arith.index_cast %scan3A_323 : i32 to index
      %get3A_356 = arith.constant 96 : index
      %get3A_357 = tpu.vector_load %arg4[%get3A_355, %get3A_356] {strides = array<i32>} : memref<200x128xf32, #tpu.memory_space<vmem>>, vector<16xf32>,
      %add3A_358 = arith.addf %scan3A_330, %get3A_357 : vector<16xf32>
      %get3A_359 = arith.index_cast %scan3A_323 : i32 to index
      %get3A_360 = arith.constant 112 : index
      %get3A_361 = tpu.vector_load %arg4[%get3A_359, %get3A_360] {strides = array<i32>} : memref<200x128xf32, #tpu.memory_space<vmem>>, vector<16xf32>,
      %add3A_362 = arith.addf %scan3A_331, %get3A_361 : vector<16xf32>
      scf.yield %add3A_334, %add3A_338, %add3A_342, %add3A_346, %add3A_350, %add3A_354, %add3A_358, %add3A_362 : vector<16xf32>, vector<16xf32>, vector<16xf32>, vector<16xf32>, vector<16xf32>, vector<16xf32>, vector<16xf32>, vector<16xf32>
    }
    %scan3A_24 = arith.constant 200 : i32
    %mul3A_25 = arith.constant -5.000000e-03 : f32
    %mul3A_26 = vector.broadcast %mul3A_25 : f32 to vector<16xf32>
    %mul3A_27 = arith.mulf %scan3A_23#0, %mul3A_26 : vector<16xf32>
    %swap3A = arith.constant 0 : i32
    %swap3A_28 = arith.index_cast %swap3A : i32 to index
    %swap3A_29 = arith.constant 0 : index
    %swap3A_30 = tpu.vector_load %arg5[%swap3A_28, %swap3A_29] {strides = array<i32>} : memref<4x128xf32, #tpu.memory_space<vmem>>, vector<16xf32>,
    tpu.vector_store %arg5[%swap3A_28, %swap3A_29], %mul3A_27 {strides = array<i32>} : memref<4x128xf32, #tpu.memory_space<vmem>>, vector<16xf32>,
    %mul3A_31 = arith.constant -5.000000e-03 : f32
    %mul3A_32 = vector.broadcast %mul3A_31 : f32 to vector<16xf32>
    %mul3A_33 = arith.mulf %scan3A_23#1, %mul3A_32 : vector<16xf32>
    %swap3A_34 = arith.constant 0 : i32
    %swap3A_35 = arith.index_cast %swap3A_34 : i32 to index
    %swap3A_36 = arith.constant 16 : index
    %swap3A_37 = tpu.vector_load %arg5[%swap3A_35, %swap3A_36] {strides = array<i32>} : memref<4x128xf32, #tpu.memory_space<vmem>>, vector<16xf32>,
    tpu.vector_store %arg5[%swap3A_35, %swap3A_36], %mul3A_33 {strides = array<i32>} : memref<4x128xf32, #tpu.memory_space<vmem>>, vector<16xf32>,
    %mul3A_38 = arith.constant -5.000000e-03 : f32
    %mul3A_39 = vector.broadcast %mul3A_38 : f32 to vector<16xf32>
    %mul3A_40 = arith.mulf %scan3A_23#2, %mul3A_39 : vector<16xf32>
    %swap3A_41 = arith.constant 0 : i32
    %swap3A_42 = arith.index_cast %swap3A_41 : i32 to index
    %swap3A_43 = arith.constant 32 : index
    %swap3A_44 = tpu.vector_load %arg5[%swap3A_42, %swap3A_43] {strides = array<i32>} : memref<4x128xf32, #tpu.memory_space<vmem>>, vector<16xf32>,
    tpu.vector_store %arg5[%swap3A_42, %swap3A_43], %mul3A_40 {strides = array<i32>} : memref<4x128xf32, #tpu.memory_space<vmem>>, vector<16xf32>,
    %mul3A_45 = arith.constant -5.000000e-03 : f32
    %mul3A_46 = vector.broadcast %mul3A_45 : f32 to vector<16xf32>
    %mul3A_47 = arith.mulf %scan3A_23#3, %mul3A_46 : vector<16xf32>
    %swap3A_48 = arith.constant 0 : i32
    %swap3A_49 = arith.index_cast %swap3A_48 : i32 to index
    %swap3A_50 = arith.constant 48 : index
    %swap3A_51 = tpu.vector_load %arg5[%swap3A_49, %swap3A_50] {strides = array<i32>} : memref<4x128xf32, #tpu.memory_space<vmem>>, vector<16xf32>,
    tpu.vector_store %arg5[%swap3A_49, %swap3A_50], %mul3A_47 {strides = array<i32>} : memref<4x128xf32, #tpu.memory_space<vmem>>, vector<16xf32>,
    %mul3A_52 = arith.constant -5.000000e-03 : f32
    %mul3A_53 = vector.broadcast %mul3A_52 : f32 to vector<16xf32>
    %mul3A_54 = arith.mulf %scan3A_23#4, %mul3A_53 : vector<16xf32>
    %swap3A_55 = arith.constant 0 : i32
    %swap3A_56 = arith.index_cast %swap3A_55 : i32 to index
    %swap3A_57 = arith.constant 64 : index
    %swap3A_58 = tpu.vector_load %arg5[%swap3A_56, %swap3A_57] {strides = array<i32>} : memref<4x128xf32, #tpu.memory_space<vmem>>, vector<16xf32>,
    tpu.vector_store %arg5[%swap3A_56, %swap3A_57], %mul3A_54 {strides = array<i32>} : memref<4x128xf32, #tpu.memory_space<vmem>>, vector<16xf32>,
    %mul3A_59 = arith.constant -5.000000e-03 : f32
    %mul3A_60 = vector.broadcast %mul3A_59 : f32 to vector<16xf32>
    %mul3A_61 = arith.mulf %scan3A_23#5, %mul3A_60 : vector<16xf32>
    %swap3A_62 = arith.constant 0 : i32
    %swap3A_63 = arith.index_cast %swap3A_62 : i32 to index
    %swap3A_64 = arith.constant 80 : index
    %swap3A_65 = tpu.vector_load %arg5[%swap3A_63, %swap3A_64] {strides = array<i32>} : memref<4x128xf32, #tpu.memory_space<vmem>>, vector<16xf32>,
    tpu.vector_store %arg5[%swap3A_63, %swap3A_64], %mul3A_61 {strides = array<i32>} : memref<4x128xf32, #tpu.memory_space<vmem>>, vector<16xf32>,
    %mul3A_66 = arith.constant -5.000000e-03 : f32
    %mul3A_67 = vector.broadcast %mul3A_66 : f32 to vector<16xf32>
    %mul3A_68 = arith.mulf %scan3A_23#6, %mul3A_67 : vector<16xf32>
    %swap3A_69 = arith.constant 0 : i32
    %swap3A_70 = arith.index_cast %swap3A_69 : i32 to index
    %swap3A_71 = arith.constant 96 : index
    %swap3A_72 = tpu.vector_load %arg5[%swap3A_70, %swap3A_71] {strides = array<i32>} : memref<4x128xf32, #tpu.memory_space<vmem>>, vector<16xf32>,
    tpu.vector_store %arg5[%swap3A_70, %swap3A_71], %mul3A_68 {strides = array<i32>} : memref<4x128xf32, #tpu.memory_space<vmem>>, vector<16xf32>,
    %mul3A_73 = arith.constant -5.000000e-03 : f32
    %mul3A_74 = vector.broadcast %mul3A_73 : f32 to vector<16xf32>
    %mul3A_75 = arith.mulf %scan3A_23#7, %mul3A_74 : vector<16xf32>
    %swap3A_76 = arith.constant 0 : i32
    %swap3A_77 = arith.index_cast %swap3A_76 : i32 to index
    %swap3A_78 = arith.constant 112 : index
    %swap3A_79 = tpu.vector_load %arg5[%swap3A_77, %swap3A_78] {strides = array<i32>} : memref<4x128xf32, #tpu.memory_space<vmem>>, vector<16xf32>,
    tpu.vector_store %arg5[%swap3A_77, %swap3A_78], %mul3A_75 {strides = array<i32>} : memref<4x128xf32, #tpu.memory_space<vmem>>, vector<16xf32>,
    %add3A_80 = arith.constant 1 : i32
    %add3A_81 = arith.addi %mul3A_2, %add3A_80 : i32
    %run_scoped3A_82 = arith.constant 1 : i32
    "tpu.region"() ({
      %run_scoped3A_323 = tpu.sem_alloc : memref<!tpu.dma_semaphore, #tpu.memory_space<semaphore_mem>>
      %dma_start3A = arith.constant 0 : i32
      %dma_start3A_324 = arith.constant 0 : i32
      %dma_start3A_325 = tpu.memref_slice %arg2[%dma_start3A, %add3A_81, %run_scoped3A_82, %dma_start3A_324] : memref<200x128x2x128xf32, #tpu.memory_space<hbm>> -> memref<200x1x1x128xf32, #tpu.memory_space<hbm>>
      %dma_start3A_326 = tpu.memref_squeeze %dma_start3A_325 : memref<200x1x1x128xf32, #tpu.memory_space<hbm>> -> memref<200x128xf32, #tpu.memory_space<hbm>>
      %dma_start3A_327 = arith.constant 0 : i32
      %dma_start3A_328 = arith.constant 0 : i32
      %dma_start3A_329 = tpu.memref_slice %arg2[%dma_start3A_327, %add3A_81, %run_scoped3A_82, %dma_start3A_328] : memref<200x128x2x128xf32, #tpu.memory_space<hbm>> -> memref<200x1x1x128xf32, #tpu.memory_space<hbm>>
      %dma_start3A_330 = tpu.memref_squeeze %dma_start3A_329 : memref<200x1x1x128xf32, #tpu.memory_space<hbm>> -> memref<200x128xf32, #tpu.memory_space<hbm>>
      tpu.enqueue_dma source(%dma_start3A_330 : memref<200x128xf32, #tpu.memory_space<hbm>>) target(%arg4 : memref<200x128xf32, #tpu.memory_space<vmem>>) target_semaphore(%run_scoped3A_323 : memref<!tpu.dma_semaphore, #tpu.memory_space<semaphore_mem>>)
      %dma_wait3A = arith.constant 0 : i32
      %dma_wait3A_331 = arith.constant 0 : i32
      %dma_wait3A_332 = tpu.memref_slice %arg2[%dma_wait3A, %add3A_81, %run_scoped3A_82, %dma_wait3A_331] : memref<200x128x2x128xf32, #tpu.memory_space<hbm>> -> memref<200x1x1x128xf32, #tpu.memory_space<hbm>>
      %dma_wait3A_333 = tpu.memref_squeeze %dma_wait3A_332 : memref<200x1x1x128xf32, #tpu.memory_space<hbm>> -> memref<200x128xf32, #tpu.memory_space<hbm>>
      %dma_wait3A_334 = arith.constant 0 : i32
      %dma_wait3A_335 = arith.constant 0 : i32
      %dma_wait3A_336 = tpu.memref_slice %arg2[%dma_wait3A_334, %add3A_81, %run_scoped3A_82, %dma_wait3A_335] : memref<200x128x2x128xf32, #tpu.memory_space<hbm>> -> memref<200x1x1x128xf32, #tpu.memory_space<hbm>>
      %dma_wait3A_337 = tpu.memref_squeeze %dma_wait3A_336 : memref<200x1x1x128xf32, #tpu.memory_space<hbm>> -> memref<200x128xf32, #tpu.memory_space<hbm>>
      tpu.wait_dma2 semaphore(%run_scoped3A_323 : memref<!tpu.dma_semaphore, #tpu.memory_space<semaphore_mem>>) src(%dma_wait3A_337 : memref<200x128xf32, #tpu.memory_space<hbm>>) dst(%arg4 : memref<200x128xf32, #tpu.memory_space<vmem>>)
      tpu.yield
    }) : () -> ()
    %broadcast_in_dim3A_83 = arith.constant 0.000000e+00 : f32
    %broadcast_in_dim3A_84 = vector.broadcast %broadcast_in_dim3A_83 : f32 to vector<16xf32>
    %broadcast_in_dim3A_85 = arith.constant 0.000000e+00 : f32
    %broadcast_in_dim3A_86 = vector.broadcast %broadcast_in_dim3A_85 : f32 to vector<16xf32>
    %broadcast_in_dim3A_87 = arith.constant 0.000000e+00 : f32
    %broadcast_in_dim3A_88 = vector.broadcast %broadcast_in_dim3A_87 : f32 to vector<16xf32>
    %broadcast_in_dim3A_89 = arith.constant 0.000000e+00 : f32
    %broadcast_in_dim3A_90 = vector.broadcast %broadcast_in_dim3A_89 : f32 to vector<16xf32>
    %broadcast_in_dim3A_91 = arith.constant 0.000000e+00 : f32
    %broadcast_in_dim3A_92 = vector.broadcast %broadcast_in_dim3A_91 : f32 to vector<16xf32>
    %broadcast_in_dim3A_93 = arith.constant 0.000000e+00 : f32
    %broadcast_in_dim3A_94 = vector.broadcast %broadcast_in_dim3A_93 : f32 to vector<16xf32>
    %broadcast_in_dim3A_95 = arith.constant 0.000000e+00 : f32
    %broadcast_in_dim3A_96 = vector.broadcast %broadcast_in_dim3A_95 : f32 to vector<16xf32>
    %broadcast_in_dim3A_97 = arith.constant 0.000000e+00 : f32
    %broadcast_in_dim3A_98 = vector.broadcast %broadcast_in_dim3A_97 : f32 to vector<16xf32>
    %scan3A_99 = arith.constant 0 : i32
    %scan3A_100 = arith.constant 200 : i32
    %scan3A_101 = arith.addi %scan3A_99, %scan3A_100 : i32
    %scan3A_102 = arith.constant 1 : i32
    %scan3A_103:8 = scf.for %scan3A_323 = %scan3A_99 to %scan3A_101 step %scan3A_102 iter_args(%scan3A_324 = %broadcast_in_dim3A_84, %scan3A_325 = %broadcast_in_dim3A_86, %scan3A_326 = %broadcast_in_dim3A_88, %scan3A_327 = %broadcast_in_dim3A_90, %scan3A_328 = %broadcast_in_dim3A_92, %scan3A_329 = %broadcast_in_dim3A_94, %scan3A_330 = %broadcast_in_dim3A_96, %scan3A_331 = %broadcast_in_dim3A_98) -> (vector<16xf32>, vector<16xf32>, vector<16xf32>, vector<16xf32>, vector<16xf32>, vector<16xf32>, vector<16xf32>, vector<16xf32>)  : i32 {
      %get3A = arith.index_cast %scan3A_323 : i32 to index
      %get3A_332 = arith.constant 0 : index
      %get3A_333 = tpu.vector_load %arg4[%get3A, %get3A_332] {strides = array<i32>} : memref<200x128xf32, #tpu.memory_space<vmem>>, vector<16xf32>,
      %add3A_334 = arith.addf %scan3A_324, %get3A_333 : vector<16xf32>
      %get3A_335 = arith.index_cast %scan3A_323 : i32 to index
      %get3A_336 = arith.constant 16 : index
      %get3A_337 = tpu.vector_load %arg4[%get3A_335, %get3A_336] {strides = array<i32>} : memref<200x128xf32, #tpu.memory_space<vmem>>, vector<16xf32>,
      %add3A_338 = arith.addf %scan3A_325, %get3A_337 : vector<16xf32>
      %get3A_339 = arith.index_cast %scan3A_323 : i32 to index
      %get3A_340 = arith.constant 32 : index
      %get3A_341 = tpu.vector_load %arg4[%get3A_339, %get3A_340] {strides = array<i32>} : memref<200x128xf32, #tpu.memory_space<vmem>>, vector<16xf32>,
      %add3A_342 = arith.addf %scan3A_326, %get3A_341 : vector<16xf32>
      %get3A_343 = arith.index_cast %scan3A_323 : i32 to index
      %get3A_344 = arith.constant 48 : index
      %get3A_345 = tpu.vector_load %arg4[%get3A_343, %get3A_344] {strides = array<i32>} : memref<200x128xf32, #tpu.memory_space<vmem>>, vector<16xf32>,
      %add3A_346 = arith.addf %scan3A_327, %get3A_345 : vector<16xf32>
      %get3A_347 = arith.index_cast %scan3A_323 : i32 to index
      %get3A_348 = arith.constant 64 : index
      %get3A_349 = tpu.vector_load %arg4[%get3A_347, %get3A_348] {strides = array<i32>} : memref<200x128xf32, #tpu.memory_space<vmem>>, vector<16xf32>,
      %add3A_350 = arith.addf %scan3A_328, %get3A_349 : vector<16xf32>
      %get3A_351 = arith.index_cast %scan3A_323 : i32 to index
      %get3A_352 = arith.constant 80 : index
      %get3A_353 = tpu.vector_load %arg4[%get3A_351, %get3A_352] {strides = array<i32>} : memref<200x128xf32, #tpu.memory_space<vmem>>, vector<16xf32>,
      %add3A_354 = arith.addf %scan3A_329, %get3A_353 : vector<16xf32>
      %get3A_355 = arith.index_cast %scan3A_323 : i32 to index
      %get3A_356 = arith.constant 96 : index
      %get3A_357 = tpu.vector_load %arg4[%get3A_355, %get3A_356] {strides = array<i32>} : memref<200x128xf32, #tpu.memory_space<vmem>>, vector<16xf32>,
      %add3A_358 = arith.addf %scan3A_330, %get3A_357 : vector<16xf32>
      %get3A_359 = arith.index_cast %scan3A_323 : i32 to index
      %get3A_360 = arith.constant 112 : index
      %get3A_361 = tpu.vector_load %arg4[%get3A_359, %get3A_360] {strides = array<i32>} : memref<200x128xf32, #tpu.memory_space<vmem>>, vector<16xf32>,
      %add3A_362 = arith.addf %scan3A_331, %get3A_361 : vector<16xf32>
      scf.yield %add3A_334, %add3A_338, %add3A_342, %add3A_346, %add3A_350, %add3A_354, %add3A_358, %add3A_362 : vector<16xf32>, vector<16xf32>, vector<16xf32>, vector<16xf32>, vector<16xf32>, vector<16xf32>, vector<16xf32>, vector<16xf32>
    }
    %scan3A_104 = arith.constant 200 : i32
    %mul3A_105 = arith.constant -5.000000e-03 : f32
    %mul3A_106 = vector.broadcast %mul3A_105 : f32 to vector<16xf32>
    %mul3A_107 = arith.mulf %scan3A_103#0, %mul3A_106 : vector<16xf32>
    %swap3A_108 = arith.constant 1 : i32
    %swap3A_109 = arith.index_cast %swap3A_108 : i32 to index
    %swap3A_110 = arith.constant 0 : index
    %swap3A_111 = tpu.vector_load %arg5[%swap3A_109, %swap3A_110] {strides = array<i32>} : memref<4x128xf32, #tpu.memory_space<vmem>>, vector<16xf32>,
    tpu.vector_store %arg5[%swap3A_109, %swap3A_110], %mul3A_107 {strides = array<i32>} : memref<4x128xf32, #tpu.memory_space<vmem>>, vector<16xf32>,
    %mul3A_112 = arith.constant -5.000000e-03 : f32
    %mul3A_113 = vector.broadcast %mul3A_112 : f32 to vector<16xf32>
    %mul3A_114 = arith.mulf %scan3A_103#1, %mul3A_113 : vector<16xf32>
    %swap3A_115 = arith.constant 1 : i32
    %swap3A_116 = arith.index_cast %swap3A_115 : i32 to index
    %swap3A_117 = arith.constant 16 : index
    %swap3A_118 = tpu.vector_load %arg5[%swap3A_116, %swap3A_117] {strides = array<i32>} : memref<4x128xf32, #tpu.memory_space<vmem>>, vector<16xf32>,
    tpu.vector_store %arg5[%swap3A_116, %swap3A_117], %mul3A_114 {strides = array<i32>} : memref<4x128xf32, #tpu.memory_space<vmem>>, vector<16xf32>,
    %mul3A_119 = arith.constant -5.000000e-03 : f32
    %mul3A_120 = vector.broadcast %mul3A_119 : f32 to vector<16xf32>
    %mul3A_121 = arith.mulf %scan3A_103#2, %mul3A_120 : vector<16xf32>
    %swap3A_122 = arith.constant 1 : i32
    %swap3A_123 = arith.index_cast %swap3A_122 : i32 to index
    %swap3A_124 = arith.constant 32 : index
    %swap3A_125 = tpu.vector_load %arg5[%swap3A_123, %swap3A_124] {strides = array<i32>} : memref<4x128xf32, #tpu.memory_space<vmem>>, vector<16xf32>,
    tpu.vector_store %arg5[%swap3A_123, %swap3A_124], %mul3A_121 {strides = array<i32>} : memref<4x128xf32, #tpu.memory_space<vmem>>, vector<16xf32>,
    %mul3A_126 = arith.constant -5.000000e-03 : f32
    %mul3A_127 = vector.broadcast %mul3A_126 : f32 to vector<16xf32>
    %mul3A_128 = arith.mulf %scan3A_103#3, %mul3A_127 : vector<16xf32>
    %swap3A_129 = arith.constant 1 : i32
    %swap3A_130 = arith.index_cast %swap3A_129 : i32 to index
    %swap3A_131 = arith.constant 48 : index
    %swap3A_132 = tpu.vector_load %arg5[%swap3A_130, %swap3A_131] {strides = array<i32>} : memref<4x128xf32, #tpu.memory_space<vmem>>, vector<16xf32>,
    tpu.vector_store %arg5[%swap3A_130, %swap3A_131], %mul3A_128 {strides = array<i32>} : memref<4x128xf32, #tpu.memory_space<vmem>>, vector<16xf32>,
    %mul3A_133 = arith.constant -5.000000e-03 : f32
    %mul3A_134 = vector.broadcast %mul3A_133 : f32 to vector<16xf32>
    %mul3A_135 = arith.mulf %scan3A_103#4, %mul3A_134 : vector<16xf32>
    %swap3A_136 = arith.constant 1 : i32
    %swap3A_137 = arith.index_cast %swap3A_136 : i32 to index
    %swap3A_138 = arith.constant 64 : index
    %swap3A_139 = tpu.vector_load %arg5[%swap3A_137, %swap3A_138] {strides = array<i32>} : memref<4x128xf32, #tpu.memory_space<vmem>>, vector<16xf32>,
    tpu.vector_store %arg5[%swap3A_137, %swap3A_138], %mul3A_135 {strides = array<i32>} : memref<4x128xf32, #tpu.memory_space<vmem>>, vector<16xf32>,
    %mul3A_140 = arith.constant -5.000000e-03 : f32
    %mul3A_141 = vector.broadcast %mul3A_140 : f32 to vector<16xf32>
    %mul3A_142 = arith.mulf %scan3A_103#5, %mul3A_141 : vector<16xf32>
    %swap3A_143 = arith.constant 1 : i32
    %swap3A_144 = arith.index_cast %swap3A_143 : i32 to index
    %swap3A_145 = arith.constant 80 : index
    %swap3A_146 = tpu.vector_load %arg5[%swap3A_144, %swap3A_145] {strides = array<i32>} : memref<4x128xf32, #tpu.memory_space<vmem>>, vector<16xf32>,
    tpu.vector_store %arg5[%swap3A_144, %swap3A_145], %mul3A_142 {strides = array<i32>} : memref<4x128xf32, #tpu.memory_space<vmem>>, vector<16xf32>,
    %mul3A_147 = arith.constant -5.000000e-03 : f32
    %mul3A_148 = vector.broadcast %mul3A_147 : f32 to vector<16xf32>
    %mul3A_149 = arith.mulf %scan3A_103#6, %mul3A_148 : vector<16xf32>
    %swap3A_150 = arith.constant 1 : i32
    %swap3A_151 = arith.index_cast %swap3A_150 : i32 to index
    %swap3A_152 = arith.constant 96 : index
    %swap3A_153 = tpu.vector_load %arg5[%swap3A_151, %swap3A_152] {strides = array<i32>} : memref<4x128xf32, #tpu.memory_space<vmem>>, vector<16xf32>,
    tpu.vector_store %arg5[%swap3A_151, %swap3A_152], %mul3A_149 {strides = array<i32>} : memref<4x128xf32, #tpu.memory_space<vmem>>, vector<16xf32>,
    %mul3A_154 = arith.constant -5.000000e-03 : f32
    %mul3A_155 = vector.broadcast %mul3A_154 : f32 to vector<16xf32>
    %mul3A_156 = arith.mulf %scan3A_103#7, %mul3A_155 : vector<16xf32>
    %swap3A_157 = arith.constant 1 : i32
    %swap3A_158 = arith.index_cast %swap3A_157 : i32 to index
    %swap3A_159 = arith.constant 112 : index
    %swap3A_160 = tpu.vector_load %arg5[%swap3A_158, %swap3A_159] {strides = array<i32>} : memref<4x128xf32, #tpu.memory_space<vmem>>, vector<16xf32>,
    tpu.vector_store %arg5[%swap3A_158, %swap3A_159], %mul3A_156 {strides = array<i32>} : memref<4x128xf32, #tpu.memory_space<vmem>>, vector<16xf32>,
    %add3A_161 = arith.constant 2 : i32
    %add3A_162 = arith.addi %mul3A_2, %add3A_161 : i32
    %run_scoped3A_163 = arith.constant 1 : i32
    "tpu.region"() ({
      %run_scoped3A_323 = tpu.sem_alloc : memref<!tpu.dma_semaphore, #tpu.memory_space<semaphore_mem>>
      %dma_start3A = arith.constant 0 : i32
      %dma_start3A_324 = arith.constant 0 : i32
      %dma_start3A_325 = tpu.memref_slice %arg2[%dma_start3A, %add3A_162, %run_scoped3A_163, %dma_start3A_324] : memref<200x128x2x128xf32, #tpu.memory_space<hbm>> -> memref<200x1x1x128xf32, #tpu.memory_space<hbm>>
      %dma_start3A_326 = tpu.memref_squeeze %dma_start3A_325 : memref<200x1x1x128xf32, #tpu.memory_space<hbm>> -> memref<200x128xf32, #tpu.memory_space<hbm>>
      %dma_start3A_327 = arith.constant 0 : i32
      %dma_start3A_328 = arith.constant 0 : i32
      %dma_start3A_329 = tpu.memref_slice %arg2[%dma_start3A_327, %add3A_162, %run_scoped3A_163, %dma_start3A_328] : memref<200x128x2x128xf32, #tpu.memory_space<hbm>> -> memref<200x1x1x128xf32, #tpu.memory_space<hbm>>
      %dma_start3A_330 = tpu.memref_squeeze %dma_start3A_329 : memref<200x1x1x128xf32, #tpu.memory_space<hbm>> -> memref<200x128xf32, #tpu.memory_space<hbm>>
      tpu.enqueue_dma source(%dma_start3A_330 : memref<200x128xf32, #tpu.memory_space<hbm>>) target(%arg4 : memref<200x128xf32, #tpu.memory_space<vmem>>) target_semaphore(%run_scoped3A_323 : memref<!tpu.dma_semaphore, #tpu.memory_space<semaphore_mem>>)
      %dma_wait3A = arith.constant 0 : i32
      %dma_wait3A_331 = arith.constant 0 : i32
      %dma_wait3A_332 = tpu.memref_slice %arg2[%dma_wait3A, %add3A_162, %run_scoped3A_163, %dma_wait3A_331] : memref<200x128x2x128xf32, #tpu.memory_space<hbm>> -> memref<200x1x1x128xf32, #tpu.memory_space<hbm>>
      %dma_wait3A_333 = tpu.memref_squeeze %dma_wait3A_332 : memref<200x1x1x128xf32, #tpu.memory_space<hbm>> -> memref<200x128xf32, #tpu.memory_space<hbm>>
      %dma_wait3A_334 = arith.constant 0 : i32
      %dma_wait3A_335 = arith.constant 0 : i32
      %dma_wait3A_336 = tpu.memref_slice %arg2[%dma_wait3A_334, %add3A_162, %run_scoped3A_163, %dma_wait3A_335] : memref<200x128x2x128xf32, #tpu.memory_space<hbm>> -> memref<200x1x1x128xf32, #tpu.memory_space<hbm>>
      %dma_wait3A_337 = tpu.memref_squeeze %dma_wait3A_336 : memref<200x1x1x128xf32, #tpu.memory_space<hbm>> -> memref<200x128xf32, #tpu.memory_space<hbm>>
      tpu.wait_dma2 semaphore(%run_scoped3A_323 : memref<!tpu.dma_semaphore, #tpu.memory_space<semaphore_mem>>) src(%dma_wait3A_337 : memref<200x128xf32, #tpu.memory_space<hbm>>) dst(%arg4 : memref<200x128xf32, #tpu.memory_space<vmem>>)
      tpu.yield
    }) : () -> ()
    %broadcast_in_dim3A_164 = arith.constant 0.000000e+00 : f32
    %broadcast_in_dim3A_165 = vector.broadcast %broadcast_in_dim3A_164 : f32 to vector<16xf32>
    %broadcast_in_dim3A_166 = arith.constant 0.000000e+00 : f32
    %broadcast_in_dim3A_167 = vector.broadcast %broadcast_in_dim3A_166 : f32 to vector<16xf32>
    %broadcast_in_dim3A_168 = arith.constant 0.000000e+00 : f32
    %broadcast_in_dim3A_169 = vector.broadcast %broadcast_in_dim3A_168 : f32 to vector<16xf32>
    %broadcast_in_dim3A_170 = arith.constant 0.000000e+00 : f32
    %broadcast_in_dim3A_171 = vector.broadcast %broadcast_in_dim3A_170 : f32 to vector<16xf32>
    %broadcast_in_dim3A_172 = arith.constant 0.000000e+00 : f32
    %broadcast_in_dim3A_173 = vector.broadcast %broadcast_in_dim3A_172 : f32 to vector<16xf32>
    %broadcast_in_dim3A_174 = arith.constant 0.000000e+00 : f32
    %broadcast_in_dim3A_175 = vector.broadcast %broadcast_in_dim3A_174 : f32 to vector<16xf32>
    %broadcast_in_dim3A_176 = arith.constant 0.000000e+00 : f32
    %broadcast_in_dim3A_177 = vector.broadcast %broadcast_in_dim3A_176 : f32 to vector<16xf32>
    %broadcast_in_dim3A_178 = arith.constant 0.000000e+00 : f32
    %broadcast_in_dim3A_179 = vector.broadcast %broadcast_in_dim3A_178 : f32 to vector<16xf32>
    %scan3A_180 = arith.constant 0 : i32
    %scan3A_181 = arith.constant 200 : i32
    %scan3A_182 = arith.addi %scan3A_180, %scan3A_181 : i32
    %scan3A_183 = arith.constant 1 : i32
    %scan3A_184:8 = scf.for %scan3A_323 = %scan3A_180 to %scan3A_182 step %scan3A_183 iter_args(%scan3A_324 = %broadcast_in_dim3A_165, %scan3A_325 = %broadcast_in_dim3A_167, %scan3A_326 = %broadcast_in_dim3A_169, %scan3A_327 = %broadcast_in_dim3A_171, %scan3A_328 = %broadcast_in_dim3A_173, %scan3A_329 = %broadcast_in_dim3A_175, %scan3A_330 = %broadcast_in_dim3A_177, %scan3A_331 = %broadcast_in_dim3A_179) -> (vector<16xf32>, vector<16xf32>, vector<16xf32>, vector<16xf32>, vector<16xf32>, vector<16xf32>, vector<16xf32>, vector<16xf32>)  : i32 {
      %get3A = arith.index_cast %scan3A_323 : i32 to index
      %get3A_332 = arith.constant 0 : index
      %get3A_333 = tpu.vector_load %arg4[%get3A, %get3A_332] {strides = array<i32>} : memref<200x128xf32, #tpu.memory_space<vmem>>, vector<16xf32>,
      %add3A_334 = arith.addf %scan3A_324, %get3A_333 : vector<16xf32>
      %get3A_335 = arith.index_cast %scan3A_323 : i32 to index
      %get3A_336 = arith.constant 16 : index
      %get3A_337 = tpu.vector_load %arg4[%get3A_335, %get3A_336] {strides = array<i32>} : memref<200x128xf32, #tpu.memory_space<vmem>>, vector<16xf32>,
      %add3A_338 = arith.addf %scan3A_325, %get3A_337 : vector<16xf32>
      %get3A_339 = arith.index_cast %scan3A_323 : i32 to index
      %get3A_340 = arith.constant 32 : index
      %get3A_341 = tpu.vector_load %arg4[%get3A_339, %get3A_340] {strides = array<i32>} : memref<200x128xf32, #tpu.memory_space<vmem>>, vector<16xf32>,
      %add3A_342 = arith.addf %scan3A_326, %get3A_341 : vector<16xf32>
      %get3A_343 = arith.index_cast %scan3A_323 : i32 to index
      %get3A_344 = arith.constant 48 : index
      %get3A_345 = tpu.vector_load %arg4[%get3A_343, %get3A_344] {strides = array<i32>} : memref<200x128xf32, #tpu.memory_space<vmem>>, vector<16xf32>,
      %add3A_346 = arith.addf %scan3A_327, %get3A_345 : vector<16xf32>
      %get3A_347 = arith.index_cast %scan3A_323 : i32 to index
      %get3A_348 = arith.constant 64 : index
      %get3A_349 = tpu.vector_load %arg4[%get3A_347, %get3A_348] {strides = array<i32>} : memref<200x128xf32, #tpu.memory_space<vmem>>, vector<16xf32>,
      %add3A_350 = arith.addf %scan3A_328, %get3A_349 : vector<16xf32>
      %get3A_351 = arith.index_cast %scan3A_323 : i32 to index
      %get3A_352 = arith.constant 80 : index
      %get3A_353 = tpu.vector_load %arg4[%get3A_351, %get3A_352] {strides = array<i32>} : memref<200x128xf32, #tpu.memory_space<vmem>>, vector<16xf32>,
      %add3A_354 = arith.addf %scan3A_329, %get3A_353 : vector<16xf32>
      %get3A_355 = arith.index_cast %scan3A_323 : i32 to index
      %get3A_356 = arith.constant 96 : index
      %get3A_357 = tpu.vector_load %arg4[%get3A_355, %get3A_356] {strides = array<i32>} : memref<200x128xf32, #tpu.memory_space<vmem>>, vector<16xf32>,
      %add3A_358 = arith.addf %scan3A_330, %get3A_357 : vector<16xf32>
      %get3A_359 = arith.index_cast %scan3A_323 : i32 to index
      %get3A_360 = arith.constant 112 : index
      %get3A_361 = tpu.vector_load %arg4[%get3A_359, %get3A_360] {strides = array<i32>} : memref<200x128xf32, #tpu.memory_space<vmem>>, vector<16xf32>,
      %add3A_362 = arith.addf %scan3A_331, %get3A_361 : vector<16xf32>
      scf.yield %add3A_334, %add3A_338, %add3A_342, %add3A_346, %add3A_350, %add3A_354, %add3A_358, %add3A_362 : vector<16xf32>, vector<16xf32>, vector<16xf32>, vector<16xf32>, vector<16xf32>, vector<16xf32>, vector<16xf32>, vector<16xf32>
    }
    %scan3A_185 = arith.constant 200 : i32
    %mul3A_186 = arith.constant -5.000000e-03 : f32
    %mul3A_187 = vector.broadcast %mul3A_186 : f32 to vector<16xf32>
    %mul3A_188 = arith.mulf %scan3A_184#0, %mul3A_187 : vector<16xf32>
    %swap3A_189 = arith.constant 2 : i32
    %swap3A_190 = arith.index_cast %swap3A_189 : i32 to index
    %swap3A_191 = arith.constant 0 : index
    %swap3A_192 = tpu.vector_load %arg5[%swap3A_190, %swap3A_191] {strides = array<i32>} : memref<4x128xf32, #tpu.memory_space<vmem>>, vector<16xf32>,
    tpu.vector_store %arg5[%swap3A_190, %swap3A_191], %mul3A_188 {strides = array<i32>} : memref<4x128xf32, #tpu.memory_space<vmem>>, vector<16xf32>,
    %mul3A_193 = arith.constant -5.000000e-03 : f32
    %mul3A_194 = vector.broadcast %mul3A_193 : f32 to vector<16xf32>
    %mul3A_195 = arith.mulf %scan3A_184#1, %mul3A_194 : vector<16xf32>
    %swap3A_196 = arith.constant 2 : i32
    %swap3A_197 = arith.index_cast %swap3A_196 : i32 to index
    %swap3A_198 = arith.constant 16 : index
    %swap3A_199 = tpu.vector_load %arg5[%swap3A_197, %swap3A_198] {strides = array<i32>} : memref<4x128xf32, #tpu.memory_space<vmem>>, vector<16xf32>,
    tpu.vector_store %arg5[%swap3A_197, %swap3A_198], %mul3A_195 {strides = array<i32>} : memref<4x128xf32, #tpu.memory_space<vmem>>, vector<16xf32>,
    %mul3A_200 = arith.constant -5.000000e-03 : f32
    %mul3A_201 = vector.broadcast %mul3A_200 : f32 to vector<16xf32>
    %mul3A_202 = arith.mulf %scan3A_184#2, %mul3A_201 : vector<16xf32>
    %swap3A_203 = arith.constant 2 : i32
    %swap3A_204 = arith.index_cast %swap3A_203 : i32 to index
    %swap3A_205 = arith.constant 32 : index
    %swap3A_206 = tpu.vector_load %arg5[%swap3A_204, %swap3A_205] {strides = array<i32>} : memref<4x128xf32, #tpu.memory_space<vmem>>, vector<16xf32>,
    tpu.vector_store %arg5[%swap3A_204, %swap3A_205], %mul3A_202 {strides = array<i32>} : memref<4x128xf32, #tpu.memory_space<vmem>>, vector<16xf32>,
    %mul3A_207 = arith.constant -5.000000e-03 : f32
    %mul3A_208 = vector.broadcast %mul3A_207 : f32 to vector<16xf32>
    %mul3A_209 = arith.mulf %scan3A_184#3, %mul3A_208 : vector<16xf32>
    %swap3A_210 = arith.constant 2 : i32
    %swap3A_211 = arith.index_cast %swap3A_210 : i32 to index
    %swap3A_212 = arith.constant 48 : index
    %swap3A_213 = tpu.vector_load %arg5[%swap3A_211, %swap3A_212] {strides = array<i32>} : memref<4x128xf32, #tpu.memory_space<vmem>>, vector<16xf32>,
    tpu.vector_store %arg5[%swap3A_211, %swap3A_212], %mul3A_209 {strides = array<i32>} : memref<4x128xf32, #tpu.memory_space<vmem>>, vector<16xf32>,
    %mul3A_214 = arith.constant -5.000000e-03 : f32
    %mul3A_215 = vector.broadcast %mul3A_214 : f32 to vector<16xf32>
    %mul3A_216 = arith.mulf %scan3A_184#4, %mul3A_215 : vector<16xf32>
    %swap3A_217 = arith.constant 2 : i32
    %swap3A_218 = arith.index_cast %swap3A_217 : i32 to index
    %swap3A_219 = arith.constant 64 : index
    %swap3A_220 = tpu.vector_load %arg5[%swap3A_218, %swap3A_219] {strides = array<i32>} : memref<4x128xf32, #tpu.memory_space<vmem>>, vector<16xf32>,
    tpu.vector_store %arg5[%swap3A_218, %swap3A_219], %mul3A_216 {strides = array<i32>} : memref<4x128xf32, #tpu.memory_space<vmem>>, vector<16xf32>,
    %mul3A_221 = arith.constant -5.000000e-03 : f32
    %mul3A_222 = vector.broadcast %mul3A_221 : f32 to vector<16xf32>
    %mul3A_223 = arith.mulf %scan3A_184#5, %mul3A_222 : vector<16xf32>
    %swap3A_224 = arith.constant 2 : i32
    %swap3A_225 = arith.index_cast %swap3A_224 : i32 to index
    %swap3A_226 = arith.constant 80 : index
    %swap3A_227 = tpu.vector_load %arg5[%swap3A_225, %swap3A_226] {strides = array<i32>} : memref<4x128xf32, #tpu.memory_space<vmem>>, vector<16xf32>,
    tpu.vector_store %arg5[%swap3A_225, %swap3A_226], %mul3A_223 {strides = array<i32>} : memref<4x128xf32, #tpu.memory_space<vmem>>, vector<16xf32>,
    %mul3A_228 = arith.constant -5.000000e-03 : f32
    %mul3A_229 = vector.broadcast %mul3A_228 : f32 to vector<16xf32>
    %mul3A_230 = arith.mulf %scan3A_184#6, %mul3A_229 : vector<16xf32>
    %swap3A_231 = arith.constant 2 : i32
    %swap3A_232 = arith.index_cast %swap3A_231 : i32 to index
    %swap3A_233 = arith.constant 96 : index
    %swap3A_234 = tpu.vector_load %arg5[%swap3A_232, %swap3A_233] {strides = array<i32>} : memref<4x128xf32, #tpu.memory_space<vmem>>, vector<16xf32>,
    tpu.vector_store %arg5[%swap3A_232, %swap3A_233], %mul3A_230 {strides = array<i32>} : memref<4x128xf32, #tpu.memory_space<vmem>>, vector<16xf32>,
    %mul3A_235 = arith.constant -5.000000e-03 : f32
    %mul3A_236 = vector.broadcast %mul3A_235 : f32 to vector<16xf32>
    %mul3A_237 = arith.mulf %scan3A_184#7, %mul3A_236 : vector<16xf32>
    %swap3A_238 = arith.constant 2 : i32
    %swap3A_239 = arith.index_cast %swap3A_238 : i32 to index
    %swap3A_240 = arith.constant 112 : index
    %swap3A_241 = tpu.vector_load %arg5[%swap3A_239, %swap3A_240] {strides = array<i32>} : memref<4x128xf32, #tpu.memory_space<vmem>>, vector<16xf32>,
    tpu.vector_store %arg5[%swap3A_239, %swap3A_240], %mul3A_237 {strides = array<i32>} : memref<4x128xf32, #tpu.memory_space<vmem>>, vector<16xf32>,
    %add3A_242 = arith.constant 3 : i32
    %add3A_243 = arith.addi %mul3A_2, %add3A_242 : i32
    %run_scoped3A_244 = arith.constant 1 : i32
    "tpu.region"() ({
      %run_scoped3A_323 = tpu.sem_alloc : memref<!tpu.dma_semaphore, #tpu.memory_space<semaphore_mem>>
      %dma_start3A = arith.constant 0 : i32
      %dma_start3A_324 = arith.constant 0 : i32
      %dma_start3A_325 = tpu.memref_slice %arg2[%dma_start3A, %add3A_243, %run_scoped3A_244, %dma_start3A_324] : memref<200x128x2x128xf32, #tpu.memory_space<hbm>> -> memref<200x1x1x128xf32, #tpu.memory_space<hbm>>
      %dma_start3A_326 = tpu.memref_squeeze %dma_start3A_325 : memref<200x1x1x128xf32, #tpu.memory_space<hbm>> -> memref<200x128xf32, #tpu.memory_space<hbm>>
      %dma_start3A_327 = arith.constant 0 : i32
      %dma_start3A_328 = arith.constant 0 : i32
      %dma_start3A_329 = tpu.memref_slice %arg2[%dma_start3A_327, %add3A_243, %run_scoped3A_244, %dma_start3A_328] : memref<200x128x2x128xf32, #tpu.memory_space<hbm>> -> memref<200x1x1x128xf32, #tpu.memory_space<hbm>>
      %dma_start3A_330 = tpu.memref_squeeze %dma_start3A_329 : memref<200x1x1x128xf32, #tpu.memory_space<hbm>> -> memref<200x128xf32, #tpu.memory_space<hbm>>
      tpu.enqueue_dma source(%dma_start3A_330 : memref<200x128xf32, #tpu.memory_space<hbm>>) target(%arg4 : memref<200x128xf32, #tpu.memory_space<vmem>>) target_semaphore(%run_scoped3A_323 : memref<!tpu.dma_semaphore, #tpu.memory_space<semaphore_mem>>)
      %dma_wait3A = arith.constant 0 : i32
      %dma_wait3A_331 = arith.constant 0 : i32
      %dma_wait3A_332 = tpu.memref_slice %arg2[%dma_wait3A, %add3A_243, %run_scoped3A_244, %dma_wait3A_331] : memref<200x128x2x128xf32, #tpu.memory_space<hbm>> -> memref<200x1x1x128xf32, #tpu.memory_space<hbm>>
      %dma_wait3A_333 = tpu.memref_squeeze %dma_wait3A_332 : memref<200x1x1x128xf32, #tpu.memory_space<hbm>> -> memref<200x128xf32, #tpu.memory_space<hbm>>
      %dma_wait3A_334 = arith.constant 0 : i32
      %dma_wait3A_335 = arith.constant 0 : i32
      %dma_wait3A_336 = tpu.memref_slice %arg2[%dma_wait3A_334, %add3A_243, %run_scoped3A_244, %dma_wait3A_335] : memref<200x128x2x128xf32, #tpu.memory_space<hbm>> -> memref<200x1x1x128xf32, #tpu.memory_space<hbm>>
      %dma_wait3A_337 = tpu.memref_squeeze %dma_wait3A_336 : memref<200x1x1x128xf32, #tpu.memory_space<hbm>> -> memref<200x128xf32, #tpu.memory_space<hbm>>
      tpu.wait_dma2 semaphore(%run_scoped3A_323 : memref<!tpu.dma_semaphore, #tpu.memory_space<semaphore_mem>>) src(%dma_wait3A_337 : memref<200x128xf32, #tpu.memory_space<hbm>>) dst(%arg4 : memref<200x128xf32, #tpu.memory_space<vmem>>)
      tpu.yield
    }) : () -> ()
    %broadcast_in_dim3A_245 = arith.constant 0.000000e+00 : f32
    %broadcast_in_dim3A_246 = vector.broadcast %broadcast_in_dim3A_245 : f32 to vector<16xf32>
    %broadcast_in_dim3A_247 = arith.constant 0.000000e+00 : f32
    %broadcast_in_dim3A_248 = vector.broadcast %broadcast_in_dim3A_247 : f32 to vector<16xf32>
    %broadcast_in_dim3A_249 = arith.constant 0.000000e+00 : f32
    %broadcast_in_dim3A_250 = vector.broadcast %broadcast_in_dim3A_249 : f32 to vector<16xf32>
    %broadcast_in_dim3A_251 = arith.constant 0.000000e+00 : f32
    %broadcast_in_dim3A_252 = vector.broadcast %broadcast_in_dim3A_251 : f32 to vector<16xf32>
    %broadcast_in_dim3A_253 = arith.constant 0.000000e+00 : f32
    %broadcast_in_dim3A_254 = vector.broadcast %broadcast_in_dim3A_253 : f32 to vector<16xf32>
    %broadcast_in_dim3A_255 = arith.constant 0.000000e+00 : f32
    %broadcast_in_dim3A_256 = vector.broadcast %broadcast_in_dim3A_255 : f32 to vector<16xf32>
    %broadcast_in_dim3A_257 = arith.constant 0.000000e+00 : f32
    %broadcast_in_dim3A_258 = vector.broadcast %broadcast_in_dim3A_257 : f32 to vector<16xf32>
    %broadcast_in_dim3A_259 = arith.constant 0.000000e+00 : f32
    %broadcast_in_dim3A_260 = vector.broadcast %broadcast_in_dim3A_259 : f32 to vector<16xf32>
    %scan3A_261 = arith.constant 0 : i32
    %scan3A_262 = arith.constant 200 : i32
    %scan3A_263 = arith.addi %scan3A_261, %scan3A_262 : i32
    %scan3A_264 = arith.constant 1 : i32
    %scan3A_265:8 = scf.for %scan3A_323 = %scan3A_261 to %scan3A_263 step %scan3A_264 iter_args(%scan3A_324 = %broadcast_in_dim3A_246, %scan3A_325 = %broadcast_in_dim3A_248, %scan3A_326 = %broadcast_in_dim3A_250, %scan3A_327 = %broadcast_in_dim3A_252, %scan3A_328 = %broadcast_in_dim3A_254, %scan3A_329 = %broadcast_in_dim3A_256, %scan3A_330 = %broadcast_in_dim3A_258, %scan3A_331 = %broadcast_in_dim3A_260) -> (vector<16xf32>, vector<16xf32>, vector<16xf32>, vector<16xf32>, vector<16xf32>, vector<16xf32>, vector<16xf32>, vector<16xf32>)  : i32 {
      %get3A = arith.index_cast %scan3A_323 : i32 to index
      %get3A_332 = arith.constant 0 : index
      %get3A_333 = tpu.vector_load %arg4[%get3A, %get3A_332] {strides = array<i32>} : memref<200x128xf32, #tpu.memory_space<vmem>>, vector<16xf32>,
      %add3A_334 = arith.addf %scan3A_324, %get3A_333 : vector<16xf32>
      %get3A_335 = arith.index_cast %scan3A_323 : i32 to index
      %get3A_336 = arith.constant 16 : index
      %get3A_337 = tpu.vector_load %arg4[%get3A_335, %get3A_336] {strides = array<i32>} : memref<200x128xf32, #tpu.memory_space<vmem>>, vector<16xf32>,
      %add3A_338 = arith.addf %scan3A_325, %get3A_337 : vector<16xf32>
      %get3A_339 = arith.index_cast %scan3A_323 : i32 to index
      %get3A_340 = arith.constant 32 : index
      %get3A_341 = tpu.vector_load %arg4[%get3A_339, %get3A_340] {strides = array<i32>} : memref<200x128xf32, #tpu.memory_space<vmem>>, vector<16xf32>,
      %add3A_342 = arith.addf %scan3A_326, %get3A_341 : vector<16xf32>
      %get3A_343 = arith.index_cast %scan3A_323 : i32 to index
      %get3A_344 = arith.constant 48 : index
      %get3A_345 = tpu.vector_load %arg4[%get3A_343, %get3A_344] {strides = array<i32>} : memref<200x128xf32, #tpu.memory_space<vmem>>, vector<16xf32>,
      %add3A_346 = arith.addf %scan3A_327, %get3A_345 : vector<16xf32>
      %get3A_347 = arith.index_cast %scan3A_323 : i32 to index
      %get3A_348 = arith.constant 64 : index
      %get3A_349 = tpu.vector_load %arg4[%get3A_347, %get3A_348] {strides = array<i32>} : memref<200x128xf32, #tpu.memory_space<vmem>>, vector<16xf32>,
      %add3A_350 = arith.addf %scan3A_328, %get3A_349 : vector<16xf32>
      %get3A_351 = arith.index_cast %scan3A_323 : i32 to index
      %get3A_352 = arith.constant 80 : index
      %get3A_353 = tpu.vector_load %arg4[%get3A_351, %get3A_352] {strides = array<i32>} : memref<200x128xf32, #tpu.memory_space<vmem>>, vector<16xf32>,
      %add3A_354 = arith.addf %scan3A_329, %get3A_353 : vector<16xf32>
      %get3A_355 = arith.index_cast %scan3A_323 : i32 to index
      %get3A_356 = arith.constant 96 : index
      %get3A_357 = tpu.vector_load %arg4[%get3A_355, %get3A_356] {strides = array<i32>} : memref<200x128xf32, #tpu.memory_space<vmem>>, vector<16xf32>,
      %add3A_358 = arith.addf %scan3A_330, %get3A_357 : vector<16xf32>
      %get3A_359 = arith.index_cast %scan3A_323 : i32 to index
      %get3A_360 = arith.constant 112 : index
      %get3A_361 = tpu.vector_load %arg4[%get3A_359, %get3A_360] {strides = array<i32>} : memref<200x128xf32, #tpu.memory_space<vmem>>, vector<16xf32>,
      %add3A_362 = arith.addf %scan3A_331, %get3A_361 : vector<16xf32>
      scf.yield %add3A_334, %add3A_338, %add3A_342, %add3A_346, %add3A_350, %add3A_354, %add3A_358, %add3A_362 : vector<16xf32>, vector<16xf32>, vector<16xf32>, vector<16xf32>, vector<16xf32>, vector<16xf32>, vector<16xf32>, vector<16xf32>
    }
    %scan3A_266 = arith.constant 200 : i32
    %mul3A_267 = arith.constant -5.000000e-03 : f32
    %mul3A_268 = vector.broadcast %mul3A_267 : f32 to vector<16xf32>
    %mul3A_269 = arith.mulf %scan3A_265#0, %mul3A_268 : vector<16xf32>
    %swap3A_270 = arith.constant 3 : i32
    %swap3A_271 = arith.index_cast %swap3A_270 : i32 to index
    %swap3A_272 = arith.constant 0 : index
    %swap3A_273 = tpu.vector_load %arg5[%swap3A_271, %swap3A_272] {strides = array<i32>} : memref<4x128xf32, #tpu.memory_space<vmem>>, vector<16xf32>,
    tpu.vector_store %arg5[%swap3A_271, %swap3A_272], %mul3A_269 {strides = array<i32>} : memref<4x128xf32, #tpu.memory_space<vmem>>, vector<16xf32>,
    %mul3A_274 = arith.constant -5.000000e-03 : f32
    %mul3A_275 = vector.broadcast %mul3A_274 : f32 to vector<16xf32>
    %mul3A_276 = arith.mulf %scan3A_265#1, %mul3A_275 : vector<16xf32>
    %swap3A_277 = arith.constant 3 : i32
    %swap3A_278 = arith.index_cast %swap3A_277 : i32 to index
    %swap3A_279 = arith.constant 16 : index
    %swap3A_280 = tpu.vector_load %arg5[%swap3A_278, %swap3A_279] {strides = array<i32>} : memref<4x128xf32, #tpu.memory_space<vmem>>, vector<16xf32>,
    tpu.vector_store %arg5[%swap3A_278, %swap3A_279], %mul3A_276 {strides = array<i32>} : memref<4x128xf32, #tpu.memory_space<vmem>>, vector<16xf32>,
    %mul3A_281 = arith.constant -5.000000e-03 : f32
    %mul3A_282 = vector.broadcast %mul3A_281 : f32 to vector<16xf32>
    %mul3A_283 = arith.mulf %scan3A_265#2, %mul3A_282 : vector<16xf32>
    %swap3A_284 = arith.constant 3 : i32
    %swap3A_285 = arith.index_cast %swap3A_284 : i32 to index
    %swap3A_286 = arith.constant 32 : index
    %swap3A_287 = tpu.vector_load %arg5[%swap3A_285, %swap3A_286] {strides = array<i32>} : memref<4x128xf32, #tpu.memory_space<vmem>>, vector<16xf32>,
    tpu.vector_store %arg5[%swap3A_285, %swap3A_286], %mul3A_283 {strides = array<i32>} : memref<4x128xf32, #tpu.memory_space<vmem>>, vector<16xf32>,
    %mul3A_288 = arith.constant -5.000000e-03 : f32
    %mul3A_289 = vector.broadcast %mul3A_288 : f32 to vector<16xf32>
    %mul3A_290 = arith.mulf %scan3A_265#3, %mul3A_289 : vector<16xf32>
    %swap3A_291 = arith.constant 3 : i32
    %swap3A_292 = arith.index_cast %swap3A_291 : i32 to index
    %swap3A_293 = arith.constant 48 : index
    %swap3A_294 = tpu.vector_load %arg5[%swap3A_292, %swap3A_293] {strides = array<i32>} : memref<4x128xf32, #tpu.memory_space<vmem>>, vector<16xf32>,
    tpu.vector_store %arg5[%swap3A_292, %swap3A_293], %mul3A_290 {strides = array<i32>} : memref<4x128xf32, #tpu.memory_space<vmem>>, vector<16xf32>,
    %mul3A_295 = arith.constant -5.000000e-03 : f32
    %mul3A_296 = vector.broadcast %mul3A_295 : f32 to vector<16xf32>
    %mul3A_297 = arith.mulf %scan3A_265#4, %mul3A_296 : vector<16xf32>
    %swap3A_298 = arith.constant 3 : i32
    %swap3A_299 = arith.index_cast %swap3A_298 : i32 to index
    %swap3A_300 = arith.constant 64 : index
    %swap3A_301 = tpu.vector_load %arg5[%swap3A_299, %swap3A_300] {strides = array<i32>} : memref<4x128xf32, #tpu.memory_space<vmem>>, vector<16xf32>,
    tpu.vector_store %arg5[%swap3A_299, %swap3A_300], %mul3A_297 {strides = array<i32>} : memref<4x128xf32, #tpu.memory_space<vmem>>, vector<16xf32>,
    %mul3A_302 = arith.constant -5.000000e-03 : f32
    %mul3A_303 = vector.broadcast %mul3A_302 : f32 to vector<16xf32>
    %mul3A_304 = arith.mulf %scan3A_265#5, %mul3A_303 : vector<16xf32>
    %swap3A_305 = arith.constant 3 : i32
    %swap3A_306 = arith.index_cast %swap3A_305 : i32 to index
    %swap3A_307 = arith.constant 80 : index
    %swap3A_308 = tpu.vector_load %arg5[%swap3A_306, %swap3A_307] {strides = array<i32>} : memref<4x128xf32, #tpu.memory_space<vmem>>, vector<16xf32>,
    tpu.vector_store %arg5[%swap3A_306, %swap3A_307], %mul3A_304 {strides = array<i32>} : memref<4x128xf32, #tpu.memory_space<vmem>>, vector<16xf32>,
    %mul3A_309 = arith.constant -5.000000e-03 : f32
    %mul3A_310 = vector.broadcast %mul3A_309 : f32 to vector<16xf32>
    %mul3A_311 = arith.mulf %scan3A_265#6, %mul3A_310 : vector<16xf32>
    %swap3A_312 = arith.constant 3 : i32
    %swap3A_313 = arith.index_cast %swap3A_312 : i32 to index
    %swap3A_314 = arith.constant 96 : index
    %swap3A_315 = tpu.vector_load %arg5[%swap3A_313, %swap3A_314] {strides = array<i32>} : memref<4x128xf32, #tpu.memory_space<vmem>>, vector<16xf32>,
    tpu.vector_store %arg5[%swap3A_313, %swap3A_314], %mul3A_311 {strides = array<i32>} : memref<4x128xf32, #tpu.memory_space<vmem>>, vector<16xf32>,
    %mul3A_316 = arith.constant -5.000000e-03 : f32
    %mul3A_317 = vector.broadcast %mul3A_316 : f32 to vector<16xf32>
    %mul3A_318 = arith.mulf %scan3A_265#7, %mul3A_317 : vector<16xf32>
    %swap3A_319 = arith.constant 3 : i32
    %swap3A_320 = arith.index_cast %swap3A_319 : i32 to index
    %swap3A_321 = arith.constant 112 : index
    %swap3A_322 = tpu.vector_load %arg5[%swap3A_320, %swap3A_321] {strides = array<i32>} : memref<4x128xf32, #tpu.memory_space<vmem>>, vector<16xf32>,
    tpu.vector_store %arg5[%swap3A_320, %swap3A_321], %mul3A_318 {strides = array<i32>} : memref<4x128xf32, #tpu.memory_space<vmem>>, vector<16xf32>,
    "tpu.region"() ({
      %run_scoped3A_323 = tpu.sem_alloc : memref<!tpu.dma_semaphore, #tpu.memory_space<semaphore_mem>>
      %dma_start3A = arith.constant 0 : i32
      %dma_start3A_324 = tpu.memref_slice %arg3[%mul3A_2, %dma_start3A] : memref<128x128xf32, #tpu.memory_space<hbm>> -> memref<4x128xf32, #tpu.memory_space<hbm>>
      %dma_start3A_325 = arith.constant 0 : i32
      %dma_start3A_326 = tpu.memref_slice %arg3[%mul3A_2, %dma_start3A_325] : memref<128x128xf32, #tpu.memory_space<hbm>> -> memref<4x128xf32, #tpu.memory_space<hbm>>
      tpu.enqueue_dma source(%arg5 : memref<4x128xf32, #tpu.memory_space<vmem>>) target(%dma_start3A_326 : memref<4x128xf32, #tpu.memory_space<hbm>>) target_semaphore(%run_scoped3A_323 : memref<!tpu.dma_semaphore, #tpu.memory_space<semaphore_mem>>)
      %dma_wait3A = arith.constant 0 : i32
      %dma_wait3A_327 = tpu.memref_slice %arg3[%mul3A_2, %dma_wait3A] : memref<128x128xf32, #tpu.memory_space<hbm>> -> memref<4x128xf32, #tpu.memory_space<hbm>>
      %dma_wait3A_328 = arith.constant 0 : i32
      %dma_wait3A_329 = tpu.memref_slice %arg3[%mul3A_2, %dma_wait3A_328] : memref<128x128xf32, #tpu.memory_space<hbm>> -> memref<4x128xf32, #tpu.memory_space<hbm>>
      tpu.wait_dma2 semaphore(%run_scoped3A_323 : memref<!tpu.dma_semaphore, #tpu.memory_space<semaphore_mem>>) src(%arg5 : memref<4x128xf32, #tpu.memory_space<vmem>>) dst(%dma_wait3A_329 : memref<4x128xf32, #tpu.memory_space<hbm>>)
      tpu.yield
    }) : () -> ()
    return
  }
}

</mosaic_0001>

<sc_bundles>
// kernel: kernel.4.cloned.1.call-start
scs
__scs_entry_jumppad:
0x0: {  	(pc) =	sbr.rel $0x88, $3  }
0x1: {  	(tag) =	ssettag $0x0;
	lr =	simm.s32 $0x1  }
0x2: {  	[smem:$0x3F9F] =	sst lr;
	_ =	strace $0xD0000000  }
0x3: {  	_ = 	snop  }
0x4: {  	_ = 	snop  }
0x5: {  	_ = 	snop  }
0x6: {  	_ = 	snop  }
0x7: {  	_ = 	snop  }
__scs_overlays_trampoline_lowered:
0x8: {  	[smem:$0x3FAE] =	sst s0  }
0x9: {  	[smem:$0x3FAF] =	sst s1  }
0xa: {  	[smem:$0x3FB0] =	sst s2  }
0xb: {  	[smem:$0x3FB1] =	sst s3  }
0xc: {  	[smem:$0x3FB2] =	sst s4  }
0xd: {  	[smem:$0x3FB3] =	sst s5  }
0xe: {  	[smem:$0x3FB4] =	sst s6  }
0xf: {  	[smem:$0x3FB5] =	sst s7  }
0x10: {  	[smem:$0x3FB6] =	sst s8  }
0x11: {  	[smem:$0x3FB7] =	sst s9;
	s0 =	simm.s32 @!p0 $0x0  }
0x12: {  	s1 =	sld [smem:$0x3F9D];
	s0 =	simm.s32 @p0 $0x1  }
0x13: {  	[smem:$0x3FB8] =	sst s0;
	s0 =	simm.s32 @!p1 $0x0  }
0x14: {  	s2 =	sld [smem:$0x3F9C];
	s0 =	simm.s32 @p1 $0x1  }
0x15: {  	[smem:$0x3FB9] =	sst s0;
	s0 =	simm.s32 @!p2 $0x0  }
0x16: {  	s3 =	sld [smem:$0x3FDB];
	s0 =	simm.s32 @p2 $0x1  }
0x17: {  	s4 =	simm.s32 $0x1BF5;
	[smem:$0x3FBB] =	sst s0  }
0x18: {  	s0 =	sld [smem:$0x3F9E];
	_ =	swait.ge [sflag:s4], $0x0  }
0x19: {  	s7 =	sld [smem:$0x3F9F]  }
0x1a: {  	s8 =	sadd.s32 $0xFFFFE003, lr  }
0x1b: {  	s9 =	sadd.s32 $0xFFFFFEF7, lr;
	s5 =	simm.s32 $0xFFFFFFFF;
	p2 =	slt.u32 s8, $0xFFFFF086  }
0x1c: {  	p1 =	slt.u32 s9, $0xF7A;
	s5 =	simm.s32 @!p2 $0x0  }
0x1d: {  	s5 =	simm.s32 @p1 $0x1;
	p0 =	seq.s32 s7, s2  }
0x1e: {  	s7 =	smul.u32 @!p0 $0xF7A, s2;
	p2 =	seq.s32 @!p0 s5, $0x0  }
0x1f: {  	s9 =	smul.u32 $0xF7A, s1;
	s8 =	simm.s32 @!p0 $0x1BF5;
	p2 =	por !p2, p0  }
0x20: {  	[sflag:s8] =	ssyncset.s32 @!p0 $0xFFFFF086;
	s6 =	sadd.s32 @!p0 s3, s7;
	s7 =	simm.s32 @!p0 $0x108  }
0x21: {  	s3 =	sadd.s32 s3, s9;
	s6 =	sadd.s32 @!p0 $0x88, s6;
	s7 =	simm.s32 @p2 $0x1082  }
0x22: {  	[simem:s7], [sflag:s8] =	dma.local @!p0 [hbm:s6], $0xF7A  }
0x23: {  	s9 =	sor.u32 $0xD0000000, s2;
	s6 =	simm.s32 $0x108;
	_ =	swait.ge @!p0 [sflag:s8], $0x0  }
0x24: {  	s3 =	sadd.s32 $0x88, s3;
	s6 =	simm.s32 @!p1 $0x1082;
	[sflag:s4] =	ssyncset.s32 $0xFFFFF086  }
0x25: {  	[simem:s6], [sflag:s4] =	dma.local [hbm:s3], $0xF7A  }
0x26: {  	[smem:$0x3F9F] =	sst s1;
	(tag) =	ssettag s2;
	_ =	strace s9  }
0x27: {  	s1 =	sld [smem:$0x3FAF]  }
0x28: {  	s2 =	sld [smem:$0x3FB0]  }
0x29: {  	s4 =	sld [smem:$0x3FB2]  }
0x2a: {  	p0 =	seq.s32 s5, $0x0;
	s5 =	sld [smem:$0x3FB3]  }
0x2b: {  	s6 =	sld [smem:$0x3FB4]  }
0x2c: {  	s7 =	sld [smem:$0x3FB5]  }
0x2d: {  	s3 =	simm.s32 $0x108;
	s8 =	sld [smem:$0x3FB6]  }
0x2e: {  	s3 =	simm.s32 @!p0 $0x1082;
	s9 =	sld [smem:$0x3FB7]  }
0x2f: {  	lr =	sadd.s32 s0, s3;
	s0 =	sld [smem:$0x3FAE]  }
0x30: {  	s3 =	sld [smem:$0x3FB1]  }
0x31: {  	[smem:$0x3FBA] =	sst s10  }
0x32: {  	s10 =	sld [smem:$0x3FB8];
	_ =	sdelay $0x3  }
0x33: {  	p0 =	seq.s32 s10, $0x1;
	s10 =	sld [smem:$0x3FBA];
	_ =	sdelay $0x3  }
0x34: {  	[smem:$0x3FBA] =	sst s10  }
0x35: {  	s10 =	sld [smem:$0x3FB9];
	_ =	sdelay $0x3  }
0x36: {  	p1 =	seq.s32 s10, $0x1;
	s10 =	sld [smem:$0x3FBA];
	_ =	sdelay $0x3  }
0x37: {  	[smem:$0x3FBA] =	sst s10  }
0x38: {  	s10 =	sld [smem:$0x3FBB]  }
0x39: {  	_ = 	snop;
	(pc) =	sbr.ind lr, $3  }
0x3a: {  	_ = 	snop  }
0x3b: {  	_ = 	snop  }
0x3c: {  	p2 =	seq.s32 s10, $0x1;
	s10 =	sld [smem:$0x3FBA]  }
0x3d: {  	_ =	shalt  }
0x3e: {  	_ =	shalt  }
0x3f: {  	_ =	shalt  }
0x40: {  	_ =	shalt  }
0x41: {  	_ =	shalt  }
0x42: {  	_ =	shalt  }
0x43: {  	_ =	shalt  }
0x44: {  	_ =	shalt  }
0x45: {  	_ =	shalt  }
0x46: {  	_ =	shalt  }
0x47: {  	_ =	shalt  }
0x48: {  	_ =	shalt  }
0x49: {  	_ =	shalt  }
0x4a: {  	_ =	shalt  }
0x4b: {  	_ =	shalt  }
0x4c: {  	_ =	shalt  }
0x4d: {  	_ =	shalt  }
0x4e: {  	_ =	shalt  }
0x4f: {  	_ =	shalt  }
0x50: {  	_ =	shalt  }
0x51: {  	_ =	shalt  }
0x52: {  	_ =	shalt  }
0x53: {  	_ =	shalt  }
0x54: {  	_ =	shalt  }
0x55: {  	_ =	shalt  }
0x56: {  	_ =	shalt  }
0x57: {  	_ =	shalt  }
0x58: {  	_ =	shalt  }
0x59: {  	_ =	shalt  }
0x5a: {  	_ =	shalt  }
0x5b: {  	_ =	shalt  }
0x5c: {  	_ =	shalt  }
0x5d: {  	_ =	shalt  }
0x5e: {  	_ =	shalt  }
0x5f: {  	_ =	shalt  }
0x60: {  	_ =	shalt  }
0x61: {  	_ =	shalt  }
0x62: {  	_ =	shalt  }
0x63: {  	_ =	shalt  }
0x64: {  	_ =	shalt  }
0x65: {  	_ =	shalt  }
0x66: {  	_ =	shalt  }
0x67: {  	_ =	shalt  }
0x68: {  	_ =	shalt  }
0x69: {  	_ =	shalt  }
0x6a: {  	_ =	shalt  }
0x6b: {  	_ =	shalt  }
0x6c: {  	_ =	shalt  }
0x6d: {  	_ =	shalt  }
0x6e: {  	_ =	shalt  }
0x6f: {  	_ =	shalt  }
0x70: {  	_ =	shalt  }
0x71: {  	_ =	shalt  }
0x72: {  	_ =	shalt  }
0x73: {  	_ =	shalt  }
0x74: {  	_ =	shalt  }
0x75: {  	_ =	shalt  }
0x76: {  	_ =	shalt  }
0x77: {  	_ =	shalt  }
0x78: {  	_ =	shalt  }
0x79: {  	_ =	shalt  }
0x7a: {  	_ =	shalt  }
0x7b: {  	_ =	shalt  }
0x7c: {  	_ =	shalt  }
0x7d: {  	_ =	shalt  }
0x7e: {  	_ =	shalt  }
0x7f: {  	_ =	shalt  }
0x80: {  	_ =	shalt  }
0x81: {  	_ =	shalt  }
0x82: {  	_ =	shalt  }
0x83: {  	_ =	shalt  }
0x84: {  	_ =	shalt  }
0x85: {  	_ =	shalt  }
0x86: {  	_ =	shalt  }
0x87: {  	_ =	shalt  }
.Lfunc_end0:
.L_simem_size_0:
called_computation.1_lowered:
.L_overlay_start_0:
0x88: {  	s2 =	sld [smem:$0x3FD9]  }
0x89: {  	s3 =	sld [smem:$0x3FFE];
	_ =	sdelay $0x1  }
0x8a: {  	s1 =	srdreg.scid  }
0x8b: {  	s0 =	sand.u32 $0x1, s1  }
0x8c: {  	s17 =	sshll.u32 s0, $0xA;
	s2 =	sadd.s32 s3, s2  }
0x8d: {  	s2 =	sadd.s32 s2, s17  }
0x8e: {  	[smem:$0x3FC6] =	sst s2  }
0x8f: {  	_ = 	snop  }
0x90: {  	s18 =	sld [smem:$0x3FC9];
	(tm) =	ssettm $0x1  }
0x91: {  	s19 =	sld [smem:$0x3FFB];
	_ =	sdelay $0x3  }
0x92: {  	_ =	strace s19  }
0x93: {  	s2 =	sld [smem:$0x3FFC];
	_ =	sdelay $0x3  }
0x94: {  	_ =	strace s2  }
0x95: {  	s2 =	sld [smem:$0x3FFD];
	_ =	sdelay $0x3  }
0x96: {  	_ =	strace s2  }
0x97: {  	_ =	strace $0x8FFFFFFF  }
0x98: {  	s20 =	sld [smem:$0x3FDB];
	_ =	sdelay $0x1  }
0x99: {  	s4 =	simm.s32 $_scs_section_size  }
0x9a: {  	s5 =	simm.s32 $_size__tile_overlayer_lowered;
	s6 =	simm.s32 $_tile_overlayer_lowered  }
0x9b: {  	s7 =	simm.s32 $0x1BFF;
	s21 =	sshll.u32 s6, $0x1;
	s4 =	sadd.s32 s4, s20  }
0x9c: {  	s22 =	simm.s32 $0x0;
	s5 =	sshll.u32 s5, $0x1;
	s6 =	sadd.s32 s21, s4  }
0x9d: {  	[timem:s22], [sflag:s7] =	dma.local [hbm:s6], s5  }
0x9e: {  	_ =	swait.ge [sflag:s7], s5  }
0x9f: {  	s5 =	ssub.s32 $0x0, s5;
	[sflag:s7] =	ssyncset.done $0x0  }
0xa0: {  	[sflag:s7] =	ssyncadd.s32 s5;
	_ =	sdelay $0x1  }
0xa1: {  	s23 =	simm.s32 $0x1B8B  }
0xa2: {  	_ =	swait.ge [sflag:s23], $0x1  }
0xa3: {  	[sflag:s23] =	ssyncset.done $0x0  }
0xa4: {  	[sflag:s23] =	ssyncadd.s32 $0xFFFFFFFF  }
0xa5: {  	s5 =	sld [smem:$0x0]  }
0xa6: {  	s6 =	sand.u32 $0xFFFFFFFE, s1  }
0xa7: {  	p0 =	sne.s32 s1, s6  }
0xa8: {  	s6 =	sshll.u32 @p0 s6, $0xE  }
0xa9: {  	s6 =	sadd.s32 @p0 $0x11B8D, s6;
	s7 =	sshll.u32 @p0 s5, $0x11  }
0xaa: {  	s6 =	sor.u32 @p0 s7, s6  }
0xab: {  	[sflag:s6] =	ssyncadd.remote.s32 @p0 $0x1;
	_ =	sdelay $0x1  }
0xac: {  	s6 =	simm.s32 @p0 $0x1B8D  }
0xad: {  	_ =	swait.eq @p0 [sflag:s6], $0x1  }
0xae: {  	[sflag:s6] =	ssyncadd.s32 @p0 $0xFFFFFFFF  }
0xaf: {  	s7 =	sshll.u32 @!p0 s1, $0xE  }
0xb0: {  	s7 =	sor.u32 @!p0 $0x4000, s7;
	s6 =	simm.s32 @!p0 $0x1B8D  }
0xb1: {  	s5 =	sshll.u32 @!p0 s5, $0x11;
	s7 =	sadd.s32 @!p0 $0x11B8D, s7;
	_ =	swait.eq @!p0 [sflag:s6], $0x1  }
0xb2: {  	s5 =	sor.u32 @!p0 s5, s7;
	[sflag:s6] =	ssyncadd.s32 @!p0 $0xFFFFFFFF  }
0xb3: {  	s25 =	simm.s32 $0x1B8E;
	s24 =	sld [smem:$0x3FFE];
	[sflag:s5] =	ssyncadd.remote.s32 @!p0 $0x1  }
0xb4: {  	s26 =	simm.s32 $execute0_lowered;
	[smem:$0x3FD2] =	sst s25  }
0xb5: {  	s6 =	sshll.u32 s26, $0x1;
	_ =	strace $0x80000049;
	[dreg:$0x1] =	wrdreg $0xFFFFFFFF  }
0xb6: {  	s28 =	simm.s32 $_size_execute0_lowered;
	s4 =	sadd.s32 s4, s6;
	[dreg:$0x0] =	wrdreg $0x0  }
0xb7: {  	s6 =	sshll.u32 s28, $0x1;
	[dreg:$0x2] =	wrdreg s4  }
0xb8: {  	[dreg:$0x3] =	wrdreg s6  }
0xb9: {  	[dreg:$0x4] =	wrdreg $0xC0  }
0xba: {  	_ =	task [dreg:s22], $0x5FFFF  }
0xbb: {  	[dreg:$0x1] =	wrdreg $0xFFFFFFFF  }
0xbc: {  	[dreg:$0x0] =	wrdreg $0x60  }
0xbd: {  	[dreg:$0x2] =	wrdreg s18  }
0xbe: {  	[dreg:$0x3] =	wrdreg s24  }
0xbf: {  	[dreg:$0x4] =	wrdreg $0xA  }
0xc0: {  	_ =	task.clear_ibuf [dreg:s22], $0x5FFFF;
	_ =	strace $0x90000049  }
0xc1: {  	s29 =	simm.s32 $0xA;
	_ =	strace $0x8000004B  }
0xc2: {  	_ =	swait.ge [sflag:s29], $0x1  }
0xc3: {  	[sflag:s29] =	ssyncadd.s32 $0xFFFFFFFF  }
0xc4: {  	_ =	strace $0x9000004B  }
0xc5: {  	_ =	sfence  }
0xc6: {  	s30 =	sld [smem:$0x0];
	_ =	sdelay $0x2  }
0xc7: {  	s31 =	sshll.u32 s1, $0xD;
	s1 =	sshrl.u32 s1, $0x2  }
0xc8: {  	s4 =	sand.u32 $0x4000, s31;
	s1 =	sadd.s32 s1, s30  }
0xc9: {  	s0 =	sor.u32 s4, s0;
	s1 =	sshll.u32 s1, $0x11  }
0xca: {  	s0 =	sor.u32 s1, s0  }
0xcb: {  	s0 =	sadd.s32 $0x8F2B, s0  }
0xcc: {  	[sflag:s0] =	ssyncadd.remote.s32 $0x1  }
0xcd: {  	_ =	sfence.sel $0xFFFF  }
0xce: {  	[dreg:$0x0] =	wrdreg $0xFFFFFFFF;
	(pc) =	sbr.abs _section_cstart, $3  }
0xcf: {  	[dreg:$0x1] =	wrdreg $0xFFFFFFFF  }
0xd0: {  	_ =	task.clear_ibuf [dreg:s22], $0x2FFFF;
	_ =	strace $0x9FFFFFFF  }
0xd1: {  	(tm) =	ssettm $0x7FFFFFFF  }
tec
execute0_lowered:
.L_overlay_start_1:
0x0: {  	(tag) =	ssettag $0x1  }
0x1: {  	s3 =	rddreg [dreg:$0x0]  }
0x2: {  	s4 =	rddreg [dreg:$0x1]  }
0x3: {  	s0 =	rddreg [dreg:$0x2]  }
0x4: {  	s5 =	srdreg.scid;
	s2 =	simm.s32 $0x0;
	s1 =	stileid.u32  }
0x5: {  	s9 =	simm.s32 $0x80;
	s10 =	simm.s32 $0x8000;
	s11 =	simm.s32 $0x1  }
0x6: {  	s12 =	simm.s32 $0x6400;
	s13 =	simm.s32 $0x0;
	s5 =	sand.u32 $0x1, s5  }
0x7: {  	[smem:$0x7FF] =	sst s2;
	s6 =	sshll.u32 s1, $0x3;
	s7 =	sshll.u32 s5, $0x2  }
0x8: {  	_ =	strace $0x8000004A;
	s5 =	ssub.s32 $0x2, s5;
	s6 =	sor.u32 s7, s6  }
0x9: {  	s31 =	sshrl.u32 s5, $0x1;
	s7 =	sshll.u32 s6, $0x4;
	s6 =	sshll.u32 s6, $0x5  }
0xa: {  	s8 =	ssub.s32 s5, s31;
	s7 =	sadd.s32 s7, s4;
	s6 =	sadd.s32 s6, s3  }
0xb: {  	s8 =	smax.u32 s8, $0x1;
	s3 =	sadd.s32 $0x10, s6;
	s4 =	sadd.s32 $0x30, s6  }
0xc: {  	s5 =	sadd.s32 $0x50, s6;
	s6 =	sadd.s32 $0x70, s6;
	s7 =	sadd.s32 $0xF43000, s7  }
.LBB2_1:
0xd: {  	[tilespmem:s2], [sflag:$0x1] =	stream.strided.gather [hbm4b:s3+s9], $0x6400, s10, s9, $0x38;
	[tilespmem:$0x6600] =	vst v63  }
0xe: {  	_ =	swait.ge [sflag:s11], $0x6400  }
0xf: {  	[sflag:s11] =	ssyncset.done $0x0  }
0x10: {  	s16 =	simm.s32 $0x0;
	[sflag:s11] =	ssyncadd.s32 $0xFFFF9C00  }
0x11: {  	v0 =	vld [tilespmem:s16+$0x70]  }
0x12: {  	v2 =	vld [tilespmem:s16+$0x0]  }
0x13: {  	v3 =	vld [tilespmem:s16+$0x10]  }
0x14: {  	v12 =	vld [tilespmem:s16+$0x20]  }
0x15: {  	v10 =	vld [tilespmem:s16+$0x30]  }
0x16: {  	v1 =	vimm.f32 $0.0e+00;
	v6 =	vimm.f32 $0.0e+00;
	v7 =	vld [tilespmem:s16+$0x40]  }
0x17: {  	v9 =	vimm.f32 $0.0e+00;
	v8 =	vld [tilespmem:s16+$0x50];
	v0 =	vadd.f32 v0, v1;
	v5 =	vadd.f32 v2, v1  }
0x18: {  	s14 =	simm.s32 $0x80;
	s15 =	simm.s32 $0x400;
	v11 =	vld [tilespmem:s16+$0x60];
	v4 =	vadd.f32 v3, v1;
	v3 =	vimm.f32 $0.0e+00;
	v2 =	vimm.f32 $0.0e+00  }
.LBB2_2:
0x19: {  	p0 =	sne.s32 s15, $0x18E00;
	v13 =	vld [tilespmem:s14+$0x70];
	v1 =	vadd.f32 v12, v1  }
0x1a: {  	v14 =	vld [tilespmem:s14+$0x0];
	v6 =	vadd.f32 v10, v6  }
0x1b: {  	v15 =	vld [tilespmem:s14+$0x10];
	v9 =	vadd.f32 v7, v9  }
.Ltmp0:
0x1c: {  	v12 =	vld [tilespmem:s14+$0x20];
	v3 =	vadd.f32 v8, v3;
	(pc) =	sbr.rel @p0 .LBB2_2-.Ltmp0, $4  }
0x1d: {  	v10 =	vld [tilespmem:s14+$0x30];
	v2 =	vadd.f32 v11, v2  }
0x1e: {  	v7 =	vld [tilespmem:s14+$0x40];
	v0 =	vadd.f32 v13, v0  }
0x1f: {  	v5 =	vadd.f32 v14, v5;
	v8 =	vld [tilespmem:s14+$0x50]  }
0x20: {  	v4 =	vadd.f32 v15, v4;
	v11 =	vld [tilespmem:s14+$0x60];
	s14 =	sshra.s32 s15, $0x2;
	s15 =	sadd.s32 $0x200, s15  }
0x21: {  	v13 =	vld [tilespmem:s14+$0x0]  }
0x22: {  	v14 =	vld [tilespmem:s14+$0x10]  }
0x23: {  	v15 =	vld [tilespmem:s14+$0x20]  }
0x24: {  	v1 =	vadd.f32 v12, v1;
	v12 =	vld [tilespmem:s14+$0x50]  }
0x25: {  	v16 =	vld [tilespmem:s14+$0x30]  }
0x26: {  	v17 =	vld [tilespmem:s14+$0x40];
	v7 =	vadd.f32 v7, v9;
	v5 =	vadd.f32 v13, v5  }
0x27: {  	v9 =	vld [tilespmem:s14+$0x70];
	v3 =	vadd.f32 v8, v3;
	v4 =	vadd.f32 v14, v4  }
0x28: {  	v6 =	vadd.f32 v10, v6;
	v10 =	vld [tilespmem:s14+$0x60];
	v1 =	vadd.f32 v15, v1;
	v5 =	vmul.f32 $-4.999999890e-03, v5  }
0x29: {  	v3 =	vadd.f32 v12, v3;
	v4 =	vmul.f32 $-4.999999890e-03, v4  }
0x2a: {  	v6 =	vadd.f32 v16, v6;
	v1 =	vmul.f32 $-4.999999890e-03, v1;
	[tilespmem:$0x6400] =	vst v5  }
0x2b: {  	v2 =	vadd.f32 v11, v2;
	v7 =	vadd.f32 v17, v7;
	v3 =	vmul.f32 $-4.999999890e-03, v3;
	[tilespmem:$0x6410] =	vst v4  }
0x2c: {  	v0 =	vadd.f32 v9, v0;
	v4 =	vmul.f32 $-4.999999890e-03, v6;
	[tilespmem:$0x6420] =	vst v1  }
0x2d: {  	v2 =	vadd.f32 v10, v2;
	v1 =	vmul.f32 $-4.999999890e-03, v7;
	[tilespmem:$0x6450] =	vst v3  }
0x2e: {  	v0 =	vmul.f32 $-4.999999890e-03, v0;
	[tilespmem:$0x6430] =	vst v4  }
0x2f: {  	[tilespmem:$0x6440] =	vst v1;
	v1 =	vmul.f32 $-4.999999890e-03, v2  }
0x30: {  	[tilespmem:$0x6470] =	vst v0  }
0x31: {  	s31 =	simm.s32 $0x0;
	[tilespmem:$0x6460] =	vst v1  }
0x32: {  	[tilespmem:s31], [sflag:$0x1] =	stream.strided.gather [hbm4b:s4+s9], $0x6400, s10, s9, $0x38;
	[tilespmem:$0x6600] =	vst v63  }
0x33: {  	_ =	swait.ge [sflag:s11], $0x6400  }
0x34: {  	[sflag:s11] =	ssyncset.done $0x0  }
0x35: {  	s16 =	simm.s32 $0x0;
	[sflag:s11] =	ssyncadd.s32 $0xFFFF9C00  }
0x36: {  	v0 =	vld [tilespmem:s16+$0x70]  }
0x37: {  	v2 =	vld [tilespmem:s16+$0x0]  }
0x38: {  	v3 =	vld [tilespmem:s16+$0x10]  }
0x39: {  	v12 =	vld [tilespmem:s16+$0x20]  }
0x3a: {  	v10 =	vld [tilespmem:s16+$0x30]  }
0x3b: {  	v9 =	vimm.f32 $0.0e+00;
	v1 =	vimm.f32 $0.0e+00;
	v7 =	vld [tilespmem:s16+$0x40]  }
0x3c: {  	v6 =	vimm.f32 $0.0e+00;
	v8 =	vld [tilespmem:s16+$0x50];
	v0 =	vadd.f32 v0, v1;
	v5 =	vadd.f32 v2, v1  }
0x3d: {  	s15 =	simm.s32 $0x400;
	s14 =	simm.s32 $0x80;
	v11 =	vld [tilespmem:s16+$0x60];
	v4 =	vadd.f32 v3, v1;
	v3 =	vimm.f32 $0.0e+00;
	v2 =	vimm.f32 $0.0e+00  }
.LBB2_4:
0x3e: {  	p0 =	sne.s32 s15, $0x18E00;
	v13 =	vld [tilespmem:s14+$0x70];
	v1 =	vadd.f32 v12, v1  }
0x3f: {  	v14 =	vld [tilespmem:s14+$0x0];
	v6 =	vadd.f32 v10, v6  }
0x40: {  	v15 =	vld [tilespmem:s14+$0x10];
	v9 =	vadd.f32 v7, v9  }
.Ltmp1:
0x41: {  	v12 =	vld [tilespmem:s14+$0x20];
	v3 =	vadd.f32 v8, v3;
	(pc) =	sbr.rel @p0 .LBB2_4-.Ltmp1, $4  }
0x42: {  	v10 =	vld [tilespmem:s14+$0x30];
	v2 =	vadd.f32 v11, v2  }
0x43: {  	v7 =	vld [tilespmem:s14+$0x40];
	v0 =	vadd.f32 v13, v0  }
0x44: {  	v5 =	vadd.f32 v14, v5;
	v8 =	vld [tilespmem:s14+$0x50]  }
0x45: {  	v4 =	vadd.f32 v15, v4;
	v11 =	vld [tilespmem:s14+$0x60];
	s14 =	sshra.s32 s15, $0x2;
	s15 =	sadd.s32 $0x200, s15  }
0x46: {  	v13 =	vld [tilespmem:s14+$0x0]  }
0x47: {  	v14 =	vld [tilespmem:s14+$0x10]  }
0x48: {  	v15 =	vld [tilespmem:s14+$0x20]  }
0x49: {  	v1 =	vadd.f32 v12, v1;
	v12 =	vld [tilespmem:s14+$0x50]  }
0x4a: {  	v16 =	vld [tilespmem:s14+$0x30]  }
0x4b: {  	v17 =	vld [tilespmem:s14+$0x40];
	v7 =	vadd.f32 v7, v9;
	v5 =	vadd.f32 v13, v5  }
0x4c: {  	v9 =	vld [tilespmem:s14+$0x70];
	v3 =	vadd.f32 v8, v3;
	v4 =	vadd.f32 v14, v4  }
0x4d: {  	v6 =	vadd.f32 v10, v6;
	v10 =	vld [tilespmem:s14+$0x60];
	v1 =	vadd.f32 v15, v1;
	v5 =	vmul.f32 $-4.999999890e-03, v5  }
0x4e: {  	v3 =	vadd.f32 v12, v3;
	v4 =	vmul.f32 $-4.999999890e-03, v4  }
0x4f: {  	v6 =	vadd.f32 v16, v6;
	v1 =	vmul.f32 $-4.999999890e-03, v1;
	[tilespmem:$0x6480] =	vst v5  }
0x50: {  	v2 =	vadd.f32 v11, v2;
	v7 =	vadd.f32 v17, v7;
	v3 =	vmul.f32 $-4.999999890e-03, v3;
	[tilespmem:$0x6490] =	vst v4  }
0x51: {  	v0 =	vadd.f32 v9, v0;
	v4 =	vmul.f32 $-4.999999890e-03, v6;
	[tilespmem:$0x64A0] =	vst v1  }
0x52: {  	v2 =	vadd.f32 v10, v2;
	v1 =	vmul.f32 $-4.999999890e-03, v7;
	[tilespmem:$0x64D0] =	vst v3  }
0x53: {  	v0 =	vmul.f32 $-4.999999890e-03, v0;
	[tilespmem:$0x64B0] =	vst v4  }
0x54: {  	[tilespmem:$0x64C0] =	vst v1;
	v1 =	vmul.f32 $-4.999999890e-03, v2  }
0x55: {  	[tilespmem:$0x64F0] =	vst v0  }
0x56: {  	s31 =	simm.s32 $0x0;
	[tilespmem:$0x64E0] =	vst v1  }
0x57: {  	[tilespmem:s31], [sflag:$0x1] =	stream.strided.gather [hbm4b:s5+s9], $0x6400, s10, s9, $0x38;
	[tilespmem:$0x6600] =	vst v63  }
0x58: {  	_ =	swait.ge [sflag:s11], $0x6400  }
0x59: {  	[sflag:s11] =	ssyncset.done $0x0  }
0x5a: {  	s16 =	simm.s32 $0x0;
	[sflag:s11] =	ssyncadd.s32 $0xFFFF9C00  }
0x5b: {  	v0 =	vld [tilespmem:s16+$0x70]  }
0x5c: {  	v2 =	vld [tilespmem:s16+$0x0]  }
0x5d: {  	v3 =	vld [tilespmem:s16+$0x10]  }
0x5e: {  	v12 =	vld [tilespmem:s16+$0x20]  }
0x5f: {  	v10 =	vld [tilespmem:s16+$0x30]  }
0x60: {  	v9 =	vimm.f32 $0.0e+00;
	v1 =	vimm.f32 $0.0e+00;
	v7 =	vld [tilespmem:s16+$0x40]  }
0x61: {  	v6 =	vimm.f32 $0.0e+00;
	v8 =	vld [tilespmem:s16+$0x50];
	v0 =	vadd.f32 v0, v1;
	v5 =	vadd.f32 v2, v1  }
0x62: {  	s15 =	simm.s32 $0x400;
	s14 =	simm.s32 $0x80;
	v11 =	vld [tilespmem:s16+$0x60];
	v4 =	vadd.f32 v3, v1;
	v3 =	vimm.f32 $0.0e+00;
	v2 =	vimm.f32 $0.0e+00  }
.LBB2_6:
0x63: {  	p0 =	sne.s32 s15, $0x18E00;
	v13 =	vld [tilespmem:s14+$0x70];
	v1 =	vadd.f32 v12, v1  }
0x64: {  	v14 =	vld [tilespmem:s14+$0x0];
	v6 =	vadd.f32 v10, v6  }
0x65: {  	v15 =	vld [tilespmem:s14+$0x10];
	v9 =	vadd.f32 v7, v9  }
.Ltmp2:
0x66: {  	v12 =	vld [tilespmem:s14+$0x20];
	v3 =	vadd.f32 v8, v3;
	(pc) =	sbr.rel @p0 .LBB2_6-.Ltmp2, $4  }
0x67: {  	v10 =	vld [tilespmem:s14+$0x30];
	v2 =	vadd.f32 v11, v2  }
0x68: {  	v7 =	vld [tilespmem:s14+$0x40];
	v0 =	vadd.f32 v13, v0  }
0x69: {  	v5 =	vadd.f32 v14, v5;
	v8 =	vld [tilespmem:s14+$0x50]  }
0x6a: {  	v4 =	vadd.f32 v15, v4;
	v11 =	vld [tilespmem:s14+$0x60];
	s14 =	sshra.s32 s15, $0x2;
	s15 =	sadd.s32 $0x200, s15  }
0x6b: {  	v13 =	vld [tilespmem:s14+$0x0]  }
0x6c: {  	v14 =	vld [tilespmem:s14+$0x10]  }
0x6d: {  	v15 =	vld [tilespmem:s14+$0x20]  }
0x6e: {  	v1 =	vadd.f32 v12, v1;
	v12 =	vld [tilespmem:s14+$0x50]  }
0x6f: {  	v16 =	vld [tilespmem:s14+$0x30]  }
0x70: {  	v17 =	vld [tilespmem:s14+$0x40];
	v7 =	vadd.f32 v7, v9;
	v5 =	vadd.f32 v13, v5  }
0x71: {  	v9 =	vld [tilespmem:s14+$0x70];
	v3 =	vadd.f32 v8, v3;
	v4 =	vadd.f32 v14, v4  }
0x72: {  	v6 =	vadd.f32 v10, v6;
	v10 =	vld [tilespmem:s14+$0x60];
	v1 =	vadd.f32 v15, v1;
	v5 =	vmul.f32 $-4.999999890e-03, v5  }
0x73: {  	v3 =	vadd.f32 v12, v3;
	v4 =	vmul.f32 $-4.999999890e-03, v4  }
0x74: {  	v6 =	vadd.f32 v16, v6;
	v1 =	vmul.f32 $-4.999999890e-03, v1;
	[tilespmem:$0x6500] =	vst v5  }
0x75: {  	v2 =	vadd.f32 v11, v2;
	v7 =	vadd.f32 v17, v7;
	v3 =	vmul.f32 $-4.999999890e-03, v3;
	[tilespmem:$0x6510] =	vst v4  }
0x76: {  	v0 =	vadd.f32 v9, v0;
	v4 =	vmul.f32 $-4.999999890e-03, v6;
	[tilespmem:$0x6520] =	vst v1  }
0x77: {  	v2 =	vadd.f32 v10, v2;
	v1 =	vmul.f32 $-4.999999890e-03, v7;
	[tilespmem:$0x6550] =	vst v3  }
0x78: {  	v0 =	vmul.f32 $-4.999999890e-03, v0;
	[tilespmem:$0x6530] =	vst v4  }
0x79: {  	[tilespmem:$0x6540] =	vst v1;
	v1 =	vmul.f32 $-4.999999890e-03, v2  }
0x7a: {  	[tilespmem:$0x6570] =	vst v0  }
0x7b: {  	s31 =	simm.s32 $0x0;
	[tilespmem:$0x6560] =	vst v1  }
0x7c: {  	[tilespmem:s31], [sflag:$0x1] =	stream.strided.gather [hbm4b:s6+s9], $0x6400, s10, s9, $0x38;
	[tilespmem:$0x6600] =	vst v63  }
0x7d: {  	_ =	swait.ge [sflag:s11], $0x6400  }
0x7e: {  	[sflag:s11] =	ssyncset.done $0x0  }
0x7f: {  	s16 =	simm.s32 $0x0;
	[sflag:s11] =	ssyncadd.s32 $0xFFFF9C00  }
0x80: {  	v0 =	vld [tilespmem:s16+$0x70]  }
0x81: {  	v2 =	vld [tilespmem:s16+$0x0]  }
0x82: {  	v3 =	vld [tilespmem:s16+$0x10]  }
0x83: {  	v12 =	vld [tilespmem:s16+$0x20]  }
0x84: {  	v10 =	vld [tilespmem:s16+$0x30]  }
0x85: {  	v9 =	vimm.f32 $0.0e+00;
	v1 =	vimm.f32 $0.0e+00;
	v7 =	vld [tilespmem:s16+$0x40]  }
0x86: {  	v6 =	vimm.f32 $0.0e+00;
	v8 =	vld [tilespmem:s16+$0x50];
	v0 =	vadd.f32 v0, v1;
	v5 =	vadd.f32 v2, v1  }
0x87: {  	s15 =	simm.s32 $0x400;
	s14 =	simm.s32 $0x80;
	v11 =	vld [tilespmem:s16+$0x60];
	v4 =	vadd.f32 v3, v1;
	v3 =	vimm.f32 $0.0e+00;
	v2 =	vimm.f32 $0.0e+00  }
.LBB2_8:
0x88: {  	p0 =	sne.s32 s15, $0x18E00;
	v13 =	vld [tilespmem:s14+$0x70];
	v1 =	vadd.f32 v12, v1  }
0x89: {  	v14 =	vld [tilespmem:s14+$0x0];
	v6 =	vadd.f32 v10, v6  }
0x8a: {  	v15 =	vld [tilespmem:s14+$0x10];
	v9 =	vadd.f32 v7, v9  }
.Ltmp3:
0x8b: {  	v12 =	vld [tilespmem:s14+$0x20];
	v3 =	vadd.f32 v8, v3;
	(pc) =	sbr.rel @p0 .LBB2_8-.Ltmp3, $4  }
0x8c: {  	v10 =	vld [tilespmem:s14+$0x30];
	v2 =	vadd.f32 v11, v2  }
0x8d: {  	v7 =	vld [tilespmem:s14+$0x40];
	v0 =	vadd.f32 v13, v0  }
0x8e: {  	v5 =	vadd.f32 v14, v5;
	v8 =	vld [tilespmem:s14+$0x50]  }
0x8f: {  	v4 =	vadd.f32 v15, v4;
	v11 =	vld [tilespmem:s14+$0x60];
	s14 =	sshra.s32 s15, $0x2;
	s15 =	sadd.s32 $0x200, s15  }
0x90: {  	v13 =	vld [tilespmem:s14+$0x0]  }
0x91: {  	v14 =	vld [tilespmem:s14+$0x10]  }
0x92: {  	v15 =	vld [tilespmem:s14+$0x20]  }
0x93: {  	v16 =	vld [tilespmem:s14+$0x30]  }
0x94: {  	v17 =	vld [tilespmem:s14+$0x40]  }
0x95: {  	v1 =	vadd.f32 v12, v1;
	v58 =	vld [tilespmem:s14+$0x50];
	v5 =	vadd.f32 v13, v5  }
0x96: {  	v60 =	vld [tilespmem:s14+$0x70];
	v6 =	vadd.f32 v10, v6;
	v4 =	vadd.f32 v14, v4  }
0x97: {  	v59 =	vld [tilespmem:s14+$0x60];
	v7 =	vadd.f32 v7, v9;
	v1 =	vadd.f32 v15, v1;
	v5 =	vmul.f32 $-4.999999890e-03, v5  }
0x98: {  	v3 =	vadd.f32 v8, v3;
	v6 =	vadd.f32 v16, v6;
	v4 =	vmul.f32 $-4.999999890e-03, v4  }
0x99: {  	v7 =	vadd.f32 v17, v7;
	v1 =	vmul.f32 $-4.999999890e-03, v1;
	[tilespmem:$0x6580] =	vst v5  }
0x9a: {  	v2 =	vadd.f32 v11, v2;
	v3 =	vadd.f32 v58, v3;
	v61 =	vmul.f32 $-4.999999890e-03, v6;
	[tilespmem:$0x6590] =	vst v4  }
0x9b: {  	v0 =	vadd.f32 v60, v0;
	v62 =	vmul.f32 $-4.999999890e-03, v7;
	[tilespmem:$0x65A0] =	vst v1  }
0x9c: {  	v2 =	vadd.f32 v59, v2;
	v3 =	vmul.f32 $-4.999999890e-03, v3;
	[tilespmem:$0x65B0] =	vst v61  }
0x9d: {  	v0 =	vmul.f32 $-4.999999890e-03, v0;
	[tilespmem:$0x65C0] =	vst v62  }
0x9e: {  	s13 =	sadd.s32 $0x1, s13;
	v63 =	vmul.f32 $-4.999999890e-03, v2;
	[tilespmem:$0x65D0] =	vst v3  }
0x9f: {  	p0 =	sne.s32 s13, s8;
	[tilespmem:$0x65F0] =	vst v0  }
.Ltmp4:
0xa0: {  	[tilespmem:$0x65E0] =	vst v63;
	(pc) =	sbr.rel @p0 .LBB2_1-.Ltmp4, $4  }
0xa1: {  	[hbm4b:s7+s2] =	stream.linear.scatter [tilespmem:s12], [sflag:$0x1], $0x200, $0x38;
	[tilespmem:$0x6600] =	vst v63  }
0xa2: {  	_ =	swait.ge [sflag:s11], $0x200  }
0xa3: {  	[sflag:s11] =	ssyncset.done $0x0  }
0xa4: {  	[sflag:s11] =	ssyncadd.s32 $0xFFFFFE00  }
0xa5: {  	_ =	sfence.sel $0x180000  }
0xa6: {  	[bflag:$0x0] =	sbarrier.arrive $0xFFFF  }
0xa7: {  	p0 =	sne.s32 s1, $0x0;
	_ =	strace $0x9000004A  }
0xa8: {  	s0 =	sadd.s32 @!p0 $0x100000, s0;
	[bflag:$0x2] =	sbarrier.arrive $0xFFFF  }
0xa9: {  	[sflag:s0] =	ssyncadd.tile.s32 @!p0 $0x1;
	_ =	shalt  }
.Lfunc_end2:
_tile_overlayer_lowered:
.L_overlay_start_2:
0xaa: {  	(tag) =	ssettag $0x2  }
0xab: {  	s0 =	rddreg [dreg:$0x0];
	s2 =	stileid.u32  }
0xac: {  	s1 =	rddreg [dreg:$0x1];
	p0 =	sne.s32 s2, $0x0  }
0xad: {  	s3 =	rddreg [dreg:$0x2];
	[bflag:$0x3] =	sbarrier.arrive $0xFFFF;
	s2 =	simm.s32 @!p0 $0x1C01  }
0xae: {  	[timem:s3], [sflag:s2] =	dma.local @!p0 [hbm:s0], s1  }
0xaf: {  	s0 =	simm.s32 @!p0 $0x1  }
0xb0: {  	_ =	swait.ge @!p0 [sflag:s0], s1  }
0xb1: {  	s1 =	ssub.s32 @!p0 $0x0, s1;
	[sflag:s0] =	ssyncset.done @!p0 $0x0  }
0xb2: {  	[sflag:s0] =	ssyncadd.s32 @!p0 s1  }
0xb3: {  	[bflag:$0x3] =	sbarrier.arrive $0xFFFF  }
0xb4: {  	_ =	shalt  }

// kernel: kernel.7.cloned.1.call-start
scs
__scs_entry_jumppad:
0x0: {  	(pc) =	sbr.rel $0x88, $3  }
0x1: {  	(tag) =	ssettag $0x0;
	lr =	simm.s32 $0x1  }
0x2: {  	[smem:$0x3F9F] =	sst lr;
	_ =	strace $0xD0000000  }
0x3: {  	_ = 	snop  }
0x4: {  	_ = 	snop  }
0x5: {  	_ = 	snop  }
0x6: {  	_ = 	snop  }
0x7: {  	_ = 	snop  }
__scs_overlays_trampoline_lowered:
0x8: {  	[smem:$0x3FAE] =	sst s0  }
0x9: {  	[smem:$0x3FAF] =	sst s1  }
0xa: {  	[smem:$0x3FB0] =	sst s2  }
0xb: {  	[smem:$0x3FB1] =	sst s3  }
0xc: {  	[smem:$0x3FB2] =	sst s4  }
0xd: {  	[smem:$0x3FB3] =	sst s5  }
0xe: {  	[smem:$0x3FB4] =	sst s6  }
0xf: {  	[smem:$0x3FB5] =	sst s7  }
0x10: {  	[smem:$0x3FB6] =	sst s8  }
0x11: {  	[smem:$0x3FB7] =	sst s9;
	s0 =	simm.s32 @!p0 $0x0  }
0x12: {  	s1 =	sld [smem:$0x3F9D];
	s0 =	simm.s32 @p0 $0x1  }
0x13: {  	[smem:$0x3FB8] =	sst s0;
	s0 =	simm.s32 @!p1 $0x0  }
0x14: {  	s2 =	sld [smem:$0x3F9C];
	s0 =	simm.s32 @p1 $0x1  }
0x15: {  	[smem:$0x3FB9] =	sst s0;
	s0 =	simm.s32 @!p2 $0x0  }
0x16: {  	s3 =	sld [smem:$0x3FDB];
	s0 =	simm.s32 @p2 $0x1  }
0x17: {  	s4 =	simm.s32 $0x1BF5;
	[smem:$0x3FBB] =	sst s0  }
0x18: {  	s0 =	sld [smem:$0x3F9E];
	_ =	swait.ge [sflag:s4], $0x0  }
0x19: {  	s7 =	sld [smem:$0x3F9F]  }
0x1a: {  	s8 =	sadd.s32 $0xFFFFE003, lr  }
0x1b: {  	s9 =	sadd.s32 $0xFFFFFEF7, lr;
	s5 =	simm.s32 $0xFFFFFFFF;
	p2 =	slt.u32 s8, $0xFFFFF086  }
0x1c: {  	p1 =	slt.u32 s9, $0xF7A;
	s5 =	simm.s32 @!p2 $0x0  }
0x1d: {  	s5 =	simm.s32 @p1 $0x1;
	p0 =	seq.s32 s7, s2  }
0x1e: {  	s7 =	smul.u32 @!p0 $0xF7A, s2;
	p2 =	seq.s32 @!p0 s5, $0x0  }
0x1f: {  	s9 =	smul.u32 $0xF7A, s1;
	s8 =	simm.s32 @!p0 $0x1BF5;
	p2 =	por !p2, p0  }
0x20: {  	[sflag:s8] =	ssyncset.s32 @!p0 $0xFFFFF086;
	s6 =	sadd.s32 @!p0 s3, s7;
	s7 =	simm.s32 @!p0 $0x108  }
0x21: {  	s3 =	sadd.s32 s3, s9;
	s6 =	sadd.s32 @!p0 $0x88, s6;
	s7 =	simm.s32 @p2 $0x1082  }
0x22: {  	[simem:s7], [sflag:s8] =	dma.local @!p0 [hbm:s6], $0xF7A  }
0x23: {  	s9 =	sor.u32 $0xD0000000, s2;
	s6 =	simm.s32 $0x108;
	_ =	swait.ge @!p0 [sflag:s8], $0x0  }
0x24: {  	s3 =	sadd.s32 $0x88, s3;
	s6 =	simm.s32 @!p1 $0x1082;
	[sflag:s4] =	ssyncset.s32 $0xFFFFF086  }
0x25: {  	[simem:s6], [sflag:s4] =	dma.local [hbm:s3], $0xF7A  }
0x26: {  	[smem:$0x3F9F] =	sst s1;
	(tag) =	ssettag s2;
	_ =	strace s9  }
0x27: {  	s1 =	sld [smem:$0x3FAF]  }
0x28: {  	s2 =	sld [smem:$0x3FB0]  }
0x29: {  	s4 =	sld [smem:$0x3FB2]  }
0x2a: {  	p0 =	seq.s32 s5, $0x0;
	s5 =	sld [smem:$0x3FB3]  }
0x2b: {  	s6 =	sld [smem:$0x3FB4]  }
0x2c: {  	s7 =	sld [smem:$0x3FB5]  }
0x2d: {  	s3 =	simm.s32 $0x108;
	s8 =	sld [smem:$0x3FB6]  }
0x2e: {  	s3 =	simm.s32 @!p0 $0x1082;
	s9 =	sld [smem:$0x3FB7]  }
0x2f: {  	lr =	sadd.s32 s0, s3;
	s0 =	sld [smem:$0x3FAE]  }
0x30: {  	s3 =	sld [smem:$0x3FB1]  }
0x31: {  	[smem:$0x3FBA] =	sst s10  }
0x32: {  	s10 =	sld [smem:$0x3FB8];
	_ =	sdelay $0x3  }
0x33: {  	p0 =	seq.s32 s10, $0x1;
	s10 =	sld [smem:$0x3FBA];
	_ =	sdelay $0x3  }
0x34: {  	[smem:$0x3FBA] =	sst s10  }
0x35: {  	s10 =	sld [smem:$0x3FB9];
	_ =	sdelay $0x3  }
0x36: {  	p1 =	seq.s32 s10, $0x1;
	s10 =	sld [smem:$0x3FBA];
	_ =	sdelay $0x3  }
0x37: {  	[smem:$0x3FBA] =	sst s10  }
0x38: {  	s10 =	sld [smem:$0x3FBB]  }
0x39: {  	_ = 	snop;
	(pc) =	sbr.ind lr, $3  }
0x3a: {  	_ = 	snop  }
0x3b: {  	_ = 	snop  }
0x3c: {  	p2 =	seq.s32 s10, $0x1;
	s10 =	sld [smem:$0x3FBA]  }
0x3d: {  	_ =	shalt  }
0x3e: {  	_ =	shalt  }
0x3f: {  	_ =	shalt  }
0x40: {  	_ =	shalt  }
0x41: {  	_ =	shalt  }
0x42: {  	_ =	shalt  }
0x43: {  	_ =	shalt  }
0x44: {  	_ =	shalt  }
0x45: {  	_ =	shalt  }
0x46: {  	_ =	shalt  }
0x47: {  	_ =	shalt  }
0x48: {  	_ =	shalt  }
0x49: {  	_ =	shalt  }
0x4a: {  	_ =	shalt  }
0x4b: {  	_ =	shalt  }
0x4c: {  	_ =	shalt  }
0x4d: {  	_ =	shalt  }
0x4e: {  	_ =	shalt  }
0x4f: {  	_ =	shalt  }
0x50: {  	_ =	shalt  }
0x51: {  	_ =	shalt  }
0x52: {  	_ =	shalt  }
0x53: {  	_ =	shalt  }
0x54: {  	_ =	shalt  }
0x55: {  	_ =	shalt  }
0x56: {  	_ =	shalt  }
0x57: {  	_ =	shalt  }
0x58: {  	_ =	shalt  }
0x59: {  	_ =	shalt  }
0x5a: {  	_ =	shalt  }
0x5b: {  	_ =	shalt  }
0x5c: {  	_ =	shalt  }
0x5d: {  	_ =	shalt  }
0x5e: {  	_ =	shalt  }
0x5f: {  	_ =	shalt  }
0x60: {  	_ =	shalt  }
0x61: {  	_ =	shalt  }
0x62: {  	_ =	shalt  }
0x63: {  	_ =	shalt  }
0x64: {  	_ =	shalt  }
0x65: {  	_ =	shalt  }
0x66: {  	_ =	shalt  }
0x67: {  	_ =	shalt  }
0x68: {  	_ =	shalt  }
0x69: {  	_ =	shalt  }
0x6a: {  	_ =	shalt  }
0x6b: {  	_ =	shalt  }
0x6c: {  	_ =	shalt  }
0x6d: {  	_ =	shalt  }
0x6e: {  	_ =	shalt  }
0x6f: {  	_ =	shalt  }
0x70: {  	_ =	shalt  }
0x71: {  	_ =	shalt  }
0x72: {  	_ =	shalt  }
0x73: {  	_ =	shalt  }
0x74: {  	_ =	shalt  }
0x75: {  	_ =	shalt  }
0x76: {  	_ =	shalt  }
0x77: {  	_ =	shalt  }
0x78: {  	_ =	shalt  }
0x79: {  	_ =	shalt  }
0x7a: {  	_ =	shalt  }
0x7b: {  	_ =	shalt  }
0x7c: {  	_ =	shalt  }
0x7d: {  	_ =	shalt  }
0x7e: {  	_ =	shalt  }
0x7f: {  	_ =	shalt  }
0x80: {  	_ =	shalt  }
0x81: {  	_ =	shalt  }
0x82: {  	_ =	shalt  }
0x83: {  	_ =	shalt  }
0x84: {  	_ =	shalt  }
0x85: {  	_ =	shalt  }
0x86: {  	_ =	shalt  }
0x87: {  	_ =	shalt  }
.Lfunc_end0:
.L_simem_size_0:
called_computation.2_lowered:
.L_overlay_start_0:
0x88: {  	s2 =	sld [smem:$0x3FD9]  }
0x89: {  	s3 =	sld [smem:$0x3FFE];
	_ =	sdelay $0x1  }
0x8a: {  	s1 =	srdreg.scid  }
0x8b: {  	s0 =	sand.u32 $0x1, s1  }
0x8c: {  	s17 =	sshll.u32 s0, $0xA;
	s2 =	sadd.s32 s3, s2  }
0x8d: {  	s2 =	sadd.s32 s2, s17  }
0x8e: {  	[smem:$0x3FC6] =	sst s2  }
0x8f: {  	_ = 	snop  }
0x90: {  	s2 =	sld [smem:$0x3FC9]  }
0x91: {  	s18 =	sld [smem:$0x3FD0];
	(tm) =	ssettm $0x1  }
0x92: {  	s4 =	sld [smem:$0x3FFB];
	_ =	sdelay $0x3  }
0x93: {  	_ =	strace s4  }
0x94: {  	s4 =	sld [smem:$0x3FFC];
	_ =	sdelay $0x3  }
0x95: {  	_ =	strace s4  }
0x96: {  	s4 =	sld [smem:$0x3FFD];
	_ =	sdelay $0x3  }
0x97: {  	_ =	strace s4  }
0x98: {  	_ =	strace $0x8FFFFFFF  }
0x99: {  	s19 =	sld [smem:$0x3FDB];
	_ =	sdelay $0x1  }
0x9a: {  	s5 =	simm.s32 $_scs_section_size  }
0x9b: {  	s6 =	simm.s32 $_size__tile_overlayer_lowered;
	s7 =	simm.s32 $_tile_overlayer_lowered  }
0x9c: {  	s22 =	simm.s32 $0x1BFF;
	s21 =	sshll.u32 s7, $0x1;
	s4 =	sadd.s32 s5, s19  }
0x9d: {  	s8 =	simm.s32 $0x0;
	s20 =	sshll.u32 s6, $0x1;
	s6 =	sadd.s32 s21, s4  }
0x9e: {  	[timem:s8], [sflag:s22] =	dma.local [hbm:s6], s20  }
0x9f: {  	_ =	swait.ge [sflag:s22], s20  }
0xa0: {  	s5 =	ssub.s32 $0x0, s20;
	[sflag:s22] =	ssyncset.done $0x0  }
0xa1: {  	[sflag:s22] =	ssyncadd.s32 s5;
	_ =	sdelay $0x1  }
0xa2: {  	s23 =	simm.s32 $0x1B8B  }
0xa3: {  	_ =	swait.ge [sflag:s23], $0x1  }
0xa4: {  	[sflag:s23] =	ssyncset.done $0x0  }
0xa5: {  	s25 =	simm.s32 $0x1B8E;
	s24 =	sld [smem:$0x3FFE];
	[sflag:s23] =	ssyncadd.s32 $0xFFFFFFFF  }
0xa6: {  	s26 =	simm.s32 $execute0_lowered;
	[smem:$0x3FD2] =	sst s25  }
0xa7: {  	s6 =	sshll.u32 s26, $0x1;
	_ =	strace $0x8000004C;
	[dreg:$0x1] =	wrdreg $0xFFFFFFFF  }
0xa8: {  	s28 =	simm.s32 $_size_execute0_lowered;
	s4 =	sadd.s32 s4, s6;
	[dreg:$0x0] =	wrdreg $0x0  }
0xa9: {  	s6 =	sshll.u32 s28, $0x1;
	[dreg:$0x2] =	wrdreg s4  }
0xaa: {  	[dreg:$0x3] =	wrdreg s6  }
0xab: {  	[dreg:$0x4] =	wrdreg $0xC0  }
0xac: {  	_ =	task [dreg:s8], $0x5FFFF  }
0xad: {  	[dreg:$0x1] =	wrdreg $0xFFFFFFFF  }
0xae: {  	[dreg:$0x0] =	wrdreg $0x60  }
0xaf: {  	[dreg:$0x2] =	wrdreg s24  }
0xb0: {  	[dreg:$0x3] =	wrdreg s2  }
0xb1: {  	[dreg:$0x4] =	wrdreg s18  }
0xb2: {  	[dreg:$0x5] =	wrdreg $0x9  }
0xb3: {  	_ =	task.clear_ibuf [dreg:s8], $0x6FFFF;
	_ =	strace $0x9000004C  }
0xb4: {  	s29 =	simm.s32 $0x9;
	_ =	strace $0x8000004E  }
0xb5: {  	_ =	swait.ge [sflag:s29], $0x1  }
0xb6: {  	[sflag:s29] =	ssyncadd.s32 $0xFFFFFFFF  }
0xb7: {  	_ =	strace $0x9000004E  }
0xb8: {  	_ =	sfence  }
0xb9: {  	s30 =	sld [smem:$0x0];
	_ =	sdelay $0x2  }
0xba: {  	s31 =	sshll.u32 s1, $0xD;
	s1 =	sshrl.u32 s1, $0x2  }
0xbb: {  	s3 =	sand.u32 $0x4000, s31;
	s1 =	sadd.s32 s1, s30  }
0xbc: {  	s0 =	sor.u32 s3, s0;
	s1 =	sshll.u32 s1, $0x11  }
0xbd: {  	s0 =	sor.u32 s1, s0  }
0xbe: {  	s0 =	sadd.s32 $0x8F2B, s0  }
0xbf: {  	[sflag:s0] =	ssyncadd.remote.s32 $0x1  }
0xc0: {  	_ =	sfence.sel $0xFFFF  }
0xc1: {  	[dreg:$0x0] =	wrdreg $0xFFFFFFFF;
	(pc) =	sbr.abs _section_cstart, $3  }
0xc2: {  	[dreg:$0x1] =	wrdreg $0xFFFFFFFF  }
0xc3: {  	_ =	task.clear_ibuf [dreg:s8], $0x2FFFF;
	_ =	strace $0x9FFFFFFF  }
0xc4: {  	(tm) =	ssettm $0x7FFFFFFF  }
0xc5: {  	_ =	shalt  }
tec
execute0_lowered:
.L_overlay_start_1:
0x0: {  	(tag) =	ssettag $0x1  }
0x1: {  	s0 =	rddreg [dreg:$0x0]  }
0x2: {  	s1 =	rddreg [dreg:$0x1]  }
0x3: {  	s3 =	rddreg [dreg:$0x2];
	s2 =	srdreg.scid  }
0x4: {  	s5 =	simm.s32 $0x0;
	s4 =	stileid.u32;
	s2 =	sand.u32 $0x1, s2  }
0x5: {  	[smem:$0x7FF] =	sst s5;
	s4 =	sshll.u32 s4, $0x3;
	s6 =	sshll.u32 s2, $0x2  }
0x6: {  	s5 =	sadd.s32 $0xF43800, s0;
	s2 =	ssub.s32 $0x2, s2;
	s6 =	sor.u32 s6, s4  }
0x7: {  	_ =	strace $0x8000004D;
	s26 =	sshrl.u32 s2, $0x1;
	s7 =	sshll.u32 s6, $0x5  }
0x8: {  	s4 =	sshll.u32 s6, $0x4;
	s2 =	ssub.s32 s2, s26;
	s7 =	sadd.s32 s1, s7  }
0x9: {  	v1 =	vlaneseq.u32;
	s0 =	sadd.s32 s4, s0;
	s31 =	smax.u32 s2, $0x1;
	[dreg:$0x4] =	wrdreg s7  }
0xa: {  	v0 =	vmul.u32 $0x21, v1;
	s0 =	sadd.s32 $0xF43000, s0;
	[dreg:$0x9] =	wrdreg s31  }
0xb: {  	s28 =	sadd.s32 $0x20, s7;
	[dreg:$0x5] =	wrdreg s0  }
0xc: {  	v1 =	vand.u32 $0x7, v1;
	v2 =	vadd.s32 $0x210, v0;
	s29 =	sadd.s32 $0x40, s7;
	[dreg:$0x6] =	wrdreg s28  }
0xd: {  	s16 =	simm.s32 $0x400;
	v3 =	vadd.s32 $0x420, v0;
	v4 =	vadd.s32 $0x630, v0;
	v5 =	vadd.s32 $0x840, v0;
	s30 =	sadd.s32 $0x60, s7;
	[dreg:$0x7] =	wrdreg s29  }
0xe: {  	s22 =	simm.s32 $0x20000;
	v6 =	vadd.s32 $0xA50, v0;
	v7 =	vadd.s32 $0xC60, v0;
	v8 =	vadd.s32 $0xE70, v0;
	s4 =	simm.s32 $0x0;
	[dreg:$0x8] =	wrdreg s30  }
.LBB2_1:
0xf: {  	[dreg:$0xa] =	wrdreg s4  }
0x10: {  	s0 =	simm.s32 $0x0;
	s2 =	rddreg [dreg:$0x5];
	s15 =	simm.s32 $0xD  }
0x11: {  	[tilespmem:s0], [sflag:$0xD] =	stream.linear.gather [hbm4b:s2+s0], $0x200, $0x38;
	[tilespmem:$0xCA00] =	vst v63  }
0x12: {  	_ =	swait.ge [sflag:s15], $0x200  }
0x13: {  	[sflag:s15] =	ssyncset.done $0x0  }
0x14: {  	s18 =	simm.s32 $0x200;
	s17 =	rddreg [dreg:$0x4];
	[sflag:s15] =	ssyncadd.s32 $0xFFFFFE00  }
0x15: {  	[tilespmem:s18], [sflag:$0x1] =	stream.linear.gather [hbm4b:s17+s0], $0x100, $0x38;
	[tilespmem:$0xCA00] =	vst v63  }
0x16: {  	s20 =	simm.s32 $0x300;
	s19 =	rddreg [dreg:$0x6]  }
0x17: {  	[tilespmem:s20], [sflag:$0x2] =	stream.linear.gather [hbm4b:s19+s0], $0x100, $0x38;
	[tilespmem:$0xCA00] =	vst v63  }
0x18: {  	s21 =	rddreg [dreg:$0x7]  }
0x19: {  	[tilespmem:s16], [sflag:$0x3] =	stream.linear.gather [hbm4b:s21+s0], $0x100, $0x38;
	[tilespmem:$0xCA00] =	vst v63  }
0x1a: {  	s24 =	simm.s32 $0x500;
	s25 =	simm.s32 $0x1;
	s23 =	rddreg [dreg:$0x8]  }
0x1b: {  	[tilespmem:s24], [sflag:$0x4] =	stream.linear.gather [hbm4b:s23+s0], $0x100, $0x38;
	[tilespmem:$0xCA00] =	vst v63  }
0x1c: {  	_ =	swait.ge [sflag:s25], $0x100  }
0x1d: {  	[sflag:s25] =	ssyncset.done $0x0  }
0x1e: {  	[sflag:s25] =	ssyncadd.s32 $0xFFFFFF00  }
0x1f: {  	v9 =	vld [tilespmem:$0x200]  }
0x20: {  	v10 =	vld [tilespmem:$0x210]  }
0x21: {  	v11 =	vld [tilespmem:$0x220]  }
0x22: {  	v12 =	vld [tilespmem:$0x230]  }
0x23: {  	v13 =	vld [tilespmem:$0x240]  }
0x24: {  	v14 =	vld [tilespmem:$0x250];
	v9 =	vtrunc.f32 v9  }
0x25: {  	v15 =	vld [tilespmem:$0x260];
	v10 =	vtrunc.f32 v10;
	v9 =	vcvt.f32.s32 v9  }
0x26: {  	v16 =	vld [tilespmem:$0x270];
	v11 =	vtrunc.f32 v11;
	v10 =	vcvt.f32.s32 v10  }
0x27: {  	v12 =	vtrunc.f32 v12;
	v11 =	vcvt.f32.s32 v11;
	v9 =	vshll.u32 v9, $0x2  }
0x28: {  	v60 =	vtrunc.f32 v13;
	[tilespmem:$0x600] =	vst v9;
	v9 =	vshll.u32 v10, $0x2;
	v10 =	vcvt.f32.s32 v12  }
0x29: {  	v61 =	vtrunc.f32 v14;
	[tilespmem:$0x610] =	vst v9;
	v9 =	vshll.u32 v11, $0x2;
	v11 =	vcvt.f32.s32 v60  }
0x2a: {  	v62 =	vtrunc.f32 v15;
	[tilespmem:$0x620] =	vst v9;
	v9 =	vshll.u32 v10, $0x2;
	v10 =	vcvt.f32.s32 v61  }
0x2b: {  	v63 =	vtrunc.f32 v16;
	[tilespmem:$0x630] =	vst v9;
	v9 =	vshll.u32 v11, $0x2;
	v11 =	vcvt.f32.s32 v62  }
0x2c: {  	[tilespmem:$0x640] =	vst v9;
	v9 =	vshll.u32 v10, $0x2;
	v10 =	vcvt.f32.s32 v63  }
0x2d: {  	[tilespmem:$0x650] =	vst v9;
	v9 =	vshll.u32 v11, $0x2  }
0x2e: {  	s26 =	simm.s32 $0x80;
	s28 =	simm.s32 $0x600;
	[tilespmem:$0x660] =	vst v9;
	v9 =	vshll.u32 v10, $0x2  }
0x2f: {  	s30 =	simm.s32 $0x800;
	s29 =	simm.s32 $0x0;
	s31 =	simm.s32 $0x0;
	[tilespmem:$0x670] =	vst v9  }
0x30: {  	[tilespmem:s30], [sflag:$0x5] =	stream.indirect.gather [hbm4b:s5+s26], $0x20, s28, s26, $0xb8;
	[tilespmem:$0xCA00] =	vst v63  }
.LBB2_2:
0x31: {  	s30 =	sadd.s32 $0x1, s31  }
0x32: {  	p0 =	seq.s32 s31, $0x31F;
	s2 =	sand.u32 $0x3, s30  }
0x33: {  	s0 =	sadd.s32 @!p0 $0x1, s2  }
0x34: {  	_ =	swait.ge @!p0 [sflag:s0], $0x100  }
0x35: {  	[sflag:s0] =	ssyncset.done @!p0 $0x0  }
0x36: {  	[sflag:s0] =	ssyncadd.s32 @!p0 $0xFFFFFF00;
	s0 =	sshll.u32 @!p0 s2, $0x8  }
0x37: {  	v9 =	vld @!p0 [tilespmem:s0+$0x200];
	_ =	sdelay $0x4  }
0x38: {  	v9 =	vtrunc.f32 @!p0 v9  }
0x39: {  	v9 =	vcvt.f32.s32 @!p0 v9;
	_ =	sdelay $0x1  }
0x3a: {  	s4 =	sshll.u32 @!p0 s2, $0x7;
	v9 =	vshll.u32 @!p0 v9, $0x2  }
0x3b: {  	[tilespmem:s4+$0x600] =	vst @!p0 v9  }
0x3c: {  	v9 =	vld @!p0 [tilespmem:s0+$0x210];
	_ =	sdelay $0x4  }
0x3d: {  	v9 =	vtrunc.f32 @!p0 v9  }
0x3e: {  	v9 =	vcvt.f32.s32 @!p0 v9;
	_ =	sdelay $0x1  }
0x3f: {  	v9 =	vshll.u32 @!p0 v9, $0x2  }
0x40: {  	[tilespmem:s4+$0x610] =	vst @!p0 v9  }
0x41: {  	v9 =	vld @!p0 [tilespmem:s0+$0x220];
	_ =	sdelay $0x4  }
0x42: {  	v9 =	vtrunc.f32 @!p0 v9  }
0x43: {  	v9 =	vcvt.f32.s32 @!p0 v9;
	_ =	sdelay $0x1  }
0x44: {  	v9 =	vshll.u32 @!p0 v9, $0x2  }
0x45: {  	[tilespmem:s4+$0x620] =	vst @!p0 v9  }
0x46: {  	v9 =	vld @!p0 [tilespmem:s0+$0x230];
	_ =	sdelay $0x4  }
0x47: {  	v9 =	vtrunc.f32 @!p0 v9  }
0x48: {  	v9 =	vcvt.f32.s32 @!p0 v9;
	_ =	sdelay $0x1  }
0x49: {  	v9 =	vshll.u32 @!p0 v9, $0x2  }
0x4a: {  	[tilespmem:s4+$0x630] =	vst @!p0 v9  }
0x4b: {  	v9 =	vld @!p0 [tilespmem:s0+$0x240];
	_ =	sdelay $0x4  }
0x4c: {  	v9 =	vtrunc.f32 @!p0 v9  }
0x4d: {  	v9 =	vcvt.f32.s32 @!p0 v9;
	_ =	sdelay $0x1  }
0x4e: {  	v9 =	vshll.u32 @!p0 v9, $0x2  }
0x4f: {  	[tilespmem:s4+$0x640] =	vst @!p0 v9  }
0x50: {  	v9 =	vld @!p0 [tilespmem:s0+$0x250];
	_ =	sdelay $0x4  }
0x51: {  	v9 =	vtrunc.f32 @!p0 v9  }
0x52: {  	v9 =	vcvt.f32.s32 @!p0 v9;
	_ =	sdelay $0x1  }
0x53: {  	v9 =	vshll.u32 @!p0 v9, $0x2  }
0x54: {  	[tilespmem:s4+$0x650] =	vst @!p0 v9  }
0x55: {  	v9 =	vld @!p0 [tilespmem:s0+$0x260];
	_ =	sdelay $0x4  }
0x56: {  	v9 =	vtrunc.f32 @!p0 v9  }
0x57: {  	v9 =	vcvt.f32.s32 @!p0 v9;
	_ =	sdelay $0x1  }
0x58: {  	v9 =	vshll.u32 @!p0 v9, $0x2  }
0x59: {  	[tilespmem:s4+$0x660] =	vst @!p0 v9  }
0x5a: {  	v9 =	vld @!p0 [tilespmem:s0+$0x270];
	_ =	sdelay $0x4  }
0x5b: {  	v9 =	vtrunc.f32 @!p0 v9  }
0x5c: {  	v9 =	vcvt.f32.s32 @!p0 v9  }
0x5d: {  	p1 =	slt.u32 @!p0 s31, $0x3  }
0x5e: {  	p1 =	por p1, p0;
	v9 =	vshll.u32 @!p0 v9, $0x2  }
0x5f: {  	s7 =	sadd.s32 @!p1 $0x9, s2;
	[tilespmem:s4+$0x670] =	vst @!p0 v9  }
0x60: {  	_ =	swait.ge @!p1 [sflag:s7], $0x1000  }
0x61: {  	s8 =	simm.s32 @!p0 $0x80;
	s0 =	sand.u32 $0x3, s31;
	[sflag:s7] =	ssyncset.done @!p1 $0x0  }
0x62: {  	s19 =	sadd.s32 $0x5, s0;
	[sflag:s7] =	ssyncadd.s32 @!p1 $0xFFFFF000;
	s7 =	sshll.u32 @!p0 s2, $0xC  }
0x63: {  	s4 =	sor.u32 @!p0 $0x600, s4;
	s2 =	sadd.s32 @!p0 $0x5, s2;
	s7 =	sor.u32 @!p0 $0x800, s7  }
0x64: {  	[tilespmem:s7], [sflag:s2] =	stream.indirect.gather @!p0 [hbm4b:s5+s8], $0x20, s4, s8, $0xb8;
	[tilespmem:$0xCA00] =	vst v63  }
0x65: {  	_ =	swait.ge [sflag:s19], $0x1000  }
0x66: {  	[sflag:s19] =	ssyncset.done $0x0  }
0x67: {  	s20 =	sshll.u32 s0, $0x8;
	[sflag:s19] =	ssyncadd.s32 $0xFFFFF000  }
0x68: {  	s21 =	sshll.u32 s0, $0x7;
	v9 =	vld [tilespmem:s20+$0x280]  }
0x69: {  	v10 =	vld [tilespmem:s21+$0x0]  }
0x6a: {  	v11 =	vld [tilespmem:s20+$0x290]  }
0x6b: {  	v13 =	vld [tilespmem:s21+$0x10]  }
0x6c: {  	v14 =	vld [tilespmem:s20+$0x2A0]  }
0x6d: {  	v15 =	vld [tilespmem:s21+$0x20]  }
0x6e: {  	v17 =	vld [tilespmem:s20+$0x2B0]  }
0x6f: {  	v18 =	vld [tilespmem:s21+$0x30]  }
0x70: {  	v19 =	vld [tilespmem:s20+$0x2C0]  }
0x71: {  	v20 =	vld [tilespmem:s21+$0x40]  }
0x72: {  	s23 =	sand.u32 $0x3, s29;
	p0 =	sgt.u32 s31, $0x31B;
	v21 =	vld [tilespmem:s20+$0x2D0]  }
0x73: {  	s9 =	sshll.u32 s23, $0xC;
	s8 =	sshll.u32 @!p0 s31, $0xA;
	s10 =	sor.u32 @!p0 s6, s0;
	v22 =	vld [tilespmem:s21+$0x50]  }
0x74: {  	s28 =	sor.u32 $0x900, s9;
	s4 =	sadd.s32 @!p0 $0x1000, s8;
	s8 =	sshll.u32 @!p0 s10, $0x5;
	v23 =	vld [tilespmem:s20+$0x2E0]  }
0x75: {  	s2 =	sadd.s32 $0x200, s20;
	s4 =	sand.u32 @!p0 $0x1FF000, s4;
	s8 =	sadd.s32 @!p0 s1, s8;
	v24 =	vld [tilespmem:s21+$0x60]  }
0x76: {  	s10 =	sadd.s32 @!p0 $0x1, s0;
	v25 =	vld [tilespmem:s20+$0x2F0];
	s4 =	sadd.s32 @!p0 s4, s8;
	s8 =	simm.s32 @!p0 $0x0  }
0x77: {  	v26 =	vld [tilespmem:s21+$0x70];
	[tilespmem:s2], [sflag:s10] =	stream.linear.gather @!p0 [hbm4b:s4+s8], $0x100, $0x38  }
0x78: {  	v16 =	vadd.f32 v15, v14;
	v15 =	vadd.f32 v18, v17;
	v17 =	vld [tilespmem:s28+$0xE0]  }
0x79: {  	s24 =	smul.u32 $0x4200, s23;
	v18 =	vld [tilespmem:s28+$0xFFFFFF20]  }
0x7a: {  	v14 =	vadd.f32 v20, v19;
	v19 =	vld [tilespmem:s28+$0xFFFFFF40]  }
0x7b: {  	s25 =	sshrl.u32 s24, $0x2;
	v20 =	vld [tilespmem:s28+$0xFFFFFF60]  }
0x7c: {  	s7 =	sadd.s32 $0x4908, s25;
	v13 =	vadd.f32 v13, v11;
	v11 =	vadd.f32 v22, v21;
	v21 =	vld [tilespmem:s28+$0xFFFFFF80]  }
0x7d: {  	v22 =	vld [tilespmem:s28+$0xFFFFFFA0];
	[tilespmem:s7+$0xE7] =	vst v17  }
0x7e: {  	[tilespmem:s7+$0xFFFFFF19] =	vst v18;
	v18 =	vld [tilespmem:s28+$0xFFFFFFC0]  }
0x7f: {  	[tilespmem:s7+$0xFFFFFF3A] =	vst v19;
	v19 =	vld [tilespmem:s28+$0xFFFFFFE0]  }
0x80: {  	[tilespmem:s7+$0xFFFFFF5B] =	vst v20;
	v20 =	vld [tilespmem:s28+$0x0]  }
0x81: {  	[tilespmem:s7+$0xFFFFFF7C] =	vst v21;
	v21 =	vld [tilespmem:s28+$0x20]  }
0x82: {  	[tilespmem:s7+$0xFFFFFF9D] =	vst v22;
	v22 =	vld [tilespmem:s28+$0x40]  }
0x83: {  	v17 =	vld [tilespmem:s28+$0xF0];
	[tilespmem:s7+$0xFFFFFFBE] =	vst v18  }
0x84: {  	[tilespmem:s7+$0xFFFFFFDF] =	vst v19;
	v18 =	vld [tilespmem:s28+$0x80]  }
0x85: {  	[tilespmem:s7+$0x0] =	vst v20;
	v19 =	vld [tilespmem:s28+$0xA0]  }
0x86: {  	[tilespmem:s7+$0x21] =	vst v21;
	v20 =	vld [tilespmem:s28+$0xC0]  }
0x87: {  	v21 =	vld [tilespmem:s28+$0xFFFFFF00];
	[tilespmem:s7+$0x42] =	vst v22  }
0x88: {  	v22 =	vld [tilespmem:s28+$0xFFFFFF30];
	[tilespmem:s7+$0xF7] =	vst v17  }
0x89: {  	v17 =	vld [tilespmem:s28+$0x60];
	[tilespmem:s7+$0x84] =	vst v18  }
0x8a: {  	v12 =	vadd.f32 v10, v9;
	v10 =	vadd.f32 v24, v23;
	v23 =	vld [tilespmem:s28+$0xFFFFFFF0];
	[tilespmem:s7+$0xA5] =	vst v19  }
0x8b: {  	v62 =	vld [tilespmem:s28+$0x10];
	[tilespmem:s7+$0xC6] =	vst v20  }
0x8c: {  	v63 =	vld [tilespmem:s28+$0x30];
	[tilespmem:s7+$0xFFFFFEF8] =	vst v21  }
0x8d: {  	v18 =	vld [tilespmem:s28+$0xFFFFFF70];
	[tilespmem:s7+$0xFFFFFF29] =	vst v22  }
0x8e: {  	[tilespmem:s7+$0x63] =	vst v17;
	v17 =	vld [tilespmem:s28+$0xFFFFFF50]  }
0x8f: {  	v19 =	vld [tilespmem:s28+$0xFFFFFF90];
	[tilespmem:s7+$0xFFFFFFEF] =	vst v23  }
0x90: {  	v20 =	vld [tilespmem:s28+$0xFFFFFFB0];
	[tilespmem:s7+$0x10] =	vst v62  }
0x91: {  	v22 =	vld [tilespmem:s28+$0xFFFFFFD0];
	[tilespmem:s7+$0x31] =	vst v63  }
0x92: {  	v21 =	vld [tilespmem:s28+$0xFFFFFF10];
	[tilespmem:s7+$0xFFFFFF6B] =	vst v18  }
0x93: {  	[tilespmem:s7+$0xFFFFFF4A] =	vst v17;
	v17 =	vld [tilespmem:s28+$0x50]  }
0x94: {  	s11 =	smul.u32 $0x4200, s0;
	[tilespmem:s7+$0xFFFFFF8C] =	vst v19;
	v18 =	vld [tilespmem:s28+$0x70]  }
0x95: {  	[tilespmem:s7+$0xFFFFFFAD] =	vst v20;
	v19 =	vld [tilespmem:s28+$0x90]  }
0x96: {  	s14 =	sor.u32 $0x8C00, s9;
	s9 =	simm.s32 $0x0;
	s26 =	sshrl.u32 s11, $0x2;
	[tilespmem:s7+$0xFFFFFFCE] =	vst v22;
	v20 =	vld [tilespmem:s28+$0xB0]  }
0x97: {  	s8 =	sshll.u32 s0, $0xE;
	s2 =	sadd.s32 $0x4800, s26;
	s10 =	sadd.s32 $0x200, s28;
	v9 =	vadd.f32 v26, v25;
	[tilespmem:s7+$0xFFFFFF08] =	vst v21;
	v21 =	vld [tilespmem:s28+$0xD0]  }
.LBB2_3:
0x98: {  	v22 =	vld [tilespmem:s10+$0xE0];
	s9 =	sadd.s32 $0x10, s9;
	[tilespmem:s7+$0x52] =	vst v17  }
0x99: {  	v17 =	vld [tilespmem:s10+$0xFFFFFF20];
	p0 =	slt.u32 s9, $0x70;
	[tilespmem:s7+$0x73] =	vst v18  }
0x9a: {  	v18 =	vld [tilespmem:s10+$0xFFFFFF40];
	[tilespmem:s7+$0x94] =	vst v19  }
0x9b: {  	v19 =	vld [tilespmem:s10+$0xFFFFFF60];
	[tilespmem:s7+$0xB5] =	vst v20  }
0x9c: {  	v20 =	vld [tilespmem:s10+$0xFFFFFF80];
	[tilespmem:s7+$0xD6] =	vst v21;
	s7 =	sadd.s32 $0x210, s7  }
0x9d: {  	v21 =	vld [tilespmem:s10+$0xFFFFFFA0];
	[tilespmem:s7+$0xE7] =	vst v22  }
0x9e: {  	[tilespmem:s7+$0xFFFFFF19] =	vst v17;
	v17 =	vld [tilespmem:s10+$0xF0]  }
0x9f: {  	[tilespmem:s7+$0xFFFFFF3A] =	vst v18;
	v18 =	vld [tilespmem:s10+$0xFFFFFFC0]  }
0xa0: {  	[tilespmem:s7+$0xFFFFFF5B] =	vst v19;
	v19 =	vld [tilespmem:s10+$0xFFFFFFE0]  }
0xa1: {  	[tilespmem:s7+$0xFFFFFF7C] =	vst v20;
	v20 =	vld [tilespmem:s10+$0x0]  }
0xa2: {  	[tilespmem:s7+$0xFFFFFF9D] =	vst v21;
	v21 =	vld [tilespmem:s10+$0x20]  }
0xa3: {  	v22 =	vld [tilespmem:s10+$0x40];
	[tilespmem:s7+$0xF7] =	vst v17  }
0xa4: {  	[tilespmem:s7+$0xFFFFFFBE] =	vst v18;
	v17 =	vld [tilespmem:s10+$0x60]  }
0xa5: {  	[tilespmem:s7+$0xFFFFFFDF] =	vst v19;
	v18 =	vld [tilespmem:s10+$0x80]  }
0xa6: {  	[tilespmem:s7+$0x0] =	vst v20;
	v19 =	vld [tilespmem:s10+$0xA0]  }
0xa7: {  	[tilespmem:s7+$0x21] =	vst v21;
	v20 =	vld [tilespmem:s10+$0xC0]  }
0xa8: {  	v21 =	vld [tilespmem:s10+$0xFFFFFF00];
	[tilespmem:s7+$0x42] =	vst v22  }
0xa9: {  	v22 =	vld [tilespmem:s10+$0xFFFFFF30];
	[tilespmem:s7+$0x63] =	vst v17  }
0xaa: {  	v17 =	vld [tilespmem:s10+$0xFFFFFF50];
	[tilespmem:s7+$0x84] =	vst v18  }
0xab: {  	v18 =	vld [tilespmem:s10+$0xFFFFFF70];
	[tilespmem:s7+$0xA5] =	vst v19  }
0xac: {  	v19 =	vld [tilespmem:s10+$0xFFFFFF90];
	[tilespmem:s7+$0xC6] =	vst v20  }
0xad: {  	[tilespmem:s7+$0xFFFFFEF8] =	vst v21;
	v20 =	vld [tilespmem:s10+$0xFFFFFFB0]  }
0xae: {  	v21 =	vld [tilespmem:s10+$0xFFFFFF10];
	[tilespmem:s7+$0xFFFFFF29] =	vst v22  }
0xaf: {  	[tilespmem:s7+$0xFFFFFF4A] =	vst v17;
	v22 =	vld [tilespmem:s10+$0xFFFFFFD0]  }
0xb0: {  	[tilespmem:s7+$0xFFFFFF6B] =	vst v18;
	v23 =	vld [tilespmem:s10+$0xFFFFFFF0]  }
0xb1: {  	[tilespmem:s7+$0xFFFFFF8C] =	vst v19;
	v24 =	vld [tilespmem:s10+$0x10]  }
0xb2: {  	[tilespmem:s7+$0xFFFFFFAD] =	vst v20;
	v25 =	vld [tilespmem:s10+$0x30]  }
.Ltmp0:
0xb3: {  	[tilespmem:s7+$0xFFFFFF08] =	vst v21;
	v17 =	vld [tilespmem:s10+$0x50];
	(pc) =	sbr.rel @p0 .LBB2_3-.Ltmp0, $4  }
0xb4: {  	[tilespmem:s7+$0xFFFFFFCE] =	vst v22;
	v18 =	vld [tilespmem:s10+$0x70]  }
0xb5: {  	[tilespmem:s7+$0xFFFFFFEF] =	vst v23;
	v19 =	vld [tilespmem:s10+$0x90]  }
0xb6: {  	[tilespmem:s7+$0x10] =	vst v24;
	v20 =	vld [tilespmem:s10+$0xB0]  }
0xb7: {  	[tilespmem:s7+$0x31] =	vst v25;
	v21 =	vld [tilespmem:s10+$0xD0];
	s10 =	sadd.s32 $0x200, s10  }
0xb8: {  	s4 =	sshrl.u32 s8, $0x2  }
0xb9: {  	[tilespmem:s7+$0x52] =	vst v17;
	s25 =	simm.s32 $0x0;
	s15 =	sadd.s32 $0x8A00, s4;
	s4 =	simm.s32 $0x3  }
0xba: {  	s26 =	simm.s32 $0x6;
	[tilespmem:s7+$0x73] =	vst v18;
	v17 =	vadd.s32 s25, v0;
	v18 =	vadd.s32 s4, v0  }
0xbb: {  	[tilespmem:s7+$0x94] =	vst v19;
	v17 =	vand.u32 $0x3F8, v17;
	v19 =	vadd.s32 s26, v0  }
0xbc: {  	s24 =	simm.s32 $0x7;
	v17 =	vor.u32 v1, v17  }
0xbd: {  	[tilespmem:s7+$0xB5] =	vst v20;
	v20 =	vadd.s32 s24, v0  }
0xbe: {  	s13 =	simm.s32 $0x1;
	[tilespmem:s7+$0xD6] =	vst v21  }
0xbf: {  	s28 =	simm.s32 $0x5;
	v21 =	vadd.s32 s13, v0;
	v18 =	vld.idx.msk [tilespmem:v18+s2+$0x0], $0xffff  }
0xc0: {  	s23 =	simm.s32 $0x4;
	v22 =	vadd.s32 s28, v0;
	v19 =	vld.idx.msk [tilespmem:v19+s2+$0x0], $0xffff  }
0xc1: {  	v23 =	vadd.s32 s23, v0;
	v17 =	vld.idx.msk [tilespmem:v17+s2+$0x0], $0xffff  }
0xc2: {  	v24 =	vadd.s32 s25, v2;
	v25 =	vadd.s32 s4, v2;
	v20 =	vld.idx.msk [tilespmem:v20+s2+$0x0], $0xffff  }
0xc3: {  	v26 =	vadd.s32 s26, v2;
	v24 =	vand.u32 $0x7F8, v24  }
0xc4: {  	v24 =	vor.u32 v1, v24;
	v21 =	vld.idx.msk [tilespmem:v21+s2+$0x0], $0xffff;
	v18 =	vadd.f32 v18, v12  }
0xc5: {  	v27 =	vadd.s32 s24, v2;
	v22 =	vld.idx.msk [tilespmem:v22+s2+$0x0], $0xffff;
	v19 =	vadd.f32 v19, v12  }
0xc6: {  	v23 =	vld.idx.msk [tilespmem:v23+s2+$0x0], $0xffff;
	v17 =	vadd.f32 v17, v12;
	[tilespmem:s14+$0xFFFFFF80] =	vst v18  }
0xc7: {  	v20 =	vadd.f32 v20, v12;
	v18 =	vadd.s32 s13, v2;
	[tilespmem:s14+$0x100] =	vst v19;
	v25 =	vld.idx.msk [tilespmem:v25+s2+$0x0], $0xffff  }
0xc8: {  	[tilespmem:s14+$0xFFFFFE00] =	vst v17;
	v17 =	vadd.s32 s28, v2;
	v19 =	vld.idx.msk [tilespmem:v26+s2+$0x0], $0xffff  }
0xc9: {  	v21 =	vadd.f32 v21, v12;
	v26 =	vadd.s32 s23, v2;
	[tilespmem:s14+$0x180] =	vst v20;
	v24 =	vld.idx.msk [tilespmem:v24+s2+$0x0], $0xffff  }
0xca: {  	v28 =	vadd.s32 s25, v3;
	v20 =	vadd.f32 v22, v12;
	v22 =	vadd.s32 s4, v3;
	v27 =	vld.idx.msk [tilespmem:v27+s2+$0x0], $0xffff  }
0xcb: {  	[tilespmem:s14+$0xFFFFFE80] =	vst v21;
	v21 =	vadd.f32 v23, v12;
	v23 =	vand.u32 $0xFF8, v28;
	v28 =	vadd.s32 s26, v3  }
0xcc: {  	[tilespmem:s14+$0x80] =	vst v20;
	v23 =	vor.u32 v1, v23;
	v18 =	vld.idx.msk [tilespmem:v18+s2+$0x0], $0xffff;
	v20 =	vadd.f32 v25, v13  }
0xcd: {  	s18 =	simm.s32 $0x2;
	[tilespmem:s14+$0x0] =	vst v21;
	v21 =	vadd.s32 s24, v3;
	v17 =	vld.idx.msk [tilespmem:v17+s2+$0x0], $0xffff;
	v19 =	vadd.f32 v19, v13  }
0xce: {  	v25 =	vadd.s32 s18, v0;
	v26 =	vld.idx.msk [tilespmem:v26+s2+$0x0], $0xffff;
	v24 =	vadd.f32 v24, v13;
	[tilespmem:s14+$0xFFFFFF90] =	vst v20  }
0xcf: {  	v27 =	vadd.f32 v27, v13;
	v20 =	vadd.s32 s13, v3;
	[tilespmem:s14+$0x110] =	vst v19;
	v22 =	vld.idx.msk [tilespmem:v22+s2+$0x0], $0xffff  }
0xd0: {  	v19 =	vadd.s32 s28, v3;
	[tilespmem:s14+$0xFFFFFE10] =	vst v24;
	v24 =	vld.idx.msk [tilespmem:v28+s2+$0x0], $0xffff  }
0xd1: {  	v28 =	vadd.s32 s23, v3;
	[tilespmem:s14+$0x190] =	vst v27;
	v18 =	vadd.f32 v18, v13;
	v23 =	vld.idx.msk [tilespmem:v23+s2+$0x0], $0xffff  }
0xd2: {  	v29 =	vadd.s32 s25, v4;
	v27 =	vadd.s32 s4, v4;
	v21 =	vld.idx.msk [tilespmem:v21+s2+$0x0], $0xffff;
	v17 =	vadd.f32 v17, v13  }
0xd3: {  	v25 =	vld.idx.msk [tilespmem:v25+s2+$0x0], $0xffff;
	v26 =	vadd.f32 v26, v13;
	[tilespmem:s14+$0xFFFFFE90] =	vst v18;
	v18 =	vand.u32 $0x1FF8, v29;
	v29 =	vadd.s32 s26, v4  }
0xd4: {  	v20 =	vld.idx.msk [tilespmem:v20+s2+$0x0], $0xffff;
	[tilespmem:s14+$0x90] =	vst v17;
	v18 =	vor.u32 v1, v18;
	v17 =	vadd.f32 v22, v16  }
0xd5: {  	[tilespmem:s14+$0x10] =	vst v26;
	v19 =	vld.idx.msk [tilespmem:v19+s2+$0x0], $0xffff;
	v22 =	vadd.f32 v24, v16;
	v24 =	vadd.s32 s24, v4  }
0xd6: {  	v26 =	vadd.s32 s18, v2;
	v28 =	vld.idx.msk [tilespmem:v28+s2+$0x0], $0xffff;
	[tilespmem:s14+$0xFFFFFFA0] =	vst v17;
	v17 =	vadd.f32 v23, v16  }
0xd7: {  	v21 =	vadd.f32 v21, v16;
	v23 =	vadd.s32 s13, v4;
	[tilespmem:s14+$0x120] =	vst v22;
	v27 =	vld.idx.msk [tilespmem:v27+s2+$0x0], $0xffff  }
0xd8: {  	v22 =	vadd.f32 v25, v12;
	v25 =	vadd.s32 s28, v4;
	[tilespmem:s14+$0xFFFFFE20] =	vst v17;
	v17 =	vld.idx.msk [tilespmem:v29+s2+$0x0], $0xffff  }
0xd9: {  	[tilespmem:s14+$0x1A0] =	vst v21;
	v29 =	vadd.s32 s23, v4;
	v20 =	vadd.f32 v20, v16;
	v18 =	vld.idx.msk [tilespmem:v18+s2+$0x0], $0xffff  }
0xda: {  	v21 =	vadd.s32 s4, v5;
	[tilespmem:s14+$0xFFFFFF00] =	vst v22;
	v19 =	vadd.f32 v19, v16;
	v22 =	vld.idx.msk [tilespmem:v24+s2+$0x0], $0xffff;
	v24 =	vadd.s32 s25, v5  }
0xdb: {  	v26 =	vld.idx.msk [tilespmem:v26+s2+$0x0], $0xffff;
	v28 =	vadd.f32 v28, v16;
	[tilespmem:s14+$0xFFFFFEA0] =	vst v20;
	v20 =	vand.u32 $0xFF8, v24;
	v24 =	vadd.s32 s26, v5  }
0xdc: {  	v23 =	vld.idx.msk [tilespmem:v23+s2+$0x0], $0xffff;
	[tilespmem:s14+$0xA0] =	vst v19;
	v19 =	vor.u32 v1, v20;
	v27 =	vadd.f32 v27, v15  }
0xdd: {  	[tilespmem:s14+$0x20] =	vst v28;
	v20 =	vld.idx.msk [tilespmem:v25+s2+$0x0], $0xffff;
	v25 =	vadd.s32 s24, v5;
	v17 =	vadd.f32 v17, v15  }
0xde: {  	v28 =	vadd.s32 s18, v3;
	v29 =	vld.idx.msk [tilespmem:v29+s2+$0x0], $0xffff;
	[tilespmem:s14+$0xFFFFFFB0] =	vst v27;
	v18 =	vadd.f32 v18, v15  }
0xdf: {  	v27 =	vadd.s32 s13, v5;
	v21 =	vld.idx.msk [tilespmem:v21+s2+$0x0], $0xffff;
	[tilespmem:s14+$0x130] =	vst v17;
	v17 =	vadd.f32 v22, v15  }
0xe0: {  	v22 =	vadd.f32 v26, v13;
	v26 =	vadd.s32 s28, v5;
	[tilespmem:s14+$0xFFFFFE30] =	vst v18;
	v18 =	vld.idx.msk [tilespmem:v24+s2+$0x0], $0xffff  }
0xe1: {  	v24 =	vadd.s32 s23, v5;
	v23 =	vadd.f32 v23, v15;
	v19 =	vld.idx.msk [tilespmem:v19+s2+$0x0], $0xffff;
	[tilespmem:s14+$0x1B0] =	vst v17  }
0xe2: {  	[tilespmem:s14+$0xFFFFFF10] =	vst v22;
	v17 =	vadd.f32 v20, v15;
	v20 =	vadd.s32 s25, v6;
	v22 =	vadd.s32 s4, v6;
	v25 =	vld.idx.msk [tilespmem:v25+s2+$0x0], $0xffff  }
0xe3: {  	v28 =	vld.idx.msk [tilespmem:v28+s2+$0x0], $0xffff;
	v29 =	vadd.f32 v29, v15;
	[tilespmem:s14+$0xFFFFFEB0] =	vst v23;
	v20 =	vand.u32 $0x1FF8, v20;
	v23 =	vadd.s32 s26, v6  }
0xe4: {  	v27 =	vld.idx.msk [tilespmem:v27+s2+$0x0], $0xffff;
	[tilespmem:s14+$0xB0] =	vst v17;
	v17 =	vor.u32 v1, v20;
	v21 =	vadd.f32 v21, v14  }
0xe5: {  	[tilespmem:s14+$0x30] =	vst v29;
	v20 =	vld.idx.msk [tilespmem:v26+s2+$0x0], $0xffff;
	v26 =	vadd.s32 s24, v6;
	v18 =	vadd.f32 v18, v14  }
0xe6: {  	v29 =	vadd.s32 s18, v4;
	v24 =	vld.idx.msk [tilespmem:v24+s2+$0x0], $0xffff;
	[tilespmem:s14+$0xFFFFFFC0] =	vst v21;
	v19 =	vadd.f32 v19, v14  }
0xe7: {  	v21 =	vadd.s32 s13, v6;
	v22 =	vld.idx.msk [tilespmem:v22+s2+$0x0], $0xffff;
	[tilespmem:s14+$0x140] =	vst v18;
	v18 =	vadd.f32 v25, v14  }
0xe8: {  	v25 =	vadd.f32 v28, v16;
	v28 =	vadd.s32 s28, v6;
	[tilespmem:s14+$0xFFFFFE40] =	vst v19;
	v19 =	vld.idx.msk [tilespmem:v23+s2+$0x0], $0xffff  }
0xe9: {  	s17 =	simm.s32 $0x9;
	v23 =	vadd.f32 v27, v14;
	v27 =	vadd.s32 s23, v6;
	v17 =	vld.idx.msk [tilespmem:v17+s2+$0x0], $0xffff;
	[tilespmem:s14+$0x1C0] =	vst v18  }
0xea: {  	v30 =	vadd.s32 s17, v0;
	[tilespmem:s14+$0xFFFFFF20] =	vst v25;
	v18 =	vadd.f32 v20, v14;
	v20 =	vld.idx.msk [tilespmem:v26+s2+$0x0], $0xffff  }
0xeb: {  	v25 =	vadd.s32 s25, v7;
	v26 =	vadd.s32 s4, v7;
	v24 =	vadd.f32 v24, v14;
	v29 =	vld.idx.msk [tilespmem:v29+s2+$0x0], $0xffff;
	[tilespmem:s14+$0xFFFFFEC0] =	vst v23  }
0xec: {  	v23 =	vand.u32 $0x1FF8, v25;
	v25 =	vadd.s32 s26, v7;
	v21 =	vld.idx.msk [tilespmem:v21+s2+$0x0], $0xffff;
	[tilespmem:s14+$0xC0] =	vst v18;
	v18 =	vadd.f32 v22, v11  }
0xed: {  	s21 =	simm.s32 $0x8;
	v22 =	vor.u32 v1, v23;
	[tilespmem:s14+$0x40] =	vst v24;
	v23 =	vld.idx.msk [tilespmem:v28+s2+$0x0], $0xffff  }
0xee: {  	v24 =	vadd.s32 s24, v7;
	v19 =	vadd.f32 v19, v11;
	[tilespmem:s14+$0xFFFFFFD0] =	vst v18;
	v18 =	vld.idx.msk [tilespmem:v27+s2+$0x0], $0xffff;
	v27 =	vadd.s32 s21, v0  }
0xef: {  	v30 =	vld.idx.msk [tilespmem:v30+s2+$0x0], $0xffff;
	v28 =	vadd.s32 s18, v5;
	v17 =	vadd.f32 v17, v11;
	v27 =	vand.u32 $0x3F8, v27  }
0xf0: {  	v26 =	vld.idx.msk [tilespmem:v26+s2+$0x0], $0xffff;
	[tilespmem:s14+$0x150] =	vst v19;
	v19 =	vadd.f32 v20, v11;
	v20 =	vor.u32 v1, v27  }
0xf1: {  	s19 =	simm.s32 $0xA;
	[tilespmem:s14+$0xFFFFFE50] =	vst v17;
	v17 =	vadd.f32 v29, v15;
	v25 =	vld.idx.msk [tilespmem:v25+s2+$0x0], $0xffff;
	v27 =	vadd.s32 s28, v7  }
0xf2: {  	s20 =	simm.s32 $0xB;
	v22 =	vld.idx.msk [tilespmem:v22+s2+$0x0], $0xffff;
	[tilespmem:s14+$0x1D0] =	vst v19;
	v19 =	vadd.s32 s19, v0;
	v23 =	vadd.f32 v23, v11  }
0xf3: {  	s11 =	simm.s32 $0xD;
	v21 =	vadd.f32 v21, v11;
	[tilespmem:s14+$0xFFFFFF30] =	vst v17;
	v17 =	vld.idx.msk [tilespmem:v24+s2+$0x0], $0xffff;
	v24 =	vadd.s32 s20, v0  }
0xf4: {  	s9 =	simm.s32 $0xC;
	v28 =	vld.idx.msk [tilespmem:v28+s2+$0x0], $0xffff;
	[tilespmem:s14+$0xD0] =	vst v23;
	v23 =	vadd.s32 s11, v0;
	v18 =	vadd.f32 v18, v11  }
0xf5: {  	s12 =	simm.s32 $0xE;
	v29 =	vadd.s32 s9, v0;
	[tilespmem:s14+$0xFFFFFED0] =	vst v21;
	v21 =	vadd.f32 v26, v10;
	v20 =	vld.idx.msk [tilespmem:v20+s2+$0x0], $0xffff  }
0xf6: {  	s10 =	simm.s32 $0xF;
	v26 =	vadd.s32 s12, v0;
	v27 =	vld.idx.msk [tilespmem:v27+s2+$0x0], $0xffff;
	[tilespmem:s14+$0x50] =	vst v18;
	v18 =	vadd.f32 v25, v10  }
0xf7: {  	v31 =	vadd.s32 s10, v0;
	v25 =	vadd.s32 s21, v2;
	v19 =	vld.idx.msk [tilespmem:v19+s2+$0x0], $0xffff;
	v22 =	vadd.f32 v22, v10;
	[tilespmem:s14+$0xFFFFFFE0] =	vst v21  }
0xf8: {  	v21 =	vand.u32 $0x7F8, v25;
	v25 =	vadd.s32 s23, v7;
	v24 =	vld.idx.msk [tilespmem:v24+s2+$0x0], $0xffff;
	[tilespmem:s14+$0x160] =	vst v18;
	v17 =	vadd.f32 v17, v10  }
0xf9: {  	v18 =	vor.u32 v1, v21;
	[tilespmem:s14+$0xFFFFFE60] =	vst v22;
	v22 =	vadd.f32 v30, v12;
	v23 =	vld.idx.msk [tilespmem:v23+s2+$0x0], $0xffff  }
0xfa: {  	s8 =	sadd.s32 $0x400, s14;
	v21 =	vld.idx.msk [tilespmem:v29+s2+$0x0], $0xffff;
	v29 =	vadd.s32 s28, v8;
	[tilespmem:s14+$0x1E0] =	vst v17;
	v17 =	vadd.f32 v20, v12  }
0xfb: {  	v30 =	vadd.s32 s19, v2;
	v20 =	vld.idx.msk [tilespmem:v26+s2+$0x0], $0xffff;
	[tilespmem:s8+$0xFFFFFE80] =	vst v22;
	v27 =	vadd.f32 v27, v10  }
0xfc: {  	v26 =	vadd.s32 s20, v2;
	v22 =	vld.idx.msk [tilespmem:v31+s2+$0x0], $0xffff;
	[tilespmem:s8+$0xFFFFFE00] =	vst v17;
	v17 =	vadd.f32 v19, v12  }
0xfd: {  	v32 =	vadd.s32 s11, v2;
	v19 =	vld.idx.msk [tilespmem:v25+s2+$0x0], $0xffff;
	v24 =	vadd.f32 v24, v12;
	[tilespmem:s14+$0xE0] =	vst v27  }
0xfe: {  	v31 =	vadd.s32 s9, v2;
	v18 =	vld.idx.msk [tilespmem:v18+s2+$0x0], $0xffff;
	v23 =	vadd.f32 v23, v12;
	[tilespmem:s8+$0xFFFFFF00] =	vst v17  }
0xff: {  	v25 =	vadd.s32 s17, v2;
	v27 =	vld.idx.msk [tilespmem:v29+s2+$0x0], $0xffff;
	v17 =	vadd.f32 v21, v12;
	[tilespmem:s8+$0xFFFFFF80] =	vst v24  }
0x100: {  	v28 =	vadd.f32 v28, v14;
	v21 =	vadd.s32 s12, v2;
	v29 =	vld.idx.msk [tilespmem:v30+s2+$0x0], $0xffff;
	[tilespmem:s8+$0x80] =	vst v23  }
0x101: {  	v24 =	vadd.s32 s10, v2;
	v26 =	vld.idx.msk [tilespmem:v26+s2+$0x0], $0xffff;
	[tilespmem:s8+$0x0] =	vst v17;
	v17 =	vadd.f32 v20, v12;
	v20 =	vadd.s32 s25, v8  }
0x102: {  	[tilespmem:s14+$0xFFFFFF40] =	vst v28;
	v30 =	vadd.s32 s26, v8;
	v22 =	vadd.f32 v22, v12;
	v32 =	vld.idx.msk [tilespmem:v32+s2+$0x0], $0xffff;
	v20 =	vand.u32 $0x3FF8, v20  }
0x103: {  	v31 =	vld.idx.msk [tilespmem:v31+s2+$0x0], $0xffff;
	v19 =	vadd.f32 v19, v10;
	[tilespmem:s8+$0x100] =	vst v17;
	v17 =	vor.u32 v1, v20  }
0x104: {  	v23 =	vld.idx.msk [tilespmem:v25+s2+$0x0], $0xffff;
	[tilespmem:s8+$0x180] =	vst v22;
	v20 =	vadd.s32 s19, v3;
	v18 =	vadd.f32 v18, v13  }
0x105: {  	v22 =	vadd.s32 s20, v3;
	v21 =	vld.idx.msk [tilespmem:v21+s2+$0x0], $0xffff;
	[tilespmem:s14+$0x60] =	vst v19;
	v19 =	vadd.f32 v27, v9  }
0x106: {  	v25 =	vadd.s32 s9, v3;
	v24 =	vld.idx.msk [tilespmem:v24+s2+$0x0], $0xffff;
	[tilespmem:s8+$0xFFFFFE10] =	vst v18;
	v18 =	vadd.f32 v29, v13  }
0x107: {  	v27 =	vld.idx.msk [tilespmem:v30+s2+$0x0], $0xffff;
	v29 =	vadd.s32 s21, v3;
	v30 =	vadd.s32 s17, v3;
	v26 =	vadd.f32 v26, v13;
	[tilespmem:s14+$0xF0] =	vst v19  }
0x108: {  	v19 =	vand.u32 $0xFF8, v29;
	v29 =	vadd.s32 s12, v3;
	[tilespmem:s8+$0xFFFFFF10] =	vst v18;
	v18 =	vadd.f32 v31, v13;
	v17 =	vld.idx.msk [tilespmem:v17+s2+$0x0], $0xffff  }
0x109: {  	v19 =	vor.u32 v1, v19;
	v23 =	vadd.f32 v23, v13;
	[tilespmem:s8+$0xFFFFFF90] =	vst v26;
	v20 =	vld.idx.msk [tilespmem:v20+s2+$0x0], $0xffff  }
0x10a: {  	v26 =	vadd.s32 s11, v3;
	v22 =	vld.idx.msk [tilespmem:v22+s2+$0x0], $0xffff;
	[tilespmem:s8+$0x10] =	vst v18;
	v18 =	vadd.f32 v21, v13  }
0x10b: {  	v21 =	vadd.s32 s10, v3;
	[tilespmem:s8+$0xFFFFFE90] =	vst v23;
	v24 =	vadd.f32 v24, v13;
	v23 =	vld.idx.msk [tilespmem:v25+s2+$0x0], $0xffff  }
0x10c: {  	v25 =	vld.idx.msk [tilespmem:v30+s2+$0x0], $0xffff;
	v30 =	vadd.f32 v32, v13;
	[tilespmem:s8+$0x110] =	vst v18;
	v18 =	vadd.s32 s18, v6  }
0x10d: {  	v27 =	vadd.f32 v27, v9;
	[tilespmem:s8+$0x190] =	vst v24;
	v24 =	vadd.s32 s24, v8;
	v29 =	vld.idx.msk [tilespmem:v29+s2+$0x0], $0xffff  }
0x10e: {  	v31 =	vadd.s32 s20, v4;
	v19 =	vld.idx.msk [tilespmem:v19+s2+$0x0], $0xffff;
	[tilespmem:s8+$0x90] =	vst v30;
	v20 =	vadd.f32 v20, v16  }
0x10f: {  	[tilespmem:s14+$0x170] =	vst v27;
	v27 =	vadd.s32 s9, v4;
	v22 =	vadd.f32 v22, v16;
	v26 =	vld.idx.msk [tilespmem:v26+s2+$0x0], $0xffff  }
0x110: {  	v60 =	vadd.s32 s17, v4;
	v30 =	vadd.s32 s21, v4;
	v17 =	vadd.f32 v17, v9;
	v21 =	vld.idx.msk [tilespmem:v21+s2+$0x0], $0xffff;
	[tilespmem:s8+$0xFFFFFF20] =	vst v20  }
0x111: {  	v28 =	vand.u32 $0x1FF8, v30;
	v20 =	vadd.f32 v23, v16;
	v23 =	vadd.s32 s12, v4;
	[tilespmem:s8+$0xFFFFFFA0] =	vst v22;
	v18 =	vld.idx.msk [tilespmem:v18+s2+$0x0], $0xffff  }
0x112: {  	v28 =	vor.u32 v1, v28;
	v25 =	vadd.f32 v25, v16;
	[tilespmem:s14+$0xFFFFFE70] =	vst v17;
	v22 =	vld.idx.msk [tilespmem:v24+s2+$0x0], $0xffff  }
0x113: {  	v24 =	vld.idx.msk [tilespmem:v31+s2+$0x0], $0xffff;
	[tilespmem:s8+$0x20] =	vst v20;
	v20 =	vadd.f32 v29, v16;
	v29 =	vadd.s32 s10, v4  }
0x114: {  	v19 =	vadd.f32 v19, v16;
	[tilespmem:s8+$0xFFFFFEA0] =	vst v25;
	v25 =	vld.idx.msk [tilespmem:v27+s2+$0x0], $0xffff;
	v27 =	vadd.s32 s13, v7  }
0x115: {  	v31 =	vadd.s32 s11, v4;
	v30 =	vld.idx.msk [tilespmem:v60+s2+$0x0], $0xffff;
	[tilespmem:s8+$0x120] =	vst v20;
	v20 =	vadd.f32 v21, v16  }
0x116: {  	v26 =	vadd.f32 v26, v16;
	[tilespmem:s8+$0xFFFFFE20] =	vst v19;
	v21 =	vadd.s32 s23, v8;
	v19 =	vld.idx.msk [tilespmem:v23+s2+$0x0], $0xffff  }
0x117: {  	v23 =	vld.idx.msk [tilespmem:v28+s2+$0x0], $0xffff;
	v28 =	vadd.s32 s20, v5;
	[tilespmem:s8+$0x1A0] =	vst v20;
	v17 =	vadd.f32 v22, v9  }
0x118: {  	[tilespmem:s8+$0xA0] =	vst v26;
	v20 =	vadd.s32 s9, v5;
	v24 =	vadd.f32 v24, v15;
	v29 =	vld.idx.msk [tilespmem:v29+s2+$0x0], $0xffff  }
0x119: {  	v22 =	vadd.s32 s21, v5;
	v26 =	vld.idx.msk [tilespmem:v27+s2+$0x0], $0xffff;
	v27 =	vadd.s32 s18, v7;
	v25 =	vadd.f32 v25, v15;
	[tilespmem:s14+$0x1F0] =	vst v17  }
0x11a: {  	v61 =	vadd.s32 s12, v5;
	v31 =	vld.idx.msk [tilespmem:v31+s2+$0x0], $0xffff;
	v22 =	vand.u32 $0xFF8, v22;
	v17 =	vadd.f32 v18, v11;
	[tilespmem:s8+$0xFFFFFFB0] =	vst v24  }
0x11b: {  	v18 =	vor.u32 v1, v22;
	v21 =	vld.idx.msk [tilespmem:v21+s2+$0x0], $0xffff;
	[tilespmem:s8+$0x30] =	vst v25;
	v19 =	vadd.f32 v19, v15  }
0x11c: {  	v24 =	vadd.s32 s10, v5;
	v22 =	vld.idx.msk [tilespmem:v28+s2+$0x0], $0xffff;
	v23 =	vadd.f32 v23, v15;
	[tilespmem:s14+$0xFFFFFF50] =	vst v17  }
0x11d: {  	v25 =	vadd.s32 s17, v5;
	v28 =	vadd.f32 v30, v15;
	v20 =	vld.idx.msk [tilespmem:v20+s2+$0x0], $0xffff;
	[tilespmem:s8+$0x130] =	vst v19  }
0x11e: {  	v17 =	vadd.s32 s11, v5;
	v19 =	vadd.f32 v29, v15;
	[tilespmem:s8+$0xFFFFFE30] =	vst v23;
	v27 =	vld.idx.msk [tilespmem:v27+s2+$0x0], $0xffff  }
0x11f: {  	v29 =	vadd.s32 s13, v8;
	[tilespmem:s8+$0xFFFFFEB0] =	vst v28;
	v23 =	vld.idx.msk [tilespmem:v61+s2+$0x0], $0xffff  }
0x120: {  	v30 =	vadd.f32 v31, v15;
	v28 =	vadd.s32 s20, v6;
	v18 =	vld.idx.msk [tilespmem:v18+s2+$0x0], $0xffff;
	[tilespmem:s8+$0x1B0] =	vst v19  }
0x121: {  	v26 =	vadd.f32 v26, v10;
	v19 =	vadd.s32 s4, v8;
	v24 =	vld.idx.msk [tilespmem:v24+s2+$0x0], $0xffff  }
0x122: {  	v62 =	vadd.s32 s19, v4;
	v31 =	vadd.s32 s21, v6;
	[tilespmem:s8+$0xB0] =	vst v30;
	v25 =	vld.idx.msk [tilespmem:v25+s2+$0x0], $0xffff;
	v22 =	vadd.f32 v22, v14  }
0x123: {  	v30 =	vand.u32 $0x1FF8, v31;
	v31 =	vadd.s32 s12, v6;
	v21 =	vadd.f32 v21, v9;
	v17 =	vld.idx.msk [tilespmem:v17+s2+$0x0], $0xffff;
	[tilespmem:s14+$0xFFFFFEE0] =	vst v26  }
0x124: {  	v26 =	vor.u32 v1, v30;
	v20 =	vadd.f32 v20, v14;
	v29 =	vld.idx.msk [tilespmem:v29+s2+$0x0], $0xffff;
	[tilespmem:s8+$0xFFFFFFC0] =	vst v22  }
0x125: {  	[tilespmem:s14+$0x70] =	vst v21;
	v22 =	vadd.s32 s10, v6;
	v21 =	vadd.f32 v23, v14;
	v28 =	vld.idx.msk [tilespmem:v28+s2+$0x0], $0xffff  }
0x126: {  	v33 =	vadd.s32 s17, v6;
	v18 =	vadd.f32 v18, v14;
	[tilespmem:s8+$0x40] =	vst v20;
	v30 =	vld.idx.msk [tilespmem:v19+s2+$0x0], $0xffff  }
0x127: {  	v20 =	vadd.s32 s11, v6;
	v19 =	vld.idx.msk [tilespmem:v62+s2+$0x0], $0xffff;
	[tilespmem:s8+$0x140] =	vst v21;
	v21 =	vadd.f32 v24, v14  }
0x128: {  	v24 =	vadd.s32 s18, v8;
	[tilespmem:s8+$0xFFFFFE40] =	vst v18;
	v18 =	vadd.f32 v25, v14;
	v31 =	vld.idx.msk [tilespmem:v31+s2+$0x0], $0xffff  }
0x129: {  	v63 =	vadd.s32 s9, v6;
	v17 =	vadd.f32 v17, v14;
	v23 =	vld.idx.msk [tilespmem:v26+s2+$0x0], $0xffff;
	[tilespmem:s8+$0x1C0] =	vst v21  }
0x12a: {  	v21 =	vadd.f32 v27, v10;
	[tilespmem:s8+$0xFFFFFEC0] =	vst v18;
	v22 =	vld.idx.msk [tilespmem:v22+s2+$0x0], $0xffff  }
0x12b: {  	v25 =	vadd.s32 s21, v7;
	[tilespmem:s8+$0xC0] =	vst v17;
	v29 =	vadd.f32 v29, v9;
	v18 =	vld.idx.msk [tilespmem:v33+s2+$0x0], $0xffff  }
0x12c: {  	v25 =	vand.u32 $0x1FF8, v25;
	v28 =	vadd.f32 v28, v11;
	v27 =	vld.idx.msk [tilespmem:v20+s2+$0x0], $0xffff;
	v20 =	vadd.s32 s20, v7;
	[tilespmem:s14+$0xFFFFFF60] =	vst v21  }
0x12d: {  	v26 =	vadd.s32 s12, v7;
	v17 =	vadd.s32 s19, v5;
	v25 =	vor.u32 v1, v25;
	[tilespmem:s14+$0xFFFFFEF0] =	vst v29;
	v21 =	vld.idx.msk [tilespmem:v24+s2+$0x0], $0xffff  }
0x12e: {  	s7 =	simm.s32 $0x10;
	v30 =	vadd.f32 v30, v9;
	[tilespmem:s8+$0xFFFFFFD0] =	vst v28;
	v24 =	vld.idx.msk [tilespmem:v63+s2+$0x0], $0xffff;
	v28 =	vadd.s32 s10, v7;
	v29 =	vadd.f32 v31, v11  }
.LBB2_5:
0x12f: {  	s18 =	sadd.s32 $0x1, s7  }
0x130: {  	v31 =	vadd.s32 s7, v0;
	p0 =	slt.u32 s7, $0x18;
	v23 =	vadd.f32 v23, v11;
	[tilespmem:s14+$0xFFFFFFF0] =	vst v30;
	s26 =	smov.u32 s7;
	s7 =	sadd.s32 $0x8, s7  }
0x131: {  	v22 =	vadd.f32 v22, v11;
	v30 =	vand.u32 $0x3F8, v31;
	v31 =	vadd.s32 s18, v0;
	v20 =	vld.idx.msk [tilespmem:v20+s2+$0x0], $0xffff;
	[tilespmem:s8+$0x150] =	vst v29  }
0x132: {  	v19 =	vadd.f32 v19, v15;
	s13 =	sadd.s32 $0x2, s26;
	v29 =	vor.u32 v1, v30;
	[tilespmem:s8+$0xFFFFFE50] =	vst v23;
	v23 =	vadd.s32 s11, v7;
	v26 =	vld.idx.msk [tilespmem:v26+s2+$0x0], $0xffff  }
0x133: {  	s23 =	sadd.s32 $0x3, s26;
	v30 =	vadd.s32 s13, v0;
	v32 =	vadd.s32 s13, v5;
	v27 =	vadd.f32 v27, v11;
	v25 =	vld.idx.msk [tilespmem:v25+s2+$0x0], $0xffff;
	[tilespmem:s8+$0x1D0] =	vst v22  }
0x134: {  	s24 =	sadd.s32 $0x4, s26;
	v33 =	vadd.f32 v18, v11;
	v22 =	vadd.s32 s23, v0;
	v21 =	vadd.f32 v21, v9;
	[tilespmem:s8+$0xFFFFFF30] =	vst v19;
	v19 =	vld.idx.msk [tilespmem:v28+s2+$0x0], $0xffff  }
0x135: {  	s28 =	sadd.s32 $0x5, s26;
	v28 =	vadd.s32 s24, v0;
	v18 =	vld.idx.msk [tilespmem:v17+s2+$0x0], $0xffff;
	[tilespmem:s8+$0xD0] =	vst v27;
	v17 =	vmov v32  }
0x136: {  	v24 =	vadd.f32 v24, v11;
	v27 =	vld.idx.msk [tilespmem:v31+s2+$0x0], $0xffff;
	v31 =	vadd.s32 s28, v0;
	[tilespmem:s14+$0xFFFFFF70] =	vst v21;
	s14 =	smov.u32 s8  }
0x137: {  	s4 =	sadd.s32 $0x6, s26;
	v20 =	vadd.f32 v20, v10;
	v21 =	vld.idx.msk [tilespmem:v29+s2+$0x0], $0xffff;
	[tilespmem:s8+$0xFFFFFED0] =	vst v33  }
0x138: {  	s25 =	sadd.s32 $0x7, s26;
	v29 =	vadd.s32 s4, v0;
	[tilespmem:s8+$0x50] =	vst v24;
	v23 =	vld.idx.msk [tilespmem:v23+s2+$0x0], $0xffff;
	v24 =	vadd.f32 v26, v10  }
0x139: {  	v32 =	vadd.s32 s25, v0;
	v26 =	vadd.s32 s26, v2;
	v25 =	vadd.f32 v25, v10;
	v30 =	vld.idx.msk [tilespmem:v30+s2+$0x0], $0xffff;
	[tilespmem:s8+$0xFFFFFFE0] =	vst v20  }
0x13a: {  	v20 =	vand.u32 $0x7F8, v26;
	v26 =	vadd.s32 s9, v7;
	v19 =	vadd.f32 v19, v10;
	v22 =	vld.idx.msk [tilespmem:v22+s2+$0x0], $0xffff;
	[tilespmem:s8+$0x160] =	vst v24  }
0x13b: {  	v20 =	vor.u32 v1, v20;
	v24 =	vld.idx.msk [tilespmem:v28+s2+$0x0], $0xffff;
	[tilespmem:s8+$0xFFFFFE60] =	vst v25  }
0x13c: {  	v25 =	vadd.f32 v27, v12;
	v27 =	vadd.s32 s13, v2;
	v28 =	vld.idx.msk [tilespmem:v31+s2+$0x0], $0xffff;
	v31 =	vadd.s32 s11, v8;
	[tilespmem:s8+$0x1E0] =	vst v19;
	s11 =	smov.u32 s28  }
0x13d: {  	v19 =	vadd.f32 v21, v12;
	v21 =	vadd.s32 s23, v2;
	s8 =	sadd.s32 $0x400, s8;
	v29 =	vld.idx.msk [tilespmem:v29+s2+$0x0], $0xffff  }
0x13e: {  	v23 =	vadd.f32 v23, v10;
	[tilespmem:s8+$0xFFFFFE80] =	vst v25;
	v25 =	vadd.s32 s24, v2;
	v32 =	vld.idx.msk [tilespmem:v32+s2+$0x0], $0xffff  }
0x13f: {  	[tilespmem:s8+$0xFFFFFE00] =	vst v19;
	v19 =	vadd.f32 v30, v12;
	v30 =	vadd.s32 s11, v2;
	v26 =	vld.idx.msk [tilespmem:v26+s2+$0x0], $0xffff  }
0x140: {  	v33 =	vadd.s32 s18, v2;
	v22 =	vadd.f32 v22, v12;
	v20 =	vld.idx.msk [tilespmem:v20+s2+$0x0], $0xffff;
	[tilespmem:s14+$0xE0] =	vst v23  }
0x141: {  	v23 =	vadd.s32 s4, v2;
	[tilespmem:s8+$0xFFFFFF00] =	vst v19;
	v19 =	vadd.f32 v24, v12;
	v24 =	vld.idx.msk [tilespmem:v31+s2+$0x0], $0xffff  }
0x142: {  	v27 =	vld.idx.msk [tilespmem:v27+s2+$0x0], $0xffff;
	[tilespmem:s8+$0xFFFFFF80] =	vst v22;
	v22 =	vadd.f32 v28, v12;
	v28 =	vadd.s32 s25, v2  }
0x143: {  	v31 =	vadd.s32 s12, v8;
	s12 =	smov.u32 s4;
	v21 =	vld.idx.msk [tilespmem:v21+s2+$0x0], $0xffff;
	[tilespmem:s8+$0x0] =	vst v19;
	v19 =	vadd.f32 v29, v12;
	v29 =	vadd.s32 s21, v8;
	s21 =	smov.u32 s26  }
0x144: {  	v25 =	vld.idx.msk [tilespmem:v25+s2+$0x0], $0xffff;
	[tilespmem:s8+$0x80] =	vst v22;
	v22 =	vadd.f32 v32, v12;
	v29 =	vand.u32 $0x3FF8, v29  }
0x145: {  	v26 =	vadd.f32 v26, v10;
	v32 =	vld.idx.msk [tilespmem:v33+s2+$0x0], $0xffff;
	v33 =	vadd.s32 s13, v3;
	[tilespmem:s8+$0x100] =	vst v19;
	v19 =	vor.u32 v1, v29  }
0x146: {  	v20 =	vadd.f32 v20, v13;
	v29 =	vadd.s32 s23, v3;
	v23 =	vld.idx.msk [tilespmem:v23+s2+$0x0], $0xffff;
	[tilespmem:s8+$0x180] =	vst v22  }
0x147: {  	v22 =	vadd.s32 s24, v3;
	v24 =	vadd.f32 v24, v9;
	v28 =	vld.idx.msk [tilespmem:v28+s2+$0x0], $0xffff;
	[tilespmem:s14+$0x60] =	vst v26  }
0x148: {  	v26 =	vadd.s32 s11, v3;
	[tilespmem:s8+$0xFFFFFE10] =	vst v20;
	v20 =	vadd.f32 v27, v13;
	v27 =	vld.idx.msk [tilespmem:v31+s2+$0x0], $0xffff  }
0x149: {  	v34 =	vadd.s32 s18, v3;
	v31 =	vadd.s32 s21, v3;
	v21 =	vadd.f32 v21, v13;
	v30 =	vld.idx.msk [tilespmem:v30+s2+$0x0], $0xffff;
	[tilespmem:s14+$0xF0] =	vst v24  }
0x14a: {  	v24 =	vand.u32 $0xFF8, v31;
	[tilespmem:s8+$0xFFFFFF10] =	vst v20;
	v20 =	vadd.f32 v25, v13;
	v25 =	vadd.s32 s12, v3;
	v19 =	vld.idx.msk [tilespmem:v19+s2+$0x0], $0xffff  }
0x14b: {  	v24 =	vor.u32 v1, v24;
	v31 =	vadd.f32 v32, v13;
	v32 =	vld.idx.msk [tilespmem:v33+s2+$0x0], $0xffff;
	[tilespmem:s8+$0xFFFFFF90] =	vst v21  }
0x14c: {  	v21 =	vld.idx.msk [tilespmem:v29+s2+$0x0], $0xffff;
	[tilespmem:s8+$0x10] =	vst v20;
	v20 =	vadd.f32 v23, v13;
	v23 =	vadd.s32 s25, v3  }
0x14d: {  	v28 =	vadd.f32 v28, v13;
	[tilespmem:s8+$0xFFFFFE90] =	vst v31;
	v22 =	vld.idx.msk [tilespmem:v22+s2+$0x0], $0xffff  }
0x14e: {  	v27 =	vadd.f32 v27, v9;
	v29 =	vld.idx.msk [tilespmem:v34+s2+$0x0], $0xffff;
	[tilespmem:s8+$0x110] =	vst v20;
	v20 =	vadd.s32 s19, v6  }
0x14f: {  	v30 =	vadd.f32 v30, v13;
	v25 =	vld.idx.msk [tilespmem:v25+s2+$0x0], $0xffff;
	[tilespmem:s8+$0x190] =	vst v28;
	v28 =	vadd.s32 s10, v8;
	s10 =	smov.u32 s25  }
0x150: {  	v18 =	vadd.f32 v18, v14;
	v31 =	vadd.s32 s23, v4;
	v24 =	vld.idx.msk [tilespmem:v24+s2+$0x0], $0xffff;
	[tilespmem:s14+$0x170] =	vst v27  }
0x151: {  	v27 =	vadd.f32 v32, v16;
	v32 =	vadd.s32 s24, v4;
	[tilespmem:s8+$0x90] =	vst v30;
	v23 =	vld.idx.msk [tilespmem:v23+s2+$0x0], $0xffff  }
0x152: {  	v33 =	vadd.s32 s18, v4;
	v30 =	vadd.s32 s21, v4;
	v21 =	vadd.f32 v21, v16;
	v26 =	vld.idx.msk [tilespmem:v26+s2+$0x0], $0xffff;
	[tilespmem:s14+$0xFFFFFF40] =	vst v18  }
0x153: {  	v18 =	vand.u32 $0x1FF8, v30;
	v22 =	vadd.f32 v22, v16;
	[tilespmem:s8+$0xFFFFFF20] =	vst v27;
	v27 =	vadd.s32 s12, v4;
	v20 =	vld.idx.msk [tilespmem:v20+s2+$0x0], $0xffff  }
0x154: {  	v18 =	vor.u32 v1, v18;
	v29 =	vadd.f32 v29, v16;
	[tilespmem:s8+$0xFFFFFFA0] =	vst v21;
	v21 =	vld.idx.msk [tilespmem:v28+s2+$0x0], $0xffff  }
0x155: {  	v28 =	vld.idx.msk [tilespmem:v31+s2+$0x0], $0xffff;
	[tilespmem:s8+$0x20] =	vst v22;
	v22 =	vadd.f32 v25, v16;
	v25 =	vadd.s32 s10, v4  }
0x156: {  	v30 =	vadd.s32 s17, v7;
	v24 =	vadd.f32 v24, v16;
	[tilespmem:s8+$0xFFFFFEA0] =	vst v29;
	v29 =	vld.idx.msk [tilespmem:v32+s2+$0x0], $0xffff  }
0x157: {  	v32 =	vadd.s32 s11, v4;
	v31 =	vld.idx.msk [tilespmem:v33+s2+$0x0], $0xffff;
	[tilespmem:s8+$0x120] =	vst v22;
	v22 =	vadd.f32 v23, v16  }
0x158: {  	v19 =	vadd.f32 v19, v9;
	[tilespmem:s8+$0xFFFFFE20] =	vst v24;
	v23 =	vld.idx.msk [tilespmem:v27+s2+$0x0], $0xffff;
	v24 =	vadd.s32 s9, v8;
	s9 =	smov.u32 s24  }
0x159: {  	v26 =	vadd.f32 v26, v16;
	v27 =	vadd.s32 s23, v5;
	v18 =	vld.idx.msk [tilespmem:v18+s2+$0x0], $0xffff;
	[tilespmem:s8+$0x1A0] =	vst v22  }
0x15a: {  	v22 =	vadd.s32 s9, v5;
	v25 =	vld.idx.msk [tilespmem:v25+s2+$0x0], $0xffff;
	[tilespmem:s14+$0xFFFFFE70] =	vst v19;
	v19 =	vadd.f32 v20, v11;
	v20 =	vadd.f32 v21, v9  }
0x15b: {  	v21 =	vadd.s32 s21, v5;
	v28 =	vadd.f32 v28, v15;
	[tilespmem:s8+$0xA0] =	vst v26;
	v26 =	vld.idx.msk [tilespmem:v30+s2+$0x0], $0xffff;
	v30 =	vadd.s32 s19, v7  }
0x15c: {  	v33 =	vadd.s32 s12, v5;
	v21 =	vand.u32 $0xFF8, v21;
	v29 =	vadd.f32 v29, v15;
	v32 =	vld.idx.msk [tilespmem:v32+s2+$0x0], $0xffff;
	[tilespmem:s14+$0x1F0] =	vst v20  }
0x15d: {  	v20 =	vor.u32 v1, v21;
	v21 =	vadd.f32 v31, v15;
	[tilespmem:s8+$0xFFFFFFB0] =	vst v28;
	v24 =	vld.idx.msk [tilespmem:v24+s2+$0x0], $0xffff  }
0x15e: {  	v23 =	vadd.f32 v23, v15;
	v28 =	vadd.s32 s10, v5;
	v27 =	vld.idx.msk [tilespmem:v27+s2+$0x0], $0xffff;
	[tilespmem:s8+$0x30] =	vst v29  }
0x15f: {  	v18 =	vadd.f32 v18, v15;
	v29 =	vadd.s32 s18, v5;
	v22 =	vld.idx.msk [tilespmem:v22+s2+$0x0], $0xffff;
	[tilespmem:s14+$0xFFFFFF50] =	vst v19  }
0x160: {  	v19 =	vadd.s32 s11, v5;
	[tilespmem:s8+$0x130] =	vst v23;
	v23 =	vadd.f32 v25, v15;
	v25 =	vld.idx.msk [tilespmem:v30+s2+$0x0], $0xffff  }
0x161: {  	v26 =	vadd.f32 v26, v10;
	v30 =	vadd.s32 s17, v8;
	s17 =	smov.u32 s18;
	[tilespmem:s8+$0xFFFFFE30] =	vst v18;
	v18 =	vld.idx.msk [tilespmem:v33+s2+$0x0], $0xffff  }
0x162: {  	v31 =	vadd.f32 v32, v15;
	v20 =	vld.idx.msk [tilespmem:v20+s2+$0x0], $0xffff;
	[tilespmem:s8+$0x1B0] =	vst v23;
	v23 =	vadd.s32 s20, v8;
	s20 =	smov.u32 s23  }
0x163: {  	v32 =	vadd.s32 s21, v6;
	[tilespmem:s8+$0xFFFFFEB0] =	vst v21;
	v21 =	vadd.s32 s20, v6;
	v28 =	vld.idx.msk [tilespmem:v28+s2+$0x0], $0xffff  }
0x164: {  	v33 =	vadd.s32 s13, v4;
	v24 =	vadd.f32 v24, v9;
	v27 =	vadd.f32 v27, v14;
	v29 =	vld.idx.msk [tilespmem:v29+s2+$0x0], $0xffff;
	[tilespmem:s8+$0xB0] =	vst v31  }
0x165: {  	v34 =	vadd.s32 s12, v6;
	v31 =	vand.u32 $0x1FF8, v32;
	v22 =	vadd.f32 v22, v14;
	v32 =	vld.idx.msk [tilespmem:v19+s2+$0x0], $0xffff;
	[tilespmem:s14+$0xFFFFFEE0] =	vst v26  }
0x166: {  	v26 =	vor.u32 v1, v31;
	v25 =	vadd.f32 v25, v10;
	v30 =	vld.idx.msk [tilespmem:v30+s2+$0x0], $0xffff;
	[tilespmem:s14+$0x70] =	vst v24  }
0x167: {  	v18 =	vadd.f32 v18, v14;
	v24 =	vadd.s32 s10, v6;
	[tilespmem:s8+$0xFFFFFFC0] =	vst v27;
	v31 =	vld.idx.msk [tilespmem:v23+s2+$0x0], $0xffff  }
0x168: {  	v35 =	vadd.s32 s19, v8;
	s19 =	smov.u32 s13;
	v20 =	vadd.f32 v20, v14;
	v27 =	vadd.s32 s17, v6;
	v21 =	vld.idx.msk [tilespmem:v21+s2+$0x0], $0xffff;
	[tilespmem:s8+$0x40] =	vst v22  }
0x169: {  	v19 =	vld.idx.msk [tilespmem:v33+s2+$0x0], $0xffff;
	v33 =	vadd.s32 s11, v6;
	[tilespmem:s8+$0x140] =	vst v18;
	v18 =	vadd.f32 v28, v14  }
0x16a: {  	[tilespmem:s8+$0xFFFFFE40] =	vst v20;
	v20 =	vadd.f32 v29, v14;
	v28 =	vld.idx.msk [tilespmem:v34+s2+$0x0], $0xffff  }
0x16b: {  	v29 =	vadd.s32 s9, v6;
	v23 =	vld.idx.msk [tilespmem:v26+s2+$0x0], $0xffff;
	v26 =	vadd.f32 v32, v14;
	[tilespmem:s8+$0x1C0] =	vst v18  }
.Ltmp1:
0x16c: {  	[tilespmem:s8+$0xFFFFFEC0] =	vst v20;
	v22 =	vld.idx.msk [tilespmem:v24+s2+$0x0], $0xffff;
	(pc) =	sbr.rel @p0 .LBB2_5-.Ltmp1, $4  }
0x16d: {  	v30 =	vadd.f32 v30, v9;
	v24 =	vadd.s32 s21, v7;
	v20 =	vadd.s32 s20, v7;
	v18 =	vld.idx.msk [tilespmem:v27+s2+$0x0], $0xffff;
	[tilespmem:s8+$0xC0] =	vst v26  }
0x16e: {  	v24 =	vand.u32 $0x1FF8, v24;
	v32 =	vadd.f32 v21, v11;
	v26 =	vadd.s32 s12, v7;
	v27 =	vld.idx.msk [tilespmem:v33+s2+$0x0], $0xffff;
	[tilespmem:s14+$0xFFFFFF60] =	vst v25  }
0x16f: {  	v25 =	vor.u32 v1, v24;
	[tilespmem:s14+$0xFFFFFEF0] =	vst v30;
	v21 =	vld.idx.msk [tilespmem:v35+s2+$0x0], $0xffff;
	v30 =	vadd.f32 v31, v9  }
0x170: {  	[tilespmem:s8+$0xFFFFFFD0] =	vst v32;
	v24 =	vld.idx.msk [tilespmem:v29+s2+$0x0], $0xffff;
	v29 =	vadd.f32 v28, v11;
	v28 =	vadd.s32 s10, v7  }
0x171: {  	_ = 	snop  }
0x172: {  	v12 =	vadd.f32 v19, v15;
	_ =	sdelay $0x1  }
0x173: {  	[tilespmem:s8+$0xFFFFFF30] =	vst v12  }
0x174: {  	v12 =	vld.idx.msk [tilespmem:v17+s2+$0x0], $0xffff;
	_ =	sdelay $0x2  }
0x175: {  	v13 =	vadd.s32 s19, v6  }
0x176: {  	v36 =	vadd.s32 s11, v7  }
0x177: {  	v12 =	vadd.f32 v12, v14  }
0x178: {  	[tilespmem:s14+$0xFFFFFFF0] =	vst v30;
	v37 =	vadd.f32 v27, v11  }
0x179: {  	[tilespmem:s8+$0xFFFFFF40] =	vst v12  }
0x17a: {  	v38 =	vadd.f32 v23, v11;
	v39 =	vadd.s32 s9, v7;
	[tilespmem:s8+$0xD0] =	vst v37;
	v13 =	vld.idx.msk [tilespmem:v13+s2+$0x0], $0xffff  }
0x17b: {  	v16 =	vadd.f32 v22, v11;
	v40 =	vadd.s32 s17, v7;
	[tilespmem:s8+$0x150] =	vst v29;
	v15 =	vld.idx.msk [tilespmem:v36+s2+$0x0], $0xffff  }
0x17c: {  	[tilespmem:s8+$0xFFFFFE50] =	vst v38;
	v41 =	vld.idx.msk [tilespmem:v26+s2+$0x0], $0xffff;
	v42 =	vadd.f32 v24, v11  }
0x17d: {  	v45 =	vadd.s32 s19, v7;
	v44 =	vadd.f32 v18, v11;
	[tilespmem:s8+$0x1D0] =	vst v16;
	v43 =	vld.idx.msk [tilespmem:v25+s2+$0x0], $0xffff  }
0x17e: {  	v47 =	vadd.s32 s11, v8;
	v48 =	vadd.s32 s21, v8;
	v46 =	vld.idx.msk [tilespmem:v28+s2+$0x0], $0xffff;
	v21 =	vadd.f32 v21, v9;
	[tilespmem:s8+$0x50] =	vst v42  }
0x17f: {  	v49 =	vadd.s32 s12, v8;
	[tilespmem:s8+$0xFFFFFED0] =	vst v44;
	v24 =	vand.u32 $0x3FF8, v48;
	v14 =	vld.idx.msk [tilespmem:v39+s2+$0x0], $0xffff;
	v11 =	vadd.f32 v13, v11  }
0x180: {  	[tilespmem:s14+$0xFFFFFF70] =	vst v21;
	v51 =	vor.u32 v1, v24;
	v17 =	vld.idx.msk [tilespmem:v40+s2+$0x0], $0xffff;
	v50 =	vadd.f32 v15, v10  }
0x181: {  	v20 =	vld.idx.msk [tilespmem:v20+s2+$0x0], $0xffff;
	v52 =	vadd.s32 s10, v8;
	v12 =	vadd.f32 v41, v10;
	[tilespmem:s8+$0xFFFFFF50] =	vst v11  }
0x182: {  	v53 =	vadd.s32 s9, v8;
	[tilespmem:s8+$0xE0] =	vst v50;
	v11 =	vadd.f32 v43, v10;
	v18 =	vld.idx.msk [tilespmem:v45+s2+$0x0], $0xffff  }
0x183: {  	v55 =	vadd.s32 s17, v8;
	v54 =	vadd.f32 v46, v10;
	[tilespmem:s8+$0x160] =	vst v12;
	v19 =	vld.idx.msk [tilespmem:v47+s2+$0x0], $0xffff  }
0x184: {  	v57 =	vadd.s32 s20, v8;
	v56 =	vld.idx.msk [tilespmem:v49+s2+$0x0], $0xffff;
	[tilespmem:s8+$0xFFFFFE60] =	vst v11;
	v11 =	vadd.f32 v14, v10  }
0x185: {  	v60 =	vadd.s32 s19, v8;
	[tilespmem:s8+$0x1E0] =	vst v54;
	v59 =	vadd.f32 v17, v10;
	v58 =	vld.idx.msk [tilespmem:v51+s2+$0x0], $0xffff  }
0x186: {  	v20 =	vadd.f32 v20, v10;
	[tilespmem:s8+$0x60] =	vst v11;
	v11 =	vld.idx.msk [tilespmem:v52+s2+$0x0], $0xffff  }
0x187: {  	[tilespmem:s8+$0xFFFFFEE0] =	vst v59;
	v13 =	vld.idx.msk [tilespmem:v53+s2+$0x0], $0xffff;
	v10 =	vadd.f32 v18, v10  }
0x188: {  	[tilespmem:s8+$0xFFFFFFE0] =	vst v20;
	v62 =	vld.idx.msk [tilespmem:v55+s2+$0x0], $0xffff;
	v61 =	vadd.f32 v19, v9  }
0x189: {  	v16 =	vld.idx.msk [tilespmem:v57+s2+$0x0], $0xffff;
	v14 =	vadd.f32 v56, v9;
	[tilespmem:s8+$0xFFFFFF60] =	vst v10  }
0x18a: {  	[tilespmem:s8+$0xF0] =	vst v61;
	v10 =	vadd.f32 v58, v9;
	v63 =	vld.idx.msk [tilespmem:v60+s2+$0x0], $0xffff  }
0x18b: {  	[tilespmem:s8+$0x170] =	vst v14;
	v11 =	vadd.f32 v11, v9  }
0x18c: {  	[tilespmem:s8+$0xFFFFFE70] =	vst v10;
	v10 =	vadd.f32 v13, v9  }
0x18d: {  	p0 =	sne.s32 s30, $0x320;
	[tilespmem:s8+$0x1F0] =	vst v11;
	v11 =	vadd.f32 v62, v9  }
.Ltmp2:
0x18e: {  	s26 =	sshll.u32 s31, $0xE;
	[tilespmem:s8+$0x70] =	vst v10;
	v10 =	vadd.f32 v16, v9;
	(pc) =	sbr.rel @p0 .LBB2_2-.Ltmp2, $4  }
0x18f: {  	s4 =	sor.u32 s6, s0;
	s2 =	sand.u32 $0xFF0000, s26;
	[tilespmem:s8+$0xFFFFFEF0] =	vst v11;
	v9 =	vadd.f32 v63, v9  }
0x190: {  	s28 =	sadd.s32 $0x9, s0;
	s4 =	sshll.u32 s4, $0x7;
	s2 =	sadd.s32 s3, s2;
	[tilespmem:s8+$0xFFFFFFF0] =	vst v10  }
0x191: {  	s29 =	sadd.s32 $0x1, s29;
	s31 =	smov.u32 s30;
	s2 =	sadd.s32 s4, s2;
	[tilespmem:s8+$0xFFFFFF70] =	vst v9  }
0x192: {  	[hbm4b:s2+s16] =	stream.strided.scatter [tilespmem:s15], [sflag:s28], $0x1000, s22, s16, $0x38;
	[tilespmem:$0xCA00] =	vst v63  }
0x193: {  	s0 =	simm.s32 $0x9  }
0x194: {  	_ =	swait.ge [sflag:s0], $0x1000  }
0x195: {  	[sflag:s0] =	ssyncset.done $0x0  }
0x196: {  	s29 =	simm.s32 $0xA;
	[sflag:s0] =	ssyncadd.s32 $0xFFFFF000  }
0x197: {  	_ =	swait.ge [sflag:s29], $0x1000  }
0x198: {  	[sflag:s29] =	ssyncset.done $0x0  }
0x199: {  	s30 =	simm.s32 $0xB;
	[sflag:s29] =	ssyncadd.s32 $0xFFFFF000  }
0x19a: {  	_ =	swait.ge [sflag:s30], $0x1000  }
0x19b: {  	[sflag:s30] =	ssyncset.done $0x0  }
0x19c: {  	s2 =	simm.s32 $0xC;
	[sflag:s30] =	ssyncadd.s32 $0xFFFFF000  }
0x19d: {  	_ =	swait.ge [sflag:s2], $0x1000  }
0x19e: {  	s4 =	rddreg [dreg:$0xa]  }
0x19f: {  	s31 =	rddreg [dreg:$0x9];
	s4 =	sadd.s32 $0x1, s4  }
0x1a0: {  	p0 =	sne.s32 s4, s31  }
.Ltmp3:
0x1a1: {  	_ = 	snop;
	(pc) =	sbr.rel @p0 .LBB2_1-.Ltmp3, $3  }
0x1a2: {  	_ =	sdelay $0x1  }
0x1a3: {  	[sflag:s2] =	ssyncset.done $0x0  }
0x1a4: {  	[sflag:s2] =	ssyncadd.s32 $0xFFFFF000  }
0x1a5: {  	_ =	sfence.sel $0x180000  }
0x1a6: {  	[bflag:$0x0] =	sbarrier.arrive $0xFFFF  }
0x1a7: {  	_ =	strace $0x9000004D  }
0x1a8: {  	s0 =	stileid.u32;
	[bflag:$0x2] =	sbarrier.arrive $0xFFFF  }
0x1a9: {  	p0 =	sne.s32 s0, $0x0;
	s0 =	rddreg [dreg:$0x3]  }
0x1aa: {  	s0 =	sadd.s32 @!p0 $0x100000, s0  }
0x1ab: {  	[sflag:s0] =	ssyncadd.tile.s32 @!p0 $0x1;
	_ =	shalt  }
.Lfunc_end2:
_tile_overlayer_lowered:
.L_overlay_start_2:
0x1ac: {  	(tag) =	ssettag $0x2  }
0x1ad: {  	s0 =	rddreg [dreg:$0x0];
	s2 =	stileid.u32  }
0x1ae: {  	s1 =	rddreg [dreg:$0x1];
	p0 =	sne.s32 s2, $0x0  }
0x1af: {  	s3 =	rddreg [dreg:$0x2];
	[bflag:$0x3] =	sbarrier.arrive $0xFFFF;
	s2 =	simm.s32 @!p0 $0x1C0D  }
0x1b0: {  	[timem:s3], [sflag:s2] =	dma.local @!p0 [hbm:s0], s1  }
0x1b1: {  	s0 =	simm.s32 @!p0 $0xD  }
0x1b2: {  	_ =	swait.ge @!p0 [sflag:s0], s1  }
0x1b3: {  	s1 =	ssub.s32 @!p0 $0x0, s1;
	[sflag:s0] =	ssyncset.done @!p0 $0x0  }
0x1b4: {  	[sflag:s0] =	ssyncadd.s32 @!p0 s1  }
0x1b5: {  	[bflag:$0x3] =	sbarrier.arrive $0xFFFF  }
0x1b6: {  	_ =	shalt  }

// kernel: sparse-core-data-format-call.cloned.1.call-start
scs
called_computation_lowered:
.L_overlay_start_0:
0x0: {  	s2 =	sld [smem:$0x3FD9]  }
0x1: {  	s3 =	sld [smem:$0x3FFE];
	_ =	sdelay $0x1  }
0x2: {  	s1 =	srdreg.scid  }
0x3: {  	s0 =	sand.u32 $0x1, s1  }
0x4: {  	s18 =	sshll.u32 s0, $0xA;
	s2 =	sadd.s32 s3, s2  }
0x5: {  	s2 =	sadd.s32 s2, s18  }
0x6: {  	[smem:$0x3FC6] =	sst s2  }
0x7: {  	_ = 	snop  }
0x8: {  	s2 =	sld [smem:$0x3FC8];
	(tm) =	ssettm $0x1  }
0x9: {  	s19 =	sld [smem:$0x3FFB];
	_ =	sdelay $0x3  }
0xa: {  	_ =	strace s19  }
0xb: {  	s3 =	sld [smem:$0x3FFC];
	_ =	sdelay $0x3  }
0xc: {  	_ =	strace s3  }
0xd: {  	s3 =	sld [smem:$0x3FFD];
	_ =	sdelay $0x3  }
0xe: {  	_ =	strace s3  }
0xf: {  	_ =	strace $0x8FFFFFFF  }
0x10: {  	s20 =	sld [smem:$0x3FDB];
	_ =	sdelay $0x1  }
0x11: {  	s4 =	simm.s32 $_scs_section_size  }
0x12: {  	s5 =	simm.s32 $_size__tile_overlayer_lowered;
	s6 =	simm.s32 $_tile_overlayer_lowered  }
0x13: {  	s23 =	simm.s32 $0x1BFF;
	s22 =	sshll.u32 s6, $0x1;
	s3 =	sadd.s32 s4, s20  }
0x14: {  	s7 =	simm.s32 $0x0;
	s21 =	sshll.u32 s5, $0x1;
	s5 =	sadd.s32 s22, s3  }
0x15: {  	[timem:s7], [sflag:s23] =	dma.local [hbm:s5], s21  }
0x16: {  	_ =	swait.ge [sflag:s23], s21  }
0x17: {  	s4 =	ssub.s32 $0x0, s21;
	[sflag:s23] =	ssyncset.done $0x0  }
0x18: {  	[sflag:s23] =	ssyncadd.s32 s4;
	_ =	sdelay $0x1  }
0x19: {  	s24 =	simm.s32 $0x1B8B  }
0x1a: {  	_ =	swait.ge [sflag:s24], $0x1  }
0x1b: {  	[sflag:s24] =	ssyncset.done $0x0  }
0x1c: {  	s26 =	simm.s32 $0x1B8E;
	s25 =	sld [smem:$0x3FFE];
	[sflag:s24] =	ssyncadd.s32 $0xFFFFFFFF  }
0x1d: {  	s27 =	simm.s32 $execute0_lowered;
	[smem:$0x3FD2] =	sst s26  }
0x1e: {  	s5 =	sshll.u32 s27, $0x1;
	_ =	strace $0x80000046;
	[dreg:$0x1] =	wrdreg $0xFFFFFFFF  }
0x1f: {  	s28 =	simm.s32 $_size_execute0_lowered;
	s3 =	sadd.s32 s3, s5;
	[dreg:$0x0] =	wrdreg $0x0  }
0x20: {  	s5 =	sshll.u32 s28, $0x1;
	[dreg:$0x2] =	wrdreg s3  }
0x21: {  	[dreg:$0x3] =	wrdreg s5  }
0x22: {  	[dreg:$0x4] =	wrdreg $0xC0  }
0x23: {  	_ =	task [dreg:s7], $0x5FFFF  }
0x24: {  	[dreg:$0x1] =	wrdreg $0xFFFFFFFF  }
0x25: {  	[dreg:$0x0] =	wrdreg $0x60  }
0x26: {  	[dreg:$0x2] =	wrdreg s2  }
0x27: {  	[dreg:$0x3] =	wrdreg s25  }
0x28: {  	[dreg:$0x4] =	wrdreg $0x9  }
0x29: {  	_ =	task.clear_ibuf [dreg:s7], $0x5FFFF;
	_ =	strace $0x90000046  }
0x2a: {  	s29 =	simm.s32 $0x9;
	_ =	strace $0x80000048  }
0x2b: {  	_ =	swait.ge [sflag:s29], $0x1  }
0x2c: {  	[sflag:s29] =	ssyncadd.s32 $0xFFFFFFFF  }
0x2d: {  	_ =	strace $0x90000048  }
0x2e: {  	_ =	sfence  }
0x2f: {  	s30 =	sld [smem:$0x0];
	_ =	sdelay $0x2  }
0x30: {  	s31 =	sshll.u32 s1, $0xD;
	s1 =	sshrl.u32 s1, $0x2  }
0x31: {  	s3 =	sand.u32 $0x4000, s31;
	s1 =	sadd.s32 s1, s30  }
0x32: {  	s0 =	sor.u32 s3, s0;
	s1 =	sshll.u32 s1, $0x11  }
0x33: {  	s0 =	sor.u32 s1, s0  }
0x34: {  	s0 =	sadd.s32 $0x8F2B, s0  }
0x35: {  	[sflag:s0] =	ssyncadd.remote.s32 $0x1  }
0x36: {  	_ =	sfence.sel $0xFFFF  }
0x37: {  	[dreg:$0x0] =	wrdreg $0xFFFFFFFF;
	(pc) =	sbr.abs _section_cstart, $3  }
0x38: {  	[dreg:$0x1] =	wrdreg $0xFFFFFFFF  }
0x39: {  	_ =	task.clear_ibuf [dreg:s7], $0x2FFFF;
	_ =	strace $0x9FFFFFFF  }
0x3a: {  	(tm) =	ssettm $0x7FFFFFFF  }
0x3b: {  	_ =	shalt  }
tec
execute0_lowered:
.L_overlay_start_1:
0x0: {  	(tag) =	ssettag $0x1  }
0x1: {  	s0 =	srdreg.scid;
	s2 =	rddreg [dreg:$0x0]  }
0x2: {  	s5 =	rddreg [dreg:$0x1];
	s1 =	stileid.u32  }
0x3: {  	s4 =	simm.s32 $0x1;
	s6 =	simm.s32 $0x2;
	s15 =	simm.s32 $0x0  }
0x4: {  	p0 =	por $0x0, $0x0;
	s8 =	simm.s32 $0x80;
	s0 =	sshll.u32 s0, $0x4  }
0x5: {  	s14 =	simm.s32 $0x0;
	s9 =	simm.s32 $0x0;
	s3 =	sand.u32 $0x10, s0  }
.Ltmp0:
0x6: {  	s10 =	simm.s32 $0x0;
	s3 =	sor.u32 s1, s3;
	(pc) =	sbr.rel .LBB1_1-.Ltmp0, $4  }
0x7: {  	s0 =	rddreg [dreg:$0x2];
	_ =	strace $0x80000047;
	s3 =	sshll.u32 s3, $0x7  }
0x8: {  	s12 =	simm.s32 $0x0;
	[sflag:s4] =	ssyncpa.u1 $0x0;
	s7 =	ssub.s32 $0xF4200, s3  }
0x9: {  	s13 =	simm.s32 $0x0;
	[sflag:s6] =	ssyncpa.u1 $0x0;
	s6 =	sshrl.u32 s7, $0xC  }
0xa: {  	s5 =	sadd.s32 $0xC00, s5;
	s11 =	smov.u32 s3;
	s7 =	sadd.s32 $0x2, s6  }
.LBB1_5:
0xb: {  	p1 =	slt.u32 s13, $0x2  }
0xc: {  	s17 =	smov.u32 s15;
	p2 =	sgt.s32 @!p1 s15, $0xF41C0;
	s16 =	sshra.s32 @!p1 s15, $0x1F  }
0xd: {  	p3 =	sgt.s32 @!p1 s14, $0x60;
	s18 =	sshra.s32 @!p1 s14, $0x1F;
	p2 =	por !p2, p1  }
0xe: {  	s15 =	sand.u32 @!p1 s16, s15;
	p3 =	por !p3, p1;
	s16 =	smov.u32 s14  }
0xf: {  	s14 =	sand.u32 @!p1 s18, s14;
	s17 =	simm.s32 @p2 $0xF41C0;
	s16 =	simm.s32 @p3 $0x60  }
0x10: {  	s15 =	ssub.s32 @!p1 s17, s15;
	s14 =	ssub.s32 @!p1 s16, s14  }
0x11: {  	s18 =	smov.u32 s12;
	s16 =	sadd.s32 @!p1 $0xFFF0BE40, s15;
	s17 =	sadd.s32 @!p1 $0xFFFFFFA0, s14  }
0x12: {  	s15 =	ssub.s32 @!p1 $0xF4240, s15;
	p2 =	sgt.s32 @!p1 s16, $0x7F;
	p3 =	sgt.s32 @!p1 s17, $0x1F  }
0x13: {  	s14 =	ssub.s32 @!p1 $0x80, s14;
	p2 =	por !p2, p1;
	p3 =	por !p3, p1  }
0x14: {  	s16 =	sadd.s32 $0x1000, s11;
	s15 =	simm.s32 @!p2 $0x0;
	s14 =	simm.s32 @!p3 $0x0  }
0x15: {  	p2 =	sgt.s32 s16, $0xF423F;
	s14 =	smul.u32 @!p1 s14, s15;
	s15 =	sadd.s32 $0x20, s12  }
0x16: {  	s18 =	smov.u32 @p2 s15  }
0x17: {  	s16 =	smov.u32 @p2 s3;
	p2 =	sgt.s32 s18, $0x1F  }
0x18: {  	s18 =	simm.s32 @p2 $0x0;
	p2 =	sne.s32 s13, s7  }
.Ltmp1:
0x19: {  	p0 =	por !p0, !p0;
	s17 =	simm.s32 @!p1 $0x2;
	(pc) =	sbr.rel @!p2 .LBB1_6-.Ltmp1, $4  }
0x1a: {  	s15 =	smov.u32 s9;
	s9 =	smov.u32 s11;
	s14 =	sand.u32 @!p1 $0x3FFFFFFF, s14  }
0x1b: {  	s11 =	smov.u32 s16;
	_ =	swait.ge @!p1 [sflag:s17], s14;
	s19 =	ssub.s32 @!p1 $0x0, s14  }
0x1c: {  	s14 =	smov.u32 s10;
	s13 =	sadd.s32 $0x1, s13;
	[sflag:s17] =	ssyncset.done @!p1 $0x0  }
0x1d: {  	s10 =	smov.u32 s12;
	s12 =	smov.u32 s18;
	[sflag:s17] =	ssyncadd.s32 @!p1 s19  }
.LBB1_1:
0x1e: {  	p1 =	sgt.u32 s13, s6  }
0x1f: {  	s16 =	sshrl.u32 @!p1 s12, $0x3  }
0x20: {  	s17 =	sshll.u32 @!p1 s11, $0x3;
	s16 =	smul.u32 @!p1 $0x7A1400, s16  }
0x21: {  	s18 =	sshll.u32 @!p1 s12, $0x7;
	s17 =	sand.u32 @!p1 $0xFFFFFC00, s17  }
0x22: {  	s16 =	sadd.s32 @!p1 s16, s17;
	s17 =	sand.u32 @!p1 $0x380, s18  }
0x23: {  	s18 =	sand.u32 @!p1 $0x7F, s11;
	s16 =	sor.u32 @!p1 s17, s16  }
0x24: {  	s17 =	sor.u32 @!p1 s18, s16  }
0x25: {  	s18 =	smulhi.u32 @!p1 $0x218D6287, s17;
	_ =	sdelay $0x1  }
0x26: {  	s16 =	smulhi.u32 @!p1 $0x218D6287, s16;
	s18 =	sshrl.u32 @!p1 s18, $0x11  }
0x27: {  	s18 =	smul.u32 @!p1 $0xF4280, s18  }
0x28: {  	s19 =	sxor.u32 @!p1 $0xFFFFFFFF, s13;
	s16 =	sshrl.u32 @!p1 s16, $0x11  }
0x29: {  	s19 =	sshll.u32 @!p1 s19, $0xC;
	s16 =	sand.u32 @!p1 $0x1F, s16;
	s17 =	ssub.s32 @!p1 s17, s18  }
0x2a: {  	s16 =	smul.u32 @!p1 $0x1E850, s16;
	s18 =	sshrl.u32 @!p1 s17, $0x3;
	s17 =	sand.u32 @!p1 $0x7, s17  }
0x2b: {  	s19 =	sand.u32 @!p1 $0x1000, s19;
	s18 =	sadd.s32 @!p1 s2, s18;
	s17 =	sshll.u32 @!p1 s17, $0x12  }
0x2c: {  	s16 =	sadd.s32 @!p1 s16, s18;
	s17 =	sor.u32 @!p1 $0x400, s17;
	s18 =	simm.s32 @!p1 $0x7A1400  }
0x2d: {  	[tilespmem:s19], [sflag:$0x1] =	stream.strided.gather @!p1 [hbm4b:s16+s17], $0x1000, s18, s17, $0x38;
	[tilespmem:$0x4100] =	vst v63  }
0x2e: {  	p1 =	seq.s32 s13, $0x0  }
0x2f: {  	p2 =	sge.u32 @!p1 s13, s7  }
0x30: {  	p1 =	por p1, p2  }
.Ltmp2:
0x31: {  	_ = 	snop;
	(pc) =	sbr.rel @p1 .LBB1_5-.Ltmp2, $1  }
0x32: {  	_ =	sdelay $0x3  }
0x33: {  	s16 =	simm.s32 $0x1  }
0x34: {  	_ =	swait.ge [sflag:s4], $0x1000;
	s16 =	simm.s32 @!p0 $0x0  }
0x35: {  	[sflag:s4] =	ssyncset.done $0x0;
	s17 =	sshll.u32 s16, $0xC  }
0x36: {  	[sflag:s4] =	ssyncadd.s32 $0xFFFFF000;
	s17 =	sor.u32 $0x40, s17  }
0x37: {  	s16 =	smul.u32 $0x4200, s16;
	v0 =	vld [tilespmem:s17+$0x30]  }
0x38: {  	v1 =	vld [tilespmem:s17+$0xFFFFFFD0]  }
0x39: {  	s16 =	sshrl.u32 s16, $0x2;
	v5 =	vld [tilespmem:s17+$0xFFFFFFE0]  }
0x3a: {  	v6 =	vld [tilespmem:s17+$0xFFFFFFF0];
	s19 =	sor.u32 $0x2000, s16  }
0x3b: {  	s31 =	sand.u32 $0x1, s13;
	v4 =	vld [tilespmem:s17+$0x0];
	s18 =	sadd.s32 $0x0, s19  }
0x3c: {  	v3 =	vld [tilespmem:s17+$0x10];
	s16 =	smul.u32 $0x4200, s31;
	[tilespmem:s18+$0xE70 ss:$0x21] =	vst.msk $0xffff, v0  }
0x3d: {  	v2 =	vld [tilespmem:s17+$0x20];
	[tilespmem:s18+$0x210 ss:$0x21] =	vst.msk $0xffff, v1  }
0x3e: {  	s16 =	sshrl.u32 s16, $0x2;
	v1 =	vld [tilespmem:s17+$0xFFFFFFC0];
	[tilespmem:s18+$0x420 ss:$0x21] =	vst.msk $0xffff, v5;
	s17 =	sadd.s32 $0x80, s17  }
0x3f: {  	s20 =	simm.s32 $0x4;
	s21 =	simm.s32 $0x8;
	s16 =	sor.u32 $0x2000, s16;
	[tilespmem:s18+$0x630 ss:$0x21] =	vst.msk $0xffff, v6;
	v0 =	vld [tilespmem:s17+$0x30]  }
.LBB1_3:
0x40: {  	p1 =	sne.s32 s21, $0x7C;
	v5 =	vld [tilespmem:s17+$0xFFFFFFD0];
	[tilespmem:s18+$0x840 ss:$0x21] =	vst.msk $0xffff, v4  }
0x41: {  	v6 =	vld [tilespmem:s17+$0xFFFFFFE0];
	[tilespmem:s18+$0xA50 ss:$0x21] =	vst.msk $0xffff, v3  }
0x42: {  	s22 =	sshra.s32 s20, $0x2;
	s20 =	smov.u32 s21;
	v7 =	vld [tilespmem:s17+$0xFFFFFFF0];
	[tilespmem:s18+$0xC60 ss:$0x21] =	vst.msk $0xffff, v2  }
.Ltmp3:
0x43: {  	v4 =	vld [tilespmem:s17+$0x0];
	[tilespmem:s18+$0x0 ss:$0x21] =	vst.msk $0xffff, v1;
	s18 =	sadd.s32 s22, s19;
	(pc) =	sbr.rel @p1 .LBB1_3-.Ltmp3, $4  }
0x44: {  	v3 =	vld [tilespmem:s17+$0x10];
	[tilespmem:s18+$0xE70 ss:$0x21] =	vst.msk $0xffff, v0  }
0x45: {  	[tilespmem:s18+$0x210 ss:$0x21] =	vst.msk $0xffff, v5;
	v2 =	vld [tilespmem:s17+$0x20]  }
0x46: {  	v1 =	vld [tilespmem:s17+$0xFFFFFFC0];
	[tilespmem:s18+$0x420 ss:$0x21] =	vst.msk $0xffff, v6;
	s17 =	sadd.s32 $0x80, s17  }
0x47: {  	s21 =	sadd.s32 $0x4, s21;
	v0 =	vld [tilespmem:s17+$0x30];
	[tilespmem:s18+$0x630 ss:$0x21] =	vst.msk $0xffff, v7  }
0x48: {  	s21 =	sshll.u32 s9, $0x7;
	s22 =	sshll.u32 s10, $0x3;
	s20 =	sshra.s32 s20, $0x2  }
0x49: {  	p1 =	sgt.s32 s9, $0xF41C0;
	s30 =	sshra.s32 s9, $0x1F;
	s25 =	sshra.s32 s10, $0x1F  }
0x4a: {  	v5 =	vld [tilespmem:s17+$0xFFFFFFD0];
	s28 =	sshrl.u32 s10, $0x3;
	s23 =	sand.u32 $0xFFFFFC00, s21;
	s22 =	sand.u32 $0xFFFFFC00, s22  }
0x4b: {  	[tilespmem:s18+$0x840 ss:$0x21] =	vst.msk $0xffff, v4;
	v58 =	vld [tilespmem:s17+$0xFFFFFFE0];
	s21 =	sand.u32 $0x380, s21;
	s19 =	sadd.s32 s20, s19;
	s22 =	sadd.s32 s22, s23  }
0x4c: {  	v59 =	vld [tilespmem:s17+$0xFFFFFFF0];
	[tilespmem:s18+$0xA50 ss:$0x21] =	vst.msk $0xffff, v3;
	s29 =	sor.u32 s21, s22;
	s21 =	smov.u32 s9;
	s22 =	sand.u32 s30, s9  }
0x4d: {  	v60 =	vld [tilespmem:s17+$0x0];
	[tilespmem:s18+$0xC60 ss:$0x21] =	vst.msk $0xffff, v2;
	s30 =	sand.u32 $0x7, s10;
	s20 =	sshrl.u32 s29, $0x7;
	s21 =	simm.s32 @!p1 $0xF41C0  }
0x4e: {  	v61 =	vld [tilespmem:s17+$0x10];
	[tilespmem:s18+$0x0 ss:$0x21] =	vst.msk $0xffff, v1;
	p1 =	sgt.s32 s10, $0x60;
	s24 =	ssub.s32 s21, s22;
	s21 =	smov.u32 s10  }
0x4f: {  	v62 =	vld [tilespmem:s17+$0x20];
	[tilespmem:s19+$0xE70 ss:$0x21] =	vst.msk $0xffff, v0;
	s31 =	smulhi.u32 $0x218DEF5, s20;
	s22 =	sand.u32 s25, s10;
	s21 =	simm.s32 @!p1 $0x60  }
0x50: {  	v63 =	vld [tilespmem:s17+$0xFFFFFFC0];
	[tilespmem:s19+$0x210 ss:$0x21] =	vst.msk $0xffff, v5;
	s26 =	sadd.s32 $0xFFF0BE40, s24;
	s17 =	ssub.s32 $0xF4240, s24;
	s21 =	ssub.s32 s21, s22  }
0x51: {  	[tilespmem:s19+$0x420 ss:$0x21] =	vst.msk $0xffff, v58;
	s23 =	sshrl.u32 s31, $0xD;
	p1 =	sgt.s32 s26, $0x7F;
	s27 =	sadd.s32 $0xFFFFFFA0, s21  }
0x52: {  	[tilespmem:s19+$0x630 ss:$0x21] =	vst.msk $0xffff, v59;
	s23 =	smul.u32 $0xF4240, s23;
	s18 =	ssub.s32 $0x80, s21;
	p2 =	sgt.s32 s27, $0x1F  }
.Ltmp4:
0x53: {  	[tilespmem:s19+$0x840 ss:$0x21] =	vst.msk $0xffff, v60;
	s17 =	simm.s32 @p1 $0x0;
	s18 =	simm.s32 @p2 $0x0;
	(pc) =	sbr.rel .LBB1_5-.Ltmp4, $4  }
0x54: {  	s29 =	sand.u32 $0xF, s28;
	[tilespmem:s19+$0xA50 ss:$0x21] =	vst.msk $0xffff, v61;
	s20 =	ssub.s32 s20, s23;
	s17 =	smul.u32 s18, s17  }
0x55: {  	[tilespmem:s19+$0xC60 ss:$0x21] =	vst.msk $0xffff, v62;
	s21 =	sshll.u32 s30, $0x12;
	s20 =	sshll.u32 s20, $0x4;
	s18 =	sadd.s32 s5, s29  }
0x56: {  	[tilespmem:s19+$0x0 ss:$0x21] =	vst.msk $0xffff, v63;
	s31 =	sor.u32 $0x20, s21;
	s18 =	sadd.s32 s20, s18;
	s17 =	sand.u32 $0x3FFFFFFF, s17  }
0x57: {  	[hbm4b:s18+s31] =	stream.strided.scatter [tilespmem:s16], [sflag:$0x2], s17, s8, s31, $0x10;
	[tilespmem:$0x4100] =	vst v63  }
.LBB1_6:
0x58: {  	_ =	sfence.sel $0x180000  }
0x59: {  	s2 =	simm.s32 $0x1;
	[bflag:$0x0] =	sbarrier.arrive $0xFFFF  }
0x5a: {  	s31 =	simm.s32 $0x2;
	[sflag:s2] =	ssyncpa.u1 $0x1  }
0x5b: {  	[sflag:s31] =	ssyncpa.u1 $0x1  }
0x5c: {  	p0 =	sne.s32 s1, $0x0;
	_ =	strace $0x90000047  }
0x5d: {  	s0 =	sadd.s32 @!p0 $0x100000, s0;
	[bflag:$0x2] =	sbarrier.arrive $0xFFFF  }
0x5e: {  	[sflag:s0] =	ssyncadd.tile.s32 @!p0 $0x1;
	_ =	shalt  }
.Lfunc_end1:
_tile_overlayer_lowered:
.L_overlay_start_2:
0x5f: {  	(tag) =	ssettag $0x2  }
0x60: {  	s0 =	rddreg [dreg:$0x0];
	s2 =	stileid.u32  }
0x61: {  	s1 =	rddreg [dreg:$0x1];
	p0 =	sne.s32 s2, $0x0  }
0x62: {  	s3 =	rddreg [dreg:$0x2];
	[bflag:$0x3] =	sbarrier.arrive $0xFFFF;
	s2 =	simm.s32 @!p0 $0x1C01  }
0x63: {  	[timem:s3], [sflag:s2] =	dma.local @!p0 [hbm:s0], s1  }
0x64: {  	s0 =	simm.s32 @!p0 $0x1  }
0x65: {  	_ =	swait.ge @!p0 [sflag:s0], s1  }
0x66: {  	s1 =	ssub.s32 @!p0 $0x0, s1;
	[sflag:s0] =	ssyncset.done @!p0 $0x0  }
0x67: {  	[sflag:s0] =	ssyncadd.s32 @!p0 s1  }
0x68: {  	[bflag:$0x3] =	sbarrier.arrive $0xFFFF  }
0x69: {  	_ =	shalt  }

</sc_bundles>
